<compile_context>
chip_gen: v7x
topology: tpu7x:2x2x1
jax: 0.10.2.dev20260603
libtpu: 0.0.44.dev20260713+nightly
codegen_flags: <defaults>
</compile_context>

<pallas_src>
import functools

import jax
import jax.numpy as jnp
from jax import lax
from jax.experimental import pallas as pl
from jax.experimental.pallas import tpu as pltpu
from jax.experimental.pallas import tpu_sc as plsc

N = 10000
E = 320000
D = 128
NP = 10240
NC, NS = 2, 16
NW = NC * NS
K = 128
CPW = 80
PH = 5
PC = CPW // PH
RPT = NP // NS

_mesh = plsc.VectorSubcoreMesh(
    core_axis_name="c", subcore_axis_name="s", num_cores=NC, num_subcores=NS)


@functools.partial(
    pl.kernel,
    out_type=jax.ShapeDtypeStruct((NC, NP), jnp.float32),
    mesh=_mesh,
    scratch_types=[
        pltpu.VMEM((CPW, K), jnp.int32),
        pltpu.VMEM((K,), jnp.float32),
        pltpu.VMEM((RPT,), jnp.float32),
        pltpu.VMEM_SHARED((NP,), jnp.float32),
    ],
)
def _deg_kernel(ei_hbm, out_hbm, idx_v, ones_v, zb_v, deg_sh):
    c = lax.axis_index("c")
    s = lax.axis_index("s")
    wid = s * NC + c
    pltpu.sync_copy(ei_hbm.at[1, pl.ds(wid * CPW, CPW)], idx_v)
    for k in range(K // 16):
        ones_v[pl.ds(k * 16, 16)] = jnp.ones((16,), jnp.float32)

    @pl.loop(0, RPT // 16)
    def _zero(i):
        zb_v[pl.ds(i * 16, 16)] = jnp.zeros((16,), jnp.float32)

    pltpu.sync_copy(zb_v, deg_sh.at[pl.ds(s * RPT, RPT)])
    plsc.subcore_barrier()

    @pl.loop(0, CPW)
    def _hist(j):
        pltpu.sync_copy(ones_v, deg_sh.at[idx_v.at[j]], add=True)

    plsc.subcore_barrier()
    pltpu.sync_copy(deg_sh.at[pl.ds(s * RPT, RPT)],
                    out_hbm.at[c, pl.ds(s * RPT, RPT)])


@functools.partial(
    pl.kernel,
    out_type=jax.ShapeDtypeStruct((NC, NP, D), jnp.float32),
    mesh=_mesh,
    scratch_types=[
        pltpu.VMEM((PC, K), jnp.int32),
        pltpu.VMEM((PC, K), jnp.int32),
        pltpu.VMEM((PC, K), jnp.int32),
        pltpu.VMEM((PC, K), jnp.int32),
        pltpu.VMEM((K, D), jnp.float32),
        pltpu.VMEM((K, D), jnp.float32),
        pltpu.VMEM_SHARED((NP, D), jnp.float32),
        pltpu.SemaphoreType.DMA,
        pltpu.SemaphoreType.DMA,
        pltpu.SemaphoreType.DMA,
    ],
)
def _edge_kernel(y_hbm, ei_hbm, out_hbm,
                 siA_v, diA_v, siB_v, diB_v, rows0_v, rows1_v, acc_sh,
                 sem0, sem1, semi):
    c = lax.axis_index("c")
    s = lax.axis_index("s")
    wid = s * NC + c

    def _gather(si, j, buf, sem):
        pltpu.async_copy(y_hbm.at[si.at[j]], buf, sem)

    def _drain_scatter(si, di, j, buf, sem):
        pltpu.make_async_copy(y_hbm.at[si.at[j]], buf, sem).wait()
        pltpu.sync_copy(buf, acc_sh.at[di.at[j]], add=True)

    def _idx_load(p, si, di, sem):
        off = wid * CPW + p * PC
        pltpu.async_copy(ei_hbm.at[0, pl.ds(off, PC)], si, sem)
        pltpu.async_copy(ei_hbm.at[1, pl.ds(off, PC)], di, sem)

    def _idx_wait(p, si, di, sem):
        off = wid * CPW + p * PC
        pltpu.make_async_copy(ei_hbm.at[0, pl.ds(off, PC)], si, sem).wait()
        pltpu.make_async_copy(ei_hbm.at[1, pl.ds(off, PC)], di, sem).wait()

    sets = [(siA_v, diA_v), (siB_v, diB_v)]
    _idx_load(0, *sets[0], semi)

    @pl.loop(0, K)
    def _zero(r):
        for l in range(D // 16):
            rows0_v[r, pl.ds(l * 16, 16)] = jnp.zeros((16,), jnp.float32)

    for t in range(RPT // K):
        pltpu.async_copy(rows0_v, acc_sh.at[pl.ds(s * RPT + t * K, K)], sem0)
    for t in range(RPT // K):
        pltpu.make_async_copy(rows0_v, acc_sh.at[pl.ds(s * RPT + t * K, K)],
                              sem0).wait()
    plsc.subcore_barrier()

    _idx_wait(0, *sets[0], semi)
    if PH > 1:
        _idx_load(1, *sets[1], semi)
    _gather(sets[0][0], 0, rows0_v, sem0)

    for p in range(PH):
        si, di = sets[p % 2]

        @pl.loop(0, (PC - 2) // 2)
        def _edges(i):
            a = 2 * i
            _gather(si, a + 1, rows1_v, sem1)
            _drain_scatter(si, di, a, rows0_v, sem0)
            _gather(si, a + 2, rows0_v, sem0)
            _drain_scatter(si, di, a + 1, rows1_v, sem1)

        _gather(si, PC - 1, rows1_v, sem1)
        _drain_scatter(si, di, PC - 2, rows0_v, sem0)
        if p + 1 < PH:
            nsi, ndi = sets[(p + 1) % 2]
            _idx_wait(p + 1, nsi, ndi, semi)
            _gather(nsi, 0, rows0_v, sem0)
            _drain_scatter(si, di, PC - 1, rows1_v, sem1)
            if p + 2 < PH:
                _idx_load(p + 2, si, di, semi)
        else:
            _drain_scatter(si, di, PC - 1, rows1_v, sem1)

    plsc.subcore_barrier()
    pltpu.sync_copy(acc_sh.at[pl.ds(s * RPT, RPT)],
                    out_hbm.at[c, pl.ds(s * RPT, RPT)])


def _dis_column(degr_ref):
    deg = degr_ref[0] + degr_ref[1] + 1.0
    return jnp.reshape(lax.rsqrt(deg), (NP, 1))[:N]


def _mm_body(x_ref, w_ref, degr_ref, y_ref):
    y_ref[...] = jnp.dot(x_ref[...] * _dis_column(degr_ref), w_ref[...],
                         preferred_element_type=jnp.float32)


def _comb_body(acc_ref, y_ref, degr_ref, b_ref, o_ref):
    o_ref[...] = _dis_column(degr_ref) * (
        acc_ref[0, :N] + acc_ref[1, :N] + y_ref[...]) + b_ref[...]


EROWS = E // K
PROWS = NW * CPW - EROWS


def kernel(x, edge_index, W, b):
    ei3 = edge_index.reshape(2, EROWS, K)
    ar = jnp.arange(PROWS * K, dtype=jnp.int32).reshape(PROWS, K)
    pads = jnp.stack([ar % 1024, N + ar % (NP - N)])
    eip = jnp.concatenate([ei3, pads], axis=1)

    degparts = _deg_kernel(eip)

    y = pl.pallas_call(
        _mm_body,
        out_shape=jax.ShapeDtypeStruct((N, D), jnp.float32),
    )(x, W, degparts)

    accparts = _edge_kernel(y, eip)

    out = pl.pallas_call(
        _comb_body,
        out_shape=jax.ShapeDtypeStruct((N, D), jnp.float32),
    )(accparts, y, degparts, b.reshape(1, D))

    return out

# --- scband reference (transcript-rebuilt; emitter-appended) ---
"""Pipeline reference for scband-cross-model-80333068305016 (READ-ONLY COPY).

The authoritative reference and input builder live on the scoring server;
editing this copy changes nothing except your own understanding.
"""

import jax, jax.numpy as jnp
import numpy as np

N_NODES = 10000
N_EDGES = 320000
D_FEAT = 128

def setup_inputs(seed: int = 0) -> dict:
    key = jax.random.key(seed)
    k1, k2, k3 = jax.random.split(key, 3)
    x = jax.random.normal(k1, (N_NODES, D_FEAT), dtype=jnp.float32)
    edge_index = jax.random.randint(k2, (2, N_EDGES), 0, N_NODES, dtype=jnp.int64 if jax.config.jax_enable_x64 else jnp.int32).astype(jnp.int32)
    W = jax.random.normal(k3, (D_FEAT, D_FEAT), dtype=jnp.float32) * (1.0 / np.sqrt(D_FEAT))
    b = jnp.zeros((D_FEAT,), dtype=jnp.float32)
    return {"x": x, "edge_index": edge_index, "W": W, "b": b}

def reference(x, edge_index, W, b):
    # Faithful GCNConv (the concept_GCN message-passing core of CrossModel):
    # out = D^{-1/2} (A + I) D^{-1/2} X W + b, with symmetric degree normalization
    N = x.shape[0]
    loops = jnp.arange(N, dtype=edge_index.dtype)
    src = jnp.concatenate([edge_index[0], loops])
    dst = jnp.concatenate([edge_index[1], loops])
    xw = x @ W  # linear transform first (GCNConv applies weight before propagation)
    deg = jnp.zeros((N,), dtype=xw.dtype).at[dst].add(1.0)
    deg_inv_sqrt = jax.lax.rsqrt(jnp.where(deg > 0, deg, 1.0))
    norm = deg_inv_sqrt[src] * deg_inv_sqrt[dst]
    msgs = xw[src] * norm[:, None]  # gather (memory-bound)
    out = jnp.zeros_like(xw).at[dst].add(msgs)  # scatter-add (memory-bound)
    out = out + b
    return out

if __name__ == "__main__":
    import jax
    _d = setup_inputs()
    print(jax.jit(kernel)(*tuple(_d.values())))

</pallas_src>

<mosaic_0001>
#map = affine_map<(d0, d1) -> (0, 0, 0)>
#map1 = affine_map<(d0, d1) -> (0, 0)>
module attributes {stable_mosaic.version = 14 : i64} {
  func.func @_deg_kernel(%arg0: i32, %arg1: i32, %arg2: memref<2x2560x128xi32, #tpu.memory_space<hbm>>, %arg3: memref<2x10240xf32, #tpu.memory_space<hbm>>, %arg4: memref<80x128xi32, #tpu.memory_space<vmem>>, %arg5: memref<128xf32, #tpu.memory_space<vmem>>, %arg6: memref<640xf32, #tpu.memory_space<vmem>>, %arg7: memref<10240xf32, #tpu.memory_space<vmem_shared>>) attributes {dimension_semantics = [#tpu.dimension_semantics<core_parallel>, #tpu.dimension_semantics<subcore_parallel>], iteration_bounds = array<i64: 2, 16>, scalar_prefetch = 0 : i64, scratch_operands = 4 : i64, tpu.core_type = #tpu.core_type<sc_vector_subcore>, window_params = [{transform_indices = #map}, {transform_indices = #map1}]} {
    %mul3A = arith.constant 2 : i32
    %mul3A_0 = arith.muli %arg1, %mul3A : i32
    %add3A = arith.addi %mul3A_0, %arg0 : i32
    %mul3A_1 = arith.constant 80 : i32
    %mul3A_2 = arith.muli %add3A, %mul3A_1 : i32
    %run_scoped3A = arith.constant 1 : i32
    "tpu.region"() ({
      %run_scoped3A_65 = tpu.sem_alloc : memref<!tpu.dma_semaphore, #tpu.memory_space<semaphore_mem>>
      %dma_start3A = arith.constant 0 : i32
      %dma_start3A_66 = tpu.memref_slice %arg2[%run_scoped3A, %mul3A_2, %dma_start3A] : memref<2x2560x128xi32, #tpu.memory_space<hbm>> -> memref<1x80x128xi32, #tpu.memory_space<hbm>>
      %dma_start3A_67 = tpu.memref_squeeze %dma_start3A_66 : memref<1x80x128xi32, #tpu.memory_space<hbm>> -> memref<80x128xi32, #tpu.memory_space<hbm>>
      %dma_start3A_68 = arith.constant 0 : i32
      %dma_start3A_69 = tpu.memref_slice %arg2[%run_scoped3A, %mul3A_2, %dma_start3A_68] : memref<2x2560x128xi32, #tpu.memory_space<hbm>> -> memref<1x80x128xi32, #tpu.memory_space<hbm>>
      %dma_start3A_70 = tpu.memref_squeeze %dma_start3A_69 : memref<1x80x128xi32, #tpu.memory_space<hbm>> -> memref<80x128xi32, #tpu.memory_space<hbm>>
      tpu.enqueue_dma source(%dma_start3A_70 : memref<80x128xi32, #tpu.memory_space<hbm>>) target(%arg4 : memref<80x128xi32, #tpu.memory_space<vmem>>) target_semaphore(%run_scoped3A_65 : memref<!tpu.dma_semaphore, #tpu.memory_space<semaphore_mem>>)
      %dma_wait3A = arith.constant 0 : i32
      %dma_wait3A_71 = tpu.memref_slice %arg2[%run_scoped3A, %mul3A_2, %dma_wait3A] : memref<2x2560x128xi32, #tpu.memory_space<hbm>> -> memref<1x80x128xi32, #tpu.memory_space<hbm>>
      %dma_wait3A_72 = tpu.memref_squeeze %dma_wait3A_71 : memref<1x80x128xi32, #tpu.memory_space<hbm>> -> memref<80x128xi32, #tpu.memory_space<hbm>>
      %dma_wait3A_73 = arith.constant 0 : i32
      %dma_wait3A_74 = tpu.memref_slice %arg2[%run_scoped3A, %mul3A_2, %dma_wait3A_73] : memref<2x2560x128xi32, #tpu.memory_space<hbm>> -> memref<1x80x128xi32, #tpu.memory_space<hbm>>
      %dma_wait3A_75 = tpu.memref_squeeze %dma_wait3A_74 : memref<1x80x128xi32, #tpu.memory_space<hbm>> -> memref<80x128xi32, #tpu.memory_space<hbm>>
      tpu.wait_dma2 semaphore(%run_scoped3A_65 : memref<!tpu.dma_semaphore, #tpu.memory_space<semaphore_mem>>) src(%dma_wait3A_75 : memref<80x128xi32, #tpu.memory_space<hbm>>) dst(%arg4 : memref<80x128xi32, #tpu.memory_space<vmem>>)
      tpu.yield
    }) : () -> ()
    %broadcast_in_dim3A = arith.constant 1.000000e+00 : f32
    %broadcast_in_dim3A_3 = vector.broadcast %broadcast_in_dim3A : f32 to vector<16xf32>
    %swap3A = arith.constant 0 : index
    %swap3A_4 = tpu.vector_load %arg5[%swap3A] {strides = array<i32>} : memref<128xf32, #tpu.memory_space<vmem>>, vector<16xf32>,
    %swap3A_5 = vector.shape_cast %swap3A_4 : vector<16xf32> to vector<16xf32>
    %swap3A_6 = vector.shape_cast %broadcast_in_dim3A_3 : vector<16xf32> to vector<16xf32>
    tpu.vector_store %arg5[%swap3A], %swap3A_6 {strides = array<i32>} : memref<128xf32, #tpu.memory_space<vmem>>, vector<16xf32>,
    %broadcast_in_dim3A_7 = arith.constant 1.000000e+00 : f32
    %broadcast_in_dim3A_8 = vector.broadcast %broadcast_in_dim3A_7 : f32 to vector<16xf32>
    %swap3A_9 = arith.constant 16 : index
    %swap3A_10 = tpu.vector_load %arg5[%swap3A_9] {strides = array<i32>} : memref<128xf32, #tpu.memory_space<vmem>>, vector<16xf32>,
    %swap3A_11 = vector.shape_cast %swap3A_10 : vector<16xf32> to vector<16xf32>
    %swap3A_12 = vector.shape_cast %broadcast_in_dim3A_8 : vector<16xf32> to vector<16xf32>
    tpu.vector_store %arg5[%swap3A_9], %swap3A_12 {strides = array<i32>} : memref<128xf32, #tpu.memory_space<vmem>>, vector<16xf32>,
    %broadcast_in_dim3A_13 = arith.constant 1.000000e+00 : f32
    %broadcast_in_dim3A_14 = vector.broadcast %broadcast_in_dim3A_13 : f32 to vector<16xf32>
    %swap3A_15 = arith.constant 32 : index
    %swap3A_16 = tpu.vector_load %arg5[%swap3A_15] {strides = array<i32>} : memref<128xf32, #tpu.memory_space<vmem>>, vector<16xf32>,
    %swap3A_17 = vector.shape_cast %swap3A_16 : vector<16xf32> to vector<16xf32>
    %swap3A_18 = vector.shape_cast %broadcast_in_dim3A_14 : vector<16xf32> to vector<16xf32>
    tpu.vector_store %arg5[%swap3A_15], %swap3A_18 {strides = array<i32>} : memref<128xf32, #tpu.memory_space<vmem>>, vector<16xf32>,
    %broadcast_in_dim3A_19 = arith.constant 1.000000e+00 : f32
    %broadcast_in_dim3A_20 = vector.broadcast %broadcast_in_dim3A_19 : f32 to vector<16xf32>
    %swap3A_21 = arith.constant 48 : index
    %swap3A_22 = tpu.vector_load %arg5[%swap3A_21] {strides = array<i32>} : memref<128xf32, #tpu.memory_space<vmem>>, vector<16xf32>,
    %swap3A_23 = vector.shape_cast %swap3A_22 : vector<16xf32> to vector<16xf32>
    %swap3A_24 = vector.shape_cast %broadcast_in_dim3A_20 : vector<16xf32> to vector<16xf32>
    tpu.vector_store %arg5[%swap3A_21], %swap3A_24 {strides = array<i32>} : memref<128xf32, #tpu.memory_space<vmem>>, vector<16xf32>,
    %broadcast_in_dim3A_25 = arith.constant 1.000000e+00 : f32
    %broadcast_in_dim3A_26 = vector.broadcast %broadcast_in_dim3A_25 : f32 to vector<16xf32>
    %swap3A_27 = arith.constant 64 : index
    %swap3A_28 = tpu.vector_load %arg5[%swap3A_27] {strides = array<i32>} : memref<128xf32, #tpu.memory_space<vmem>>, vector<16xf32>,
    %swap3A_29 = vector.shape_cast %swap3A_28 : vector<16xf32> to vector<16xf32>
    %swap3A_30 = vector.shape_cast %broadcast_in_dim3A_26 : vector<16xf32> to vector<16xf32>
    tpu.vector_store %arg5[%swap3A_27], %swap3A_30 {strides = array<i32>} : memref<128xf32, #tpu.memory_space<vmem>>, vector<16xf32>,
    %broadcast_in_dim3A_31 = arith.constant 1.000000e+00 : f32
    %broadcast_in_dim3A_32 = vector.broadcast %broadcast_in_dim3A_31 : f32 to vector<16xf32>
    %swap3A_33 = arith.constant 80 : index
    %swap3A_34 = tpu.vector_load %arg5[%swap3A_33] {strides = array<i32>} : memref<128xf32, #tpu.memory_space<vmem>>, vector<16xf32>,
    %swap3A_35 = vector.shape_cast %swap3A_34 : vector<16xf32> to vector<16xf32>
    %swap3A_36 = vector.shape_cast %broadcast_in_dim3A_32 : vector<16xf32> to vector<16xf32>
    tpu.vector_store %arg5[%swap3A_33], %swap3A_36 {strides = array<i32>} : memref<128xf32, #tpu.memory_space<vmem>>, vector<16xf32>,
    %broadcast_in_dim3A_37 = arith.constant 1.000000e+00 : f32
    %broadcast_in_dim3A_38 = vector.broadcast %broadcast_in_dim3A_37 : f32 to vector<16xf32>
    %swap3A_39 = arith.constant 96 : index
    %swap3A_40 = tpu.vector_load %arg5[%swap3A_39] {strides = array<i32>} : memref<128xf32, #tpu.memory_space<vmem>>, vector<16xf32>,
    %swap3A_41 = vector.shape_cast %swap3A_40 : vector<16xf32> to vector<16xf32>
    %swap3A_42 = vector.shape_cast %broadcast_in_dim3A_38 : vector<16xf32> to vector<16xf32>
    tpu.vector_store %arg5[%swap3A_39], %swap3A_42 {strides = array<i32>} : memref<128xf32, #tpu.memory_space<vmem>>, vector<16xf32>,
    %broadcast_in_dim3A_43 = arith.constant 1.000000e+00 : f32
    %broadcast_in_dim3A_44 = vector.broadcast %broadcast_in_dim3A_43 : f32 to vector<16xf32>
    %swap3A_45 = arith.constant 112 : index
    %swap3A_46 = tpu.vector_load %arg5[%swap3A_45] {strides = array<i32>} : memref<128xf32, #tpu.memory_space<vmem>>, vector<16xf32>,
    %swap3A_47 = vector.shape_cast %swap3A_46 : vector<16xf32> to vector<16xf32>
    %swap3A_48 = vector.shape_cast %broadcast_in_dim3A_44 : vector<16xf32> to vector<16xf32>
    tpu.vector_store %arg5[%swap3A_45], %swap3A_48 {strides = array<i32>} : memref<128xf32, #tpu.memory_space<vmem>>, vector<16xf32>,
    %scan3A = arith.constant 0 : i32
    %scan3A_49 = arith.constant 40 : i32
    %scan3A_50 = arith.addi %scan3A, %scan3A_49 : i32
    %scan3A_51 = arith.constant 1 : i32
    scf.for %scan3A_65 = %scan3A to %scan3A_50 step %scan3A_51  : i32 {
      %mul3A_66 = arith.constant 1 : i32
      %mul3A_67 = arith.muli %scan3A_65, %mul3A_66 : i32
      %add3A_68 = arith.constant 0 : i32
      %add3A_69 = arith.addi %add3A_68, %mul3A_67 : i32
      %broadcast_in_dim3A_70 = arith.constant 0.000000e+00 : f32
      %broadcast_in_dim3A_71 = vector.broadcast %broadcast_in_dim3A_70 : f32 to vector<16xf32>
      %mul3A_72 = arith.constant 16 : i32
      %mul3A_73 = arith.muli %add3A_69, %mul3A_72 : i32
      %swap3A_74 = arith.index_cast %mul3A_73 : i32 to index
      %swap3A_75 = tpu.vector_load %arg6[%swap3A_74] {strides = array<i32>} : memref<640xf32, #tpu.memory_space<vmem>>, vector<16xf32>,
      %swap3A_76 = vector.shape_cast %swap3A_75 : vector<16xf32> to vector<16xf32>
      %swap3A_77 = vector.shape_cast %broadcast_in_dim3A_71 : vector<16xf32> to vector<16xf32>
      tpu.vector_store %arg6[%swap3A_74], %swap3A_77 {strides = array<i32>} : memref<640xf32, #tpu.memory_space<vmem>>, vector<16xf32>,
    }
    %scan3A_52 = arith.constant 40 : i32
    %mul3A_53 = arith.constant 640 : i32
    %mul3A_54 = arith.muli %arg1, %mul3A_53 : i32
    "tpu.region"() ({
      %run_scoped3A_65 = tpu.sem_alloc : memref<!tpu.dma_semaphore, #tpu.memory_space<semaphore_mem>>
      %dma_start3A = tpu.memref_slice %arg7[%mul3A_54] : memref<10240xf32, #tpu.memory_space<vmem_shared>> -> memref<640xf32, #tpu.memory_space<vmem_shared>>
      %dma_start3A_66 = tpu.memref_slice %arg7[%mul3A_54] : memref<10240xf32, #tpu.memory_space<vmem_shared>> -> memref<640xf32, #tpu.memory_space<vmem_shared>>
      tpu.enqueue_dma source(%arg6 : memref<640xf32, #tpu.memory_space<vmem>>) target(%dma_start3A_66 : memref<640xf32, #tpu.memory_space<vmem_shared>>) target_semaphore(%run_scoped3A_65 : memref<!tpu.dma_semaphore, #tpu.memory_space<semaphore_mem>>)
      %dma_wait3A = tpu.memref_slice %arg7[%mul3A_54] : memref<10240xf32, #tpu.memory_space<vmem_shared>> -> memref<640xf32, #tpu.memory_space<vmem_shared>>
      %dma_wait3A_67 = tpu.memref_slice %arg7[%mul3A_54] : memref<10240xf32, #tpu.memory_space<vmem_shared>> -> memref<640xf32, #tpu.memory_space<vmem_shared>>
      tpu.wait_dma2 semaphore(%run_scoped3A_65 : memref<!tpu.dma_semaphore, #tpu.memory_space<semaphore_mem>>) src(%arg6 : memref<640xf32, #tpu.memory_space<vmem>>) dst(%dma_wait3A_67 : memref<640xf32, #tpu.memory_space<vmem_shared>>)
      tpu.yield
    }) : () -> ()
    %barrier3A = arith.constant 0 : index
    tpu.barrier barrier_id(%barrier3A)
    %scan3A_55 = arith.constant 0 : i32
    %scan3A_56 = arith.constant 80 : i32
    %scan3A_57 = arith.addi %scan3A_55, %scan3A_56 : i32
    %scan3A_58 = arith.constant 1 : i32
    scf.for %scan3A_65 = %scan3A_55 to %scan3A_57 step %scan3A_58  : i32 {
      %mul3A_66 = arith.constant 1 : i32
      %mul3A_67 = arith.muli %scan3A_65, %mul3A_66 : i32
      %add3A_68 = arith.constant 0 : i32
      %add3A_69 = arith.addi %add3A_68, %mul3A_67 : i32
      "tpu.region"() ({
        %run_scoped3A_70 = tpu.sem_alloc : memref<!tpu.dma_semaphore, #tpu.memory_space<semaphore_mem>>
        %dma_start3A = arith.constant 0 : i32
        %dma_start3A_71 = tpu.memref_slice %arg4[%add3A_69, %dma_start3A] : memref<80x128xi32, #tpu.memory_space<vmem>> -> memref<1x128xi32, #tpu.memory_space<vmem>>
        %dma_start3A_72 = tpu.memref_squeeze %dma_start3A_71 : memref<1x128xi32, #tpu.memory_space<vmem>> -> memref<128xi32, #tpu.memory_space<vmem>>
        %dma_start3A_73 = arith.constant 0 : i32
        %dma_start3A_74 = tpu.memref_slice %arg7[%dma_start3A_73] : memref<10240xf32, #tpu.memory_space<vmem_shared>> -> memref<10240xf32, #tpu.memory_space<vmem_shared>>
        tpu.enqueue_indirect_dma source(%arg5 : memref<128xf32, #tpu.memory_space<vmem>>) target(%dma_start3A_74 : memref<10240xf32, #tpu.memory_space<vmem_shared>>) offsets(%dma_start3A_72 : memref<128xi32, #tpu.memory_space<vmem>>) semaphore(%run_scoped3A_70 : memref<!tpu.dma_semaphore, #tpu.memory_space<semaphore_mem>>) {add = true}
        %dma_wait3A = arith.constant 0 : i32
        %dma_wait3A_75 = tpu.memref_slice %arg4[%add3A_69, %dma_wait3A] : memref<80x128xi32, #tpu.memory_space<vmem>> -> memref<1x128xi32, #tpu.memory_space<vmem>>
        %dma_wait3A_76 = tpu.memref_squeeze %dma_wait3A_75 : memref<1x128xi32, #tpu.memory_space<vmem>> -> memref<128xi32, #tpu.memory_space<vmem>>
        %dma_wait3A_77 = arith.constant 0 : i32
        %dma_wait3A_78 = tpu.memref_slice %arg7[%dma_wait3A_77] : memref<10240xf32, #tpu.memory_space<vmem_shared>> -> memref<10240xf32, #tpu.memory_space<vmem_shared>>
        tpu.wait_indirect_dma semaphore(%run_scoped3A_70 : memref<!tpu.dma_semaphore, #tpu.memory_space<semaphore_mem>>) src(%arg5 : memref<128xf32, #tpu.memory_space<vmem>>) dst(%dma_wait3A_78 : memref<10240xf32, #tpu.memory_space<vmem_shared>>)
        tpu.yield
      }) : () -> ()
    }
    %scan3A_59 = arith.constant 80 : i32
    %barrier3A_60 = arith.constant 0 : index
    tpu.barrier barrier_id(%barrier3A_60)
    %mul3A_61 = arith.constant 640 : i32
    %mul3A_62 = arith.muli %arg1, %mul3A_61 : i32
    %mul3A_63 = arith.constant 640 : i32
    %mul3A_64 = arith.muli %arg1, %mul3A_63 : i32
    "tpu.region"() ({
      %run_scoped3A_65 = tpu.sem_alloc : memref<!tpu.dma_semaphore, #tpu.memory_space<semaphore_mem>>
      %dma_start3A = tpu.memref_slice %arg3[%arg0, %mul3A_64] : memref<2x10240xf32, #tpu.memory_space<hbm>> -> memref<1x640xf32, #tpu.memory_space<hbm>>
      %dma_start3A_66 = tpu.memref_squeeze %dma_start3A : memref<1x640xf32, #tpu.memory_space<hbm>> -> memref<640xf32, #tpu.memory_space<hbm>>
      %dma_start3A_67 = tpu.memref_slice %arg7[%mul3A_62] : memref<10240xf32, #tpu.memory_space<vmem_shared>> -> memref<640xf32, #tpu.memory_space<vmem_shared>>
      tpu.enqueue_dma source(%dma_start3A_67 : memref<640xf32, #tpu.memory_space<vmem_shared>>) target(%dma_start3A_66 : memref<640xf32, #tpu.memory_space<hbm>>) target_semaphore(%run_scoped3A_65 : memref<!tpu.dma_semaphore, #tpu.memory_space<semaphore_mem>>)
      %dma_wait3A = tpu.memref_slice %arg3[%arg0, %mul3A_64] : memref<2x10240xf32, #tpu.memory_space<hbm>> -> memref<1x640xf32, #tpu.memory_space<hbm>>
      %dma_wait3A_68 = tpu.memref_squeeze %dma_wait3A : memref<1x640xf32, #tpu.memory_space<hbm>> -> memref<640xf32, #tpu.memory_space<hbm>>
      %dma_wait3A_69 = tpu.memref_slice %arg7[%mul3A_62] : memref<10240xf32, #tpu.memory_space<vmem_shared>> -> memref<640xf32, #tpu.memory_space<vmem_shared>>
      tpu.wait_dma2 semaphore(%run_scoped3A_65 : memref<!tpu.dma_semaphore, #tpu.memory_space<semaphore_mem>>) src(%dma_wait3A_69 : memref<640xf32, #tpu.memory_space<vmem_shared>>) dst(%dma_wait3A_68 : memref<640xf32, #tpu.memory_space<hbm>>)
      tpu.yield
    }) : () -> ()
    return
  }
}

#map = affine_map<(d0, d1) -> (0, 0)>
#map1 = affine_map<(d0, d1) -> (0, 0, 0)>
module attributes {stable_mosaic.version = 14 : i64} {
  func.func @_edge_kernel(%arg0: i32, %arg1: i32, %arg2: memref<10000x128xf32, #tpu.memory_space<hbm>>, %arg3: memref<2x2560x128xi32, #tpu.memory_space<hbm>>, %arg4: memref<2x10240x128xf32, #tpu.memory_space<hbm>>, %arg5: memref<16x128xi32, #tpu.memory_space<vmem>>, %arg6: memref<16x128xi32, #tpu.memory_space<vmem>>, %arg7: memref<16x128xi32, #tpu.memory_space<vmem>>, %arg8: memref<16x128xi32, #tpu.memory_space<vmem>>, %arg9: memref<128x128xf32, #tpu.memory_space<vmem>>, %arg10: memref<128x128xf32, #tpu.memory_space<vmem>>, %arg11: memref<10240x128xf32, #tpu.memory_space<vmem_shared>>, %arg12: memref<!tpu.dma_semaphore, #tpu.memory_space<semaphore_mem>>, %arg13: memref<!tpu.dma_semaphore, #tpu.memory_space<semaphore_mem>>, %arg14: memref<!tpu.dma_semaphore, #tpu.memory_space<semaphore_mem>>) attributes {dimension_semantics = [#tpu.dimension_semantics<core_parallel>, #tpu.dimension_semantics<subcore_parallel>], iteration_bounds = array<i64: 2, 16>, scalar_prefetch = 0 : i64, scratch_operands = 10 : i64, tpu.core_type = #tpu.core_type<sc_vector_subcore>, window_params = [{transform_indices = #map}, {transform_indices = #map1}, {transform_indices = #map1}]} {
    %mul3A = arith.constant 2 : i32
    %mul3A_0 = arith.muli %arg1, %mul3A : i32
    %add3A = arith.addi %mul3A_0, %arg0 : i32
    %mul3A_1 = arith.constant 80 : i32
    %mul3A_2 = arith.muli %add3A, %mul3A_1 : i32
    %add3A_3 = arith.constant 0 : i32
    %add3A_4 = arith.addi %mul3A_2, %add3A_3 : i32
    %dma_start3A = arith.constant 0 : i32
    %dma_start3A_5 = arith.constant 0 : i32
    %dma_start3A_6 = tpu.memref_slice %arg3[%dma_start3A, %add3A_4, %dma_start3A_5] : memref<2x2560x128xi32, #tpu.memory_space<hbm>> -> memref<1x16x128xi32, #tpu.memory_space<hbm>>
    %dma_start3A_7 = tpu.memref_squeeze %dma_start3A_6 : memref<1x16x128xi32, #tpu.memory_space<hbm>> -> memref<16x128xi32, #tpu.memory_space<hbm>>
    %dma_start3A_8 = arith.constant 0 : i32
    %dma_start3A_9 = tpu.memref_slice %arg3[%dma_start3A, %add3A_4, %dma_start3A_8] : memref<2x2560x128xi32, #tpu.memory_space<hbm>> -> memref<1x16x128xi32, #tpu.memory_space<hbm>>
    %dma_start3A_10 = tpu.memref_squeeze %dma_start3A_9 : memref<1x16x128xi32, #tpu.memory_space<hbm>> -> memref<16x128xi32, #tpu.memory_space<hbm>>
    tpu.enqueue_dma source(%dma_start3A_10 : memref<16x128xi32, #tpu.memory_space<hbm>>) target(%arg5 : memref<16x128xi32, #tpu.memory_space<vmem>>) target_semaphore(%arg14 : memref<!tpu.dma_semaphore, #tpu.memory_space<semaphore_mem>>)
    %dma_start3A_11 = arith.constant 1 : i32
    %dma_start3A_12 = arith.constant 0 : i32
    %dma_start3A_13 = tpu.memref_slice %arg3[%dma_start3A_11, %add3A_4, %dma_start3A_12] : memref<2x2560x128xi32, #tpu.memory_space<hbm>> -> memref<1x16x128xi32, #tpu.memory_space<hbm>>
    %dma_start3A_14 = tpu.memref_squeeze %dma_start3A_13 : memref<1x16x128xi32, #tpu.memory_space<hbm>> -> memref<16x128xi32, #tpu.memory_space<hbm>>
    %dma_start3A_15 = arith.constant 0 : i32
    %dma_start3A_16 = tpu.memref_slice %arg3[%dma_start3A_11, %add3A_4, %dma_start3A_15] : memref<2x2560x128xi32, #tpu.memory_space<hbm>> -> memref<1x16x128xi32, #tpu.memory_space<hbm>>
    %dma_start3A_17 = tpu.memref_squeeze %dma_start3A_16 : memref<1x16x128xi32, #tpu.memory_space<hbm>> -> memref<16x128xi32, #tpu.memory_space<hbm>>
    tpu.enqueue_dma source(%dma_start3A_17 : memref<16x128xi32, #tpu.memory_space<hbm>>) target(%arg6 : memref<16x128xi32, #tpu.memory_space<vmem>>) target_semaphore(%arg14 : memref<!tpu.dma_semaphore, #tpu.memory_space<semaphore_mem>>)
    %scan3A = arith.constant 0 : i32
    %scan3A_18 = arith.constant 128 : i32
    %scan3A_19 = arith.addi %scan3A, %scan3A_18 : i32
    %scan3A_20 = arith.constant 1 : i32
    scf.for %scan3A_442 = %scan3A to %scan3A_19 step %scan3A_20  : i32 {
      %mul3A_443 = arith.constant 1 : i32
      %mul3A_444 = arith.muli %scan3A_442, %mul3A_443 : i32
      %add3A_445 = arith.constant 0 : i32
      %add3A_446 = arith.addi %add3A_445, %mul3A_444 : i32
      %broadcast_in_dim3A = arith.constant 0.000000e+00 : f32
      %broadcast_in_dim3A_447 = vector.broadcast %broadcast_in_dim3A : f32 to vector<16xf32>
      %swap3A = arith.index_cast %add3A_446 : i32 to index
      %swap3A_448 = arith.constant 0 : index
      %swap3A_449 = tpu.vector_load %arg9[%swap3A, %swap3A_448] {strides = array<i32>} : memref<128x128xf32, #tpu.memory_space<vmem>>, vector<1x16xf32>,
      %swap3A_450 = vector.shape_cast %swap3A_449 : vector<1x16xf32> to vector<16xf32>
      %swap3A_451 = vector.shape_cast %broadcast_in_dim3A_447 : vector<16xf32> to vector<1x16xf32>
      tpu.vector_store %arg9[%swap3A, %swap3A_448], %swap3A_451 {strides = array<i32>} : memref<128x128xf32, #tpu.memory_space<vmem>>, vector<1x16xf32>,
      %broadcast_in_dim3A_452 = arith.constant 0.000000e+00 : f32
      %broadcast_in_dim3A_453 = vector.broadcast %broadcast_in_dim3A_452 : f32 to vector<16xf32>
      %swap3A_454 = arith.index_cast %add3A_446 : i32 to index
      %swap3A_455 = arith.constant 16 : index
      %swap3A_456 = tpu.vector_load %arg9[%swap3A_454, %swap3A_455] {strides = array<i32>} : memref<128x128xf32, #tpu.memory_space<vmem>>, vector<1x16xf32>,
      %swap3A_457 = vector.shape_cast %swap3A_456 : vector<1x16xf32> to vector<16xf32>
      %swap3A_458 = vector.shape_cast %broadcast_in_dim3A_453 : vector<16xf32> to vector<1x16xf32>
      tpu.vector_store %arg9[%swap3A_454, %swap3A_455], %swap3A_458 {strides = array<i32>} : memref<128x128xf32, #tpu.memory_space<vmem>>, vector<1x16xf32>,
      %broadcast_in_dim3A_459 = arith.constant 0.000000e+00 : f32
      %broadcast_in_dim3A_460 = vector.broadcast %broadcast_in_dim3A_459 : f32 to vector<16xf32>
      %swap3A_461 = arith.index_cast %add3A_446 : i32 to index
      %swap3A_462 = arith.constant 32 : index
      %swap3A_463 = tpu.vector_load %arg9[%swap3A_461, %swap3A_462] {strides = array<i32>} : memref<128x128xf32, #tpu.memory_space<vmem>>, vector<1x16xf32>,
      %swap3A_464 = vector.shape_cast %swap3A_463 : vector<1x16xf32> to vector<16xf32>
      %swap3A_465 = vector.shape_cast %broadcast_in_dim3A_460 : vector<16xf32> to vector<1x16xf32>
      tpu.vector_store %arg9[%swap3A_461, %swap3A_462], %swap3A_465 {strides = array<i32>} : memref<128x128xf32, #tpu.memory_space<vmem>>, vector<1x16xf32>,
      %broadcast_in_dim3A_466 = arith.constant 0.000000e+00 : f32
      %broadcast_in_dim3A_467 = vector.broadcast %broadcast_in_dim3A_466 : f32 to vector<16xf32>
      %swap3A_468 = arith.index_cast %add3A_446 : i32 to index
      %swap3A_469 = arith.constant 48 : index
      %swap3A_470 = tpu.vector_load %arg9[%swap3A_468, %swap3A_469] {strides = array<i32>} : memref<128x128xf32, #tpu.memory_space<vmem>>, vector<1x16xf32>,
      %swap3A_471 = vector.shape_cast %swap3A_470 : vector<1x16xf32> to vector<16xf32>
      %swap3A_472 = vector.shape_cast %broadcast_in_dim3A_467 : vector<16xf32> to vector<1x16xf32>
      tpu.vector_store %arg9[%swap3A_468, %swap3A_469], %swap3A_472 {strides = array<i32>} : memref<128x128xf32, #tpu.memory_space<vmem>>, vector<1x16xf32>,
      %broadcast_in_dim3A_473 = arith.constant 0.000000e+00 : f32
      %broadcast_in_dim3A_474 = vector.broadcast %broadcast_in_dim3A_473 : f32 to vector<16xf32>
      %swap3A_475 = arith.index_cast %add3A_446 : i32 to index
      %swap3A_476 = arith.constant 64 : index
      %swap3A_477 = tpu.vector_load %arg9[%swap3A_475, %swap3A_476] {strides = array<i32>} : memref<128x128xf32, #tpu.memory_space<vmem>>, vector<1x16xf32>,
      %swap3A_478 = vector.shape_cast %swap3A_477 : vector<1x16xf32> to vector<16xf32>
      %swap3A_479 = vector.shape_cast %broadcast_in_dim3A_474 : vector<16xf32> to vector<1x16xf32>
      tpu.vector_store %arg9[%swap3A_475, %swap3A_476], %swap3A_479 {strides = array<i32>} : memref<128x128xf32, #tpu.memory_space<vmem>>, vector<1x16xf32>,
      %broadcast_in_dim3A_480 = arith.constant 0.000000e+00 : f32
      %broadcast_in_dim3A_481 = vector.broadcast %broadcast_in_dim3A_480 : f32 to vector<16xf32>
      %swap3A_482 = arith.index_cast %add3A_446 : i32 to index
      %swap3A_483 = arith.constant 80 : index
      %swap3A_484 = tpu.vector_load %arg9[%swap3A_482, %swap3A_483] {strides = array<i32>} : memref<128x128xf32, #tpu.memory_space<vmem>>, vector<1x16xf32>,
      %swap3A_485 = vector.shape_cast %swap3A_484 : vector<1x16xf32> to vector<16xf32>
      %swap3A_486 = vector.shape_cast %broadcast_in_dim3A_481 : vector<16xf32> to vector<1x16xf32>
      tpu.vector_store %arg9[%swap3A_482, %swap3A_483], %swap3A_486 {strides = array<i32>} : memref<128x128xf32, #tpu.memory_space<vmem>>, vector<1x16xf32>,
      %broadcast_in_dim3A_487 = arith.constant 0.000000e+00 : f32
      %broadcast_in_dim3A_488 = vector.broadcast %broadcast_in_dim3A_487 : f32 to vector<16xf32>
      %swap3A_489 = arith.index_cast %add3A_446 : i32 to index
      %swap3A_490 = arith.constant 96 : index
      %swap3A_491 = tpu.vector_load %arg9[%swap3A_489, %swap3A_490] {strides = array<i32>} : memref<128x128xf32, #tpu.memory_space<vmem>>, vector<1x16xf32>,
      %swap3A_492 = vector.shape_cast %swap3A_491 : vector<1x16xf32> to vector<16xf32>
      %swap3A_493 = vector.shape_cast %broadcast_in_dim3A_488 : vector<16xf32> to vector<1x16xf32>
      tpu.vector_store %arg9[%swap3A_489, %swap3A_490], %swap3A_493 {strides = array<i32>} : memref<128x128xf32, #tpu.memory_space<vmem>>, vector<1x16xf32>,
      %broadcast_in_dim3A_494 = arith.constant 0.000000e+00 : f32
      %broadcast_in_dim3A_495 = vector.broadcast %broadcast_in_dim3A_494 : f32 to vector<16xf32>
      %swap3A_496 = arith.index_cast %add3A_446 : i32 to index
      %swap3A_497 = arith.constant 112 : index
      %swap3A_498 = tpu.vector_load %arg9[%swap3A_496, %swap3A_497] {strides = array<i32>} : memref<128x128xf32, #tpu.memory_space<vmem>>, vector<1x16xf32>,
      %swap3A_499 = vector.shape_cast %swap3A_498 : vector<1x16xf32> to vector<16xf32>
      %swap3A_500 = vector.shape_cast %broadcast_in_dim3A_495 : vector<16xf32> to vector<1x16xf32>
      tpu.vector_store %arg9[%swap3A_496, %swap3A_497], %swap3A_500 {strides = array<i32>} : memref<128x128xf32, #tpu.memory_space<vmem>>, vector<1x16xf32>,
    }
    %scan3A_21 = arith.constant 128 : i32
    %mul3A_22 = arith.constant 640 : i32
    %mul3A_23 = arith.muli %arg1, %mul3A_22 : i32
    %add3A_24 = arith.constant 0 : i32
    %add3A_25 = arith.addi %mul3A_23, %add3A_24 : i32
    %dma_start3A_26 = arith.constant 0 : i32
    %dma_start3A_27 = tpu.memref_slice %arg11[%add3A_25, %dma_start3A_26] : memref<10240x128xf32, #tpu.memory_space<vmem_shared>> -> memref<128x128xf32, #tpu.memory_space<vmem_shared>>
    %dma_start3A_28 = arith.constant 0 : i32
    %dma_start3A_29 = tpu.memref_slice %arg11[%add3A_25, %dma_start3A_28] : memref<10240x128xf32, #tpu.memory_space<vmem_shared>> -> memref<128x128xf32, #tpu.memory_space<vmem_shared>>
    tpu.enqueue_dma source(%arg9 : memref<128x128xf32, #tpu.memory_space<vmem>>) target(%dma_start3A_29 : memref<128x128xf32, #tpu.memory_space<vmem_shared>>) target_semaphore(%arg12 : memref<!tpu.dma_semaphore, #tpu.memory_space<semaphore_mem>>)
    %mul3A_30 = arith.constant 640 : i32
    %mul3A_31 = arith.muli %arg1, %mul3A_30 : i32
    %add3A_32 = arith.constant 128 : i32
    %add3A_33 = arith.addi %mul3A_31, %add3A_32 : i32
    %dma_start3A_34 = arith.constant 0 : i32
    %dma_start3A_35 = tpu.memref_slice %arg11[%add3A_33, %dma_start3A_34] : memref<10240x128xf32, #tpu.memory_space<vmem_shared>> -> memref<128x128xf32, #tpu.memory_space<vmem_shared>>
    %dma_start3A_36 = arith.constant 0 : i32
    %dma_start3A_37 = tpu.memref_slice %arg11[%add3A_33, %dma_start3A_36] : memref<10240x128xf32, #tpu.memory_space<vmem_shared>> -> memref<128x128xf32, #tpu.memory_space<vmem_shared>>
    tpu.enqueue_dma source(%arg9 : memref<128x128xf32, #tpu.memory_space<vmem>>) target(%dma_start3A_37 : memref<128x128xf32, #tpu.memory_space<vmem_shared>>) target_semaphore(%arg12 : memref<!tpu.dma_semaphore, #tpu.memory_space<semaphore_mem>>)
    %mul3A_38 = arith.constant 640 : i32
    %mul3A_39 = arith.muli %arg1, %mul3A_38 : i32
    %add3A_40 = arith.constant 256 : i32
    %add3A_41 = arith.addi %mul3A_39, %add3A_40 : i32
    %dma_start3A_42 = arith.constant 0 : i32
    %dma_start3A_43 = tpu.memref_slice %arg11[%add3A_41, %dma_start3A_42] : memref<10240x128xf32, #tpu.memory_space<vmem_shared>> -> memref<128x128xf32, #tpu.memory_space<vmem_shared>>
    %dma_start3A_44 = arith.constant 0 : i32
    %dma_start3A_45 = tpu.memref_slice %arg11[%add3A_41, %dma_start3A_44] : memref<10240x128xf32, #tpu.memory_space<vmem_shared>> -> memref<128x128xf32, #tpu.memory_space<vmem_shared>>
    tpu.enqueue_dma source(%arg9 : memref<128x128xf32, #tpu.memory_space<vmem>>) target(%dma_start3A_45 : memref<128x128xf32, #tpu.memory_space<vmem_shared>>) target_semaphore(%arg12 : memref<!tpu.dma_semaphore, #tpu.memory_space<semaphore_mem>>)
    %mul3A_46 = arith.constant 640 : i32
    %mul3A_47 = arith.muli %arg1, %mul3A_46 : i32
    %add3A_48 = arith.constant 384 : i32
    %add3A_49 = arith.addi %mul3A_47, %add3A_48 : i32
    %dma_start3A_50 = arith.constant 0 : i32
    %dma_start3A_51 = tpu.memref_slice %arg11[%add3A_49, %dma_start3A_50] : memref<10240x128xf32, #tpu.memory_space<vmem_shared>> -> memref<128x128xf32, #tpu.memory_space<vmem_shared>>
    %dma_start3A_52 = arith.constant 0 : i32
    %dma_start3A_53 = tpu.memref_slice %arg11[%add3A_49, %dma_start3A_52] : memref<10240x128xf32, #tpu.memory_space<vmem_shared>> -> memref<128x128xf32, #tpu.memory_space<vmem_shared>>
    tpu.enqueue_dma source(%arg9 : memref<128x128xf32, #tpu.memory_space<vmem>>) target(%dma_start3A_53 : memref<128x128xf32, #tpu.memory_space<vmem_shared>>) target_semaphore(%arg12 : memref<!tpu.dma_semaphore, #tpu.memory_space<semaphore_mem>>)
    %mul3A_54 = arith.constant 640 : i32
    %mul3A_55 = arith.muli %arg1, %mul3A_54 : i32
    %add3A_56 = arith.constant 512 : i32
    %add3A_57 = arith.addi %mul3A_55, %add3A_56 : i32
    %dma_start3A_58 = arith.constant 0 : i32
    %dma_start3A_59 = tpu.memref_slice %arg11[%add3A_57, %dma_start3A_58] : memref<10240x128xf32, #tpu.memory_space<vmem_shared>> -> memref<128x128xf32, #tpu.memory_space<vmem_shared>>
    %dma_start3A_60 = arith.constant 0 : i32
    %dma_start3A_61 = tpu.memref_slice %arg11[%add3A_57, %dma_start3A_60] : memref<10240x128xf32, #tpu.memory_space<vmem_shared>> -> memref<128x128xf32, #tpu.memory_space<vmem_shared>>
    tpu.enqueue_dma source(%arg9 : memref<128x128xf32, #tpu.memory_space<vmem>>) target(%dma_start3A_61 : memref<128x128xf32, #tpu.memory_space<vmem_shared>>) target_semaphore(%arg12 : memref<!tpu.dma_semaphore, #tpu.memory_space<semaphore_mem>>)
    %mul3A_62 = arith.constant 640 : i32
    %mul3A_63 = arith.muli %arg1, %mul3A_62 : i32
    %add3A_64 = arith.constant 0 : i32
    %add3A_65 = arith.addi %mul3A_63, %add3A_64 : i32
    %dma_wait3A = arith.constant 0 : i32
    %dma_wait3A_66 = tpu.memref_slice %arg11[%add3A_65, %dma_wait3A] : memref<10240x128xf32, #tpu.memory_space<vmem_shared>> -> memref<128x128xf32, #tpu.memory_space<vmem_shared>>
    %dma_wait3A_67 = arith.constant 0 : i32
    %dma_wait3A_68 = tpu.memref_slice %arg11[%add3A_65, %dma_wait3A_67] : memref<10240x128xf32, #tpu.memory_space<vmem_shared>> -> memref<128x128xf32, #tpu.memory_space<vmem_shared>>
    tpu.wait_dma2 semaphore(%arg12 : memref<!tpu.dma_semaphore, #tpu.memory_space<semaphore_mem>>) src(%arg9 : memref<128x128xf32, #tpu.memory_space<vmem>>) dst(%dma_wait3A_68 : memref<128x128xf32, #tpu.memory_space<vmem_shared>>)
    %mul3A_69 = arith.constant 640 : i32
    %mul3A_70 = arith.muli %arg1, %mul3A_69 : i32
    %add3A_71 = arith.constant 128 : i32
    %add3A_72 = arith.addi %mul3A_70, %add3A_71 : i32
    %dma_wait3A_73 = arith.constant 0 : i32
    %dma_wait3A_74 = tpu.memref_slice %arg11[%add3A_72, %dma_wait3A_73] : memref<10240x128xf32, #tpu.memory_space<vmem_shared>> -> memref<128x128xf32, #tpu.memory_space<vmem_shared>>
    %dma_wait3A_75 = arith.constant 0 : i32
    %dma_wait3A_76 = tpu.memref_slice %arg11[%add3A_72, %dma_wait3A_75] : memref<10240x128xf32, #tpu.memory_space<vmem_shared>> -> memref<128x128xf32, #tpu.memory_space<vmem_shared>>
    tpu.wait_dma2 semaphore(%arg12 : memref<!tpu.dma_semaphore, #tpu.memory_space<semaphore_mem>>) src(%arg9 : memref<128x128xf32, #tpu.memory_space<vmem>>) dst(%dma_wait3A_76 : memref<128x128xf32, #tpu.memory_space<vmem_shared>>)
    %mul3A_77 = arith.constant 640 : i32
    %mul3A_78 = arith.muli %arg1, %mul3A_77 : i32
    %add3A_79 = arith.constant 256 : i32
    %add3A_80 = arith.addi %mul3A_78, %add3A_79 : i32
    %dma_wait3A_81 = arith.constant 0 : i32
    %dma_wait3A_82 = tpu.memref_slice %arg11[%add3A_80, %dma_wait3A_81] : memref<10240x128xf32, #tpu.memory_space<vmem_shared>> -> memref<128x128xf32, #tpu.memory_space<vmem_shared>>
    %dma_wait3A_83 = arith.constant 0 : i32
    %dma_wait3A_84 = tpu.memref_slice %arg11[%add3A_80, %dma_wait3A_83] : memref<10240x128xf32, #tpu.memory_space<vmem_shared>> -> memref<128x128xf32, #tpu.memory_space<vmem_shared>>
    tpu.wait_dma2 semaphore(%arg12 : memref<!tpu.dma_semaphore, #tpu.memory_space<semaphore_mem>>) src(%arg9 : memref<128x128xf32, #tpu.memory_space<vmem>>) dst(%dma_wait3A_84 : memref<128x128xf32, #tpu.memory_space<vmem_shared>>)
    %mul3A_85 = arith.constant 640 : i32
    %mul3A_86 = arith.muli %arg1, %mul3A_85 : i32
    %add3A_87 = arith.constant 384 : i32
    %add3A_88 = arith.addi %mul3A_86, %add3A_87 : i32
    %dma_wait3A_89 = arith.constant 0 : i32
    %dma_wait3A_90 = tpu.memref_slice %arg11[%add3A_88, %dma_wait3A_89] : memref<10240x128xf32, #tpu.memory_space<vmem_shared>> -> memref<128x128xf32, #tpu.memory_space<vmem_shared>>
    %dma_wait3A_91 = arith.constant 0 : i32
    %dma_wait3A_92 = tpu.memref_slice %arg11[%add3A_88, %dma_wait3A_91] : memref<10240x128xf32, #tpu.memory_space<vmem_shared>> -> memref<128x128xf32, #tpu.memory_space<vmem_shared>>
    tpu.wait_dma2 semaphore(%arg12 : memref<!tpu.dma_semaphore, #tpu.memory_space<semaphore_mem>>) src(%arg9 : memref<128x128xf32, #tpu.memory_space<vmem>>) dst(%dma_wait3A_92 : memref<128x128xf32, #tpu.memory_space<vmem_shared>>)
    %mul3A_93 = arith.constant 640 : i32
    %mul3A_94 = arith.muli %arg1, %mul3A_93 : i32
    %add3A_95 = arith.constant 512 : i32
    %add3A_96 = arith.addi %mul3A_94, %add3A_95 : i32
    %dma_wait3A_97 = arith.constant 0 : i32
    %dma_wait3A_98 = tpu.memref_slice %arg11[%add3A_96, %dma_wait3A_97] : memref<10240x128xf32, #tpu.memory_space<vmem_shared>> -> memref<128x128xf32, #tpu.memory_space<vmem_shared>>
    %dma_wait3A_99 = arith.constant 0 : i32
    %dma_wait3A_100 = tpu.memref_slice %arg11[%add3A_96, %dma_wait3A_99] : memref<10240x128xf32, #tpu.memory_space<vmem_shared>> -> memref<128x128xf32, #tpu.memory_space<vmem_shared>>
    tpu.wait_dma2 semaphore(%arg12 : memref<!tpu.dma_semaphore, #tpu.memory_space<semaphore_mem>>) src(%arg9 : memref<128x128xf32, #tpu.memory_space<vmem>>) dst(%dma_wait3A_100 : memref<128x128xf32, #tpu.memory_space<vmem_shared>>)
    %barrier3A = arith.constant 0 : index
    tpu.barrier barrier_id(%barrier3A)
    %mul3A_101 = arith.constant 80 : i32
    %mul3A_102 = arith.muli %add3A, %mul3A_101 : i32
    %add3A_103 = arith.constant 0 : i32
    %add3A_104 = arith.addi %mul3A_102, %add3A_103 : i32
    %dma_wait3A_105 = arith.constant 0 : i32
    %dma_wait3A_106 = arith.constant 0 : i32
    %dma_wait3A_107 = tpu.memref_slice %arg3[%dma_wait3A_105, %add3A_104, %dma_wait3A_106] : memref<2x2560x128xi32, #tpu.memory_space<hbm>> -> memref<1x16x128xi32, #tpu.memory_space<hbm>>
    %dma_wait3A_108 = tpu.memref_squeeze %dma_wait3A_107 : memref<1x16x128xi32, #tpu.memory_space<hbm>> -> memref<16x128xi32, #tpu.memory_space<hbm>>
    %dma_wait3A_109 = arith.constant 0 : i32
    %dma_wait3A_110 = tpu.memref_slice %arg3[%dma_wait3A_105, %add3A_104, %dma_wait3A_109] : memref<2x2560x128xi32, #tpu.memory_space<hbm>> -> memref<1x16x128xi32, #tpu.memory_space<hbm>>
    %dma_wait3A_111 = tpu.memref_squeeze %dma_wait3A_110 : memref<1x16x128xi32, #tpu.memory_space<hbm>> -> memref<16x128xi32, #tpu.memory_space<hbm>>
    tpu.wait_dma2 semaphore(%arg14 : memref<!tpu.dma_semaphore, #tpu.memory_space<semaphore_mem>>) src(%dma_wait3A_111 : memref<16x128xi32, #tpu.memory_space<hbm>>) dst(%arg5 : memref<16x128xi32, #tpu.memory_space<vmem>>)
    %dma_wait3A_112 = arith.constant 1 : i32
    %dma_wait3A_113 = arith.constant 0 : i32
    %dma_wait3A_114 = tpu.memref_slice %arg3[%dma_wait3A_112, %add3A_104, %dma_wait3A_113] : memref<2x2560x128xi32, #tpu.memory_space<hbm>> -> memref<1x16x128xi32, #tpu.memory_space<hbm>>
    %dma_wait3A_115 = tpu.memref_squeeze %dma_wait3A_114 : memref<1x16x128xi32, #tpu.memory_space<hbm>> -> memref<16x128xi32, #tpu.memory_space<hbm>>
    %dma_wait3A_116 = arith.constant 0 : i32
    %dma_wait3A_117 = tpu.memref_slice %arg3[%dma_wait3A_112, %add3A_104, %dma_wait3A_116] : memref<2x2560x128xi32, #tpu.memory_space<hbm>> -> memref<1x16x128xi32, #tpu.memory_space<hbm>>
    %dma_wait3A_118 = tpu.memref_squeeze %dma_wait3A_117 : memref<1x16x128xi32, #tpu.memory_space<hbm>> -> memref<16x128xi32, #tpu.memory_space<hbm>>
    tpu.wait_dma2 semaphore(%arg14 : memref<!tpu.dma_semaphore, #tpu.memory_space<semaphore_mem>>) src(%dma_wait3A_118 : memref<16x128xi32, #tpu.memory_space<hbm>>) dst(%arg6 : memref<16x128xi32, #tpu.memory_space<vmem>>)
    %mul3A_119 = arith.constant 80 : i32
    %mul3A_120 = arith.muli %add3A, %mul3A_119 : i32
    %add3A_121 = arith.constant 16 : i32
    %add3A_122 = arith.addi %mul3A_120, %add3A_121 : i32
    %dma_start3A_123 = arith.constant 0 : i32
    %dma_start3A_124 = arith.constant 0 : i32
    %dma_start3A_125 = tpu.memref_slice %arg3[%dma_start3A_123, %add3A_122, %dma_start3A_124] : memref<2x2560x128xi32, #tpu.memory_space<hbm>> -> memref<1x16x128xi32, #tpu.memory_space<hbm>>
    %dma_start3A_126 = tpu.memref_squeeze %dma_start3A_125 : memref<1x16x128xi32, #tpu.memory_space<hbm>> -> memref<16x128xi32, #tpu.memory_space<hbm>>
    %dma_start3A_127 = arith.constant 0 : i32
    %dma_start3A_128 = tpu.memref_slice %arg3[%dma_start3A_123, %add3A_122, %dma_start3A_127] : memref<2x2560x128xi32, #tpu.memory_space<hbm>> -> memref<1x16x128xi32, #tpu.memory_space<hbm>>
    %dma_start3A_129 = tpu.memref_squeeze %dma_start3A_128 : memref<1x16x128xi32, #tpu.memory_space<hbm>> -> memref<16x128xi32, #tpu.memory_space<hbm>>
    tpu.enqueue_dma source(%dma_start3A_129 : memref<16x128xi32, #tpu.memory_space<hbm>>) target(%arg7 : memref<16x128xi32, #tpu.memory_space<vmem>>) target_semaphore(%arg14 : memref<!tpu.dma_semaphore, #tpu.memory_space<semaphore_mem>>)
    %dma_start3A_130 = arith.constant 1 : i32
    %dma_start3A_131 = arith.constant 0 : i32
    %dma_start3A_132 = tpu.memref_slice %arg3[%dma_start3A_130, %add3A_122, %dma_start3A_131] : memref<2x2560x128xi32, #tpu.memory_space<hbm>> -> memref<1x16x128xi32, #tpu.memory_space<hbm>>
    %dma_start3A_133 = tpu.memref_squeeze %dma_start3A_132 : memref<1x16x128xi32, #tpu.memory_space<hbm>> -> memref<16x128xi32, #tpu.memory_space<hbm>>
    %dma_start3A_134 = arith.constant 0 : i32
    %dma_start3A_135 = tpu.memref_slice %arg3[%dma_start3A_130, %add3A_122, %dma_start3A_134] : memref<2x2560x128xi32, #tpu.memory_space<hbm>> -> memref<1x16x128xi32, #tpu.memory_space<hbm>>
    %dma_start3A_136 = tpu.memref_squeeze %dma_start3A_135 : memref<1x16x128xi32, #tpu.memory_space<hbm>> -> memref<16x128xi32, #tpu.memory_space<hbm>>
    tpu.enqueue_dma source(%dma_start3A_136 : memref<16x128xi32, #tpu.memory_space<hbm>>) target(%arg8 : memref<16x128xi32, #tpu.memory_space<vmem>>) target_semaphore(%arg14 : memref<!tpu.dma_semaphore, #tpu.memory_space<semaphore_mem>>)
    %dma_start3A_137 = arith.constant 0 : i32
    %dma_start3A_138 = arith.constant 0 : i32
    %dma_start3A_139 = tpu.memref_slice %arg5[%dma_start3A_137, %dma_start3A_138] : memref<16x128xi32, #tpu.memory_space<vmem>> -> memref<1x128xi32, #tpu.memory_space<vmem>>
    %dma_start3A_140 = tpu.memref_squeeze %dma_start3A_139 : memref<1x128xi32, #tpu.memory_space<vmem>> -> memref<128xi32, #tpu.memory_space<vmem>>
    %dma_start3A_141 = arith.constant 0 : i32
    %dma_start3A_142 = arith.constant 0 : i32
    %dma_start3A_143 = tpu.memref_slice %arg2[%dma_start3A_141, %dma_start3A_142] : memref<10000x128xf32, #tpu.memory_space<hbm>> -> memref<10000x128xf32, #tpu.memory_space<hbm>>
    tpu.enqueue_indirect_dma source(%dma_start3A_143 : memref<10000x128xf32, #tpu.memory_space<hbm>>) target(%arg9 : memref<128x128xf32, #tpu.memory_space<vmem>>) offsets(%dma_start3A_140 : memref<128xi32, #tpu.memory_space<vmem>>) semaphore(%arg12 : memref<!tpu.dma_semaphore, #tpu.memory_space<semaphore_mem>>)
    %scan3A_144 = arith.constant 0 : i32
    %scan3A_145 = arith.constant 7 : i32
    %scan3A_146 = arith.addi %scan3A_144, %scan3A_145 : i32
    %scan3A_147 = arith.constant 1 : i32
    scf.for %scan3A_442 = %scan3A_144 to %scan3A_146 step %scan3A_147  : i32 {
      %mul3A_443 = arith.constant 1 : i32
      %mul3A_444 = arith.muli %scan3A_442, %mul3A_443 : i32
      %add3A_445 = arith.constant 0 : i32
      %add3A_446 = arith.addi %add3A_445, %mul3A_444 : i32
      %mul3A_447 = arith.constant 2 : i32
      %mul3A_448 = arith.muli %mul3A_447, %add3A_446 : i32
      %add3A_449 = arith.constant 1 : i32
      %add3A_450 = arith.addi %mul3A_448, %add3A_449 : i32
      %dma_start3A_451 = arith.constant 0 : i32
      %dma_start3A_452 = tpu.memref_slice %arg5[%add3A_450, %dma_start3A_451] : memref<16x128xi32, #tpu.memory_space<vmem>> -> memref<1x128xi32, #tpu.memory_space<vmem>>
      %dma_start3A_453 = tpu.memref_squeeze %dma_start3A_452 : memref<1x128xi32, #tpu.memory_space<vmem>> -> memref<128xi32, #tpu.memory_space<vmem>>
      %dma_start3A_454 = arith.constant 0 : i32
      %dma_start3A_455 = arith.constant 0 : i32
      %dma_start3A_456 = tpu.memref_slice %arg2[%dma_start3A_454, %dma_start3A_455] : memref<10000x128xf32, #tpu.memory_space<hbm>> -> memref<10000x128xf32, #tpu.memory_space<hbm>>
      tpu.enqueue_indirect_dma source(%dma_start3A_456 : memref<10000x128xf32, #tpu.memory_space<hbm>>) target(%arg10 : memref<128x128xf32, #tpu.memory_space<vmem>>) offsets(%dma_start3A_453 : memref<128xi32, #tpu.memory_space<vmem>>) semaphore(%arg13 : memref<!tpu.dma_semaphore, #tpu.memory_space<semaphore_mem>>)
      %dma_wait3A_457 = arith.constant 0 : i32
      %dma_wait3A_458 = tpu.memref_slice %arg5[%mul3A_448, %dma_wait3A_457] : memref<16x128xi32, #tpu.memory_space<vmem>> -> memref<1x128xi32, #tpu.memory_space<vmem>>
      %dma_wait3A_459 = tpu.memref_squeeze %dma_wait3A_458 : memref<1x128xi32, #tpu.memory_space<vmem>> -> memref<128xi32, #tpu.memory_space<vmem>>
      %dma_wait3A_460 = arith.constant 0 : i32
      %dma_wait3A_461 = arith.constant 0 : i32
      %dma_wait3A_462 = tpu.memref_slice %arg2[%dma_wait3A_460, %dma_wait3A_461] : memref<10000x128xf32, #tpu.memory_space<hbm>> -> memref<10000x128xf32, #tpu.memory_space<hbm>>
      tpu.wait_indirect_dma semaphore(%arg12 : memref<!tpu.dma_semaphore, #tpu.memory_space<semaphore_mem>>) src(%dma_wait3A_462 : memref<10000x128xf32, #tpu.memory_space<hbm>>) dst(%arg9 : memref<128x128xf32, #tpu.memory_space<vmem>>)
      "tpu.region"() ({
        %run_scoped3A_479 = tpu.sem_alloc : memref<!tpu.dma_semaphore, #tpu.memory_space<semaphore_mem>>
        %dma_start3A_480 = arith.constant 0 : i32
        %dma_start3A_481 = tpu.memref_slice %arg6[%mul3A_448, %dma_start3A_480] : memref<16x128xi32, #tpu.memory_space<vmem>> -> memref<1x128xi32, #tpu.memory_space<vmem>>
        %dma_start3A_482 = tpu.memref_squeeze %dma_start3A_481 : memref<1x128xi32, #tpu.memory_space<vmem>> -> memref<128xi32, #tpu.memory_space<vmem>>
        %dma_start3A_483 = arith.constant 0 : i32
        %dma_start3A_484 = arith.constant 0 : i32
        %dma_start3A_485 = tpu.memref_slice %arg11[%dma_start3A_483, %dma_start3A_484] : memref<10240x128xf32, #tpu.memory_space<vmem_shared>> -> memref<10240x128xf32, #tpu.memory_space<vmem_shared>>
        tpu.enqueue_indirect_dma source(%arg9 : memref<128x128xf32, #tpu.memory_space<vmem>>) target(%dma_start3A_485 : memref<10240x128xf32, #tpu.memory_space<vmem_shared>>) offsets(%dma_start3A_482 : memref<128xi32, #tpu.memory_space<vmem>>) semaphore(%run_scoped3A_479 : memref<!tpu.dma_semaphore, #tpu.memory_space<semaphore_mem>>) {add = true}
        %dma_wait3A_486 = arith.constant 0 : i32
        %dma_wait3A_487 = tpu.memref_slice %arg6[%mul3A_448, %dma_wait3A_486] : memref<16x128xi32, #tpu.memory_space<vmem>> -> memref<1x128xi32, #tpu.memory_space<vmem>>
        %dma_wait3A_488 = tpu.memref_squeeze %dma_wait3A_487 : memref<1x128xi32, #tpu.memory_space<vmem>> -> memref<128xi32, #tpu.memory_space<vmem>>
        %dma_wait3A_489 = arith.constant 0 : i32
        %dma_wait3A_490 = arith.constant 0 : i32
        %dma_wait3A_491 = tpu.memref_slice %arg11[%dma_wait3A_489, %dma_wait3A_490] : memref<10240x128xf32, #tpu.memory_space<vmem_shared>> -> memref<10240x128xf32, #tpu.memory_space<vmem_shared>>
        tpu.wait_indirect_dma semaphore(%run_scoped3A_479 : memref<!tpu.dma_semaphore, #tpu.memory_space<semaphore_mem>>) src(%arg9 : memref<128x128xf32, #tpu.memory_space<vmem>>) dst(%dma_wait3A_491 : memref<10240x128xf32, #tpu.memory_space<vmem_shared>>)
        tpu.yield
      }) : () -> ()
      %add3A_463 = arith.constant 2 : i32
      %add3A_464 = arith.addi %mul3A_448, %add3A_463 : i32
      %dma_start3A_465 = arith.constant 0 : i32
      %dma_start3A_466 = tpu.memref_slice %arg5[%add3A_464, %dma_start3A_465] : memref<16x128xi32, #tpu.memory_space<vmem>> -> memref<1x128xi32, #tpu.memory_space<vmem>>
      %dma_start3A_467 = tpu.memref_squeeze %dma_start3A_466 : memref<1x128xi32, #tpu.memory_space<vmem>> -> memref<128xi32, #tpu.memory_space<vmem>>
      %dma_start3A_468 = arith.constant 0 : i32
      %dma_start3A_469 = arith.constant 0 : i32
      %dma_start3A_470 = tpu.memref_slice %arg2[%dma_start3A_468, %dma_start3A_469] : memref<10000x128xf32, #tpu.memory_space<hbm>> -> memref<10000x128xf32, #tpu.memory_space<hbm>>
      tpu.enqueue_indirect_dma source(%dma_start3A_470 : memref<10000x128xf32, #tpu.memory_space<hbm>>) target(%arg9 : memref<128x128xf32, #tpu.memory_space<vmem>>) offsets(%dma_start3A_467 : memref<128xi32, #tpu.memory_space<vmem>>) semaphore(%arg12 : memref<!tpu.dma_semaphore, #tpu.memory_space<semaphore_mem>>)
      %add3A_471 = arith.constant 1 : i32
      %add3A_472 = arith.addi %mul3A_448, %add3A_471 : i32
      %dma_wait3A_473 = arith.constant 0 : i32
      %dma_wait3A_474 = tpu.memref_slice %arg5[%add3A_472, %dma_wait3A_473] : memref<16x128xi32, #tpu.memory_space<vmem>> -> memref<1x128xi32, #tpu.memory_space<vmem>>
      %dma_wait3A_475 = tpu.memref_squeeze %dma_wait3A_474 : memref<1x128xi32, #tpu.memory_space<vmem>> -> memref<128xi32, #tpu.memory_space<vmem>>
      %dma_wait3A_476 = arith.constant 0 : i32
      %dma_wait3A_477 = arith.constant 0 : i32
      %dma_wait3A_478 = tpu.memref_slice %arg2[%dma_wait3A_476, %dma_wait3A_477] : memref<10000x128xf32, #tpu.memory_space<hbm>> -> memref<10000x128xf32, #tpu.memory_space<hbm>>
      tpu.wait_indirect_dma semaphore(%arg13 : memref<!tpu.dma_semaphore, #tpu.memory_space<semaphore_mem>>) src(%dma_wait3A_478 : memref<10000x128xf32, #tpu.memory_space<hbm>>) dst(%arg10 : memref<128x128xf32, #tpu.memory_space<vmem>>)
      "tpu.region"() ({
        %run_scoped3A_479 = tpu.sem_alloc : memref<!tpu.dma_semaphore, #tpu.memory_space<semaphore_mem>>
        %dma_start3A_480 = arith.constant 0 : i32
        %dma_start3A_481 = tpu.memref_slice %arg6[%add3A_472, %dma_start3A_480] : memref<16x128xi32, #tpu.memory_space<vmem>> -> memref<1x128xi32, #tpu.memory_space<vmem>>
        %dma_start3A_482 = tpu.memref_squeeze %dma_start3A_481 : memref<1x128xi32, #tpu.memory_space<vmem>> -> memref<128xi32, #tpu.memory_space<vmem>>
        %dma_start3A_483 = arith.constant 0 : i32
        %dma_start3A_484 = arith.constant 0 : i32
        %dma_start3A_485 = tpu.memref_slice %arg11[%dma_start3A_483, %dma_start3A_484] : memref<10240x128xf32, #tpu.memory_space<vmem_shared>> -> memref<10240x128xf32, #tpu.memory_space<vmem_shared>>
        tpu.enqueue_indirect_dma source(%arg10 : memref<128x128xf32, #tpu.memory_space<vmem>>) target(%dma_start3A_485 : memref<10240x128xf32, #tpu.memory_space<vmem_shared>>) offsets(%dma_start3A_482 : memref<128xi32, #tpu.memory_space<vmem>>) semaphore(%run_scoped3A_479 : memref<!tpu.dma_semaphore, #tpu.memory_space<semaphore_mem>>) {add = true}
        %dma_wait3A_486 = arith.constant 0 : i32
        %dma_wait3A_487 = tpu.memref_slice %arg6[%add3A_472, %dma_wait3A_486] : memref<16x128xi32, #tpu.memory_space<vmem>> -> memref<1x128xi32, #tpu.memory_space<vmem>>
        %dma_wait3A_488 = tpu.memref_squeeze %dma_wait3A_487 : memref<1x128xi32, #tpu.memory_space<vmem>> -> memref<128xi32, #tpu.memory_space<vmem>>
        %dma_wait3A_489 = arith.constant 0 : i32
        %dma_wait3A_490 = arith.constant 0 : i32
        %dma_wait3A_491 = tpu.memref_slice %arg11[%dma_wait3A_489, %dma_wait3A_490] : memref<10240x128xf32, #tpu.memory_space<vmem_shared>> -> memref<10240x128xf32, #tpu.memory_space<vmem_shared>>
        tpu.wait_indirect_dma semaphore(%run_scoped3A_479 : memref<!tpu.dma_semaphore, #tpu.memory_space<semaphore_mem>>) src(%arg10 : memref<128x128xf32, #tpu.memory_space<vmem>>) dst(%dma_wait3A_491 : memref<10240x128xf32, #tpu.memory_space<vmem_shared>>)
        tpu.yield
      }) : () -> ()
    }
    %scan3A_148 = arith.constant 7 : i32
    %dma_start3A_149 = arith.constant 15 : i32
    %dma_start3A_150 = arith.constant 0 : i32
    %dma_start3A_151 = tpu.memref_slice %arg5[%dma_start3A_149, %dma_start3A_150] : memref<16x128xi32, #tpu.memory_space<vmem>> -> memref<1x128xi32, #tpu.memory_space<vmem>>
    %dma_start3A_152 = tpu.memref_squeeze %dma_start3A_151 : memref<1x128xi32, #tpu.memory_space<vmem>> -> memref<128xi32, #tpu.memory_space<vmem>>
    %dma_start3A_153 = arith.constant 0 : i32
    %dma_start3A_154 = arith.constant 0 : i32
    %dma_start3A_155 = tpu.memref_slice %arg2[%dma_start3A_153, %dma_start3A_154] : memref<10000x128xf32, #tpu.memory_space<hbm>> -> memref<10000x128xf32, #tpu.memory_space<hbm>>
    tpu.enqueue_indirect_dma source(%dma_start3A_155 : memref<10000x128xf32, #tpu.memory_space<hbm>>) target(%arg10 : memref<128x128xf32, #tpu.memory_space<vmem>>) offsets(%dma_start3A_152 : memref<128xi32, #tpu.memory_space<vmem>>) semaphore(%arg13 : memref<!tpu.dma_semaphore, #tpu.memory_space<semaphore_mem>>)
    %dma_wait3A_156 = arith.constant 14 : i32
    %dma_wait3A_157 = arith.constant 0 : i32
    %dma_wait3A_158 = tpu.memref_slice %arg5[%dma_wait3A_156, %dma_wait3A_157] : memref<16x128xi32, #tpu.memory_space<vmem>> -> memref<1x128xi32, #tpu.memory_space<vmem>>
    %dma_wait3A_159 = tpu.memref_squeeze %dma_wait3A_158 : memref<1x128xi32, #tpu.memory_space<vmem>> -> memref<128xi32, #tpu.memory_space<vmem>>
    %dma_wait3A_160 = arith.constant 0 : i32
    %dma_wait3A_161 = arith.constant 0 : i32
    %dma_wait3A_162 = tpu.memref_slice %arg2[%dma_wait3A_160, %dma_wait3A_161] : memref<10000x128xf32, #tpu.memory_space<hbm>> -> memref<10000x128xf32, #tpu.memory_space<hbm>>
    tpu.wait_indirect_dma semaphore(%arg12 : memref<!tpu.dma_semaphore, #tpu.memory_space<semaphore_mem>>) src(%dma_wait3A_162 : memref<10000x128xf32, #tpu.memory_space<hbm>>) dst(%arg9 : memref<128x128xf32, #tpu.memory_space<vmem>>)
    %run_scoped3A = arith.constant 14 : i32
    "tpu.region"() ({
      %run_scoped3A_442 = tpu.sem_alloc : memref<!tpu.dma_semaphore, #tpu.memory_space<semaphore_mem>>
      %dma_start3A_443 = arith.constant 0 : i32
      %dma_start3A_444 = tpu.memref_slice %arg6[%run_scoped3A, %dma_start3A_443] : memref<16x128xi32, #tpu.memory_space<vmem>> -> memref<1x128xi32, #tpu.memory_space<vmem>>
      %dma_start3A_445 = tpu.memref_squeeze %dma_start3A_444 : memref<1x128xi32, #tpu.memory_space<vmem>> -> memref<128xi32, #tpu.memory_space<vmem>>
      %dma_start3A_446 = arith.constant 0 : i32
      %dma_start3A_447 = arith.constant 0 : i32
      %dma_start3A_448 = tpu.memref_slice %arg11[%dma_start3A_446, %dma_start3A_447] : memref<10240x128xf32, #tpu.memory_space<vmem_shared>> -> memref<10240x128xf32, #tpu.memory_space<vmem_shared>>
      tpu.enqueue_indirect_dma source(%arg9 : memref<128x128xf32, #tpu.memory_space<vmem>>) target(%dma_start3A_448 : memref<10240x128xf32, #tpu.memory_space<vmem_shared>>) offsets(%dma_start3A_445 : memref<128xi32, #tpu.memory_space<vmem>>) semaphore(%run_scoped3A_442 : memref<!tpu.dma_semaphore, #tpu.memory_space<semaphore_mem>>) {add = true}
      %dma_wait3A_449 = arith.constant 0 : i32
      %dma_wait3A_450 = tpu.memref_slice %arg6[%run_scoped3A, %dma_wait3A_449] : memref<16x128xi32, #tpu.memory_space<vmem>> -> memref<1x128xi32, #tpu.memory_space<vmem>>
      %dma_wait3A_451 = tpu.memref_squeeze %dma_wait3A_450 : memref<1x128xi32, #tpu.memory_space<vmem>> -> memref<128xi32, #tpu.memory_space<vmem>>
      %dma_wait3A_452 = arith.constant 0 : i32
      %dma_wait3A_453 = arith.constant 0 : i32
      %dma_wait3A_454 = tpu.memref_slice %arg11[%dma_wait3A_452, %dma_wait3A_453] : memref<10240x128xf32, #tpu.memory_space<vmem_shared>> -> memref<10240x128xf32, #tpu.memory_space<vmem_shared>>
      tpu.wait_indirect_dma semaphore(%run_scoped3A_442 : memref<!tpu.dma_semaphore, #tpu.memory_space<semaphore_mem>>) src(%arg9 : memref<128x128xf32, #tpu.memory_space<vmem>>) dst(%dma_wait3A_454 : memref<10240x128xf32, #tpu.memory_space<vmem_shared>>)
      tpu.yield
    }) : () -> ()
    %mul3A_163 = arith.constant 80 : i32
    %mul3A_164 = arith.muli %add3A, %mul3A_163 : i32
    %add3A_165 = arith.constant 16 : i32
    %add3A_166 = arith.addi %mul3A_164, %add3A_165 : i32
    %dma_wait3A_167 = arith.constant 0 : i32
    %dma_wait3A_168 = arith.constant 0 : i32
    %dma_wait3A_169 = tpu.memref_slice %arg3[%dma_wait3A_167, %add3A_166, %dma_wait3A_168] : memref<2x2560x128xi32, #tpu.memory_space<hbm>> -> memref<1x16x128xi32, #tpu.memory_space<hbm>>
    %dma_wait3A_170 = tpu.memref_squeeze %dma_wait3A_169 : memref<1x16x128xi32, #tpu.memory_space<hbm>> -> memref<16x128xi32, #tpu.memory_space<hbm>>
    %dma_wait3A_171 = arith.constant 0 : i32
    %dma_wait3A_172 = tpu.memref_slice %arg3[%dma_wait3A_167, %add3A_166, %dma_wait3A_171] : memref<2x2560x128xi32, #tpu.memory_space<hbm>> -> memref<1x16x128xi32, #tpu.memory_space<hbm>>
    %dma_wait3A_173 = tpu.memref_squeeze %dma_wait3A_172 : memref<1x16x128xi32, #tpu.memory_space<hbm>> -> memref<16x128xi32, #tpu.memory_space<hbm>>
    tpu.wait_dma2 semaphore(%arg14 : memref<!tpu.dma_semaphore, #tpu.memory_space<semaphore_mem>>) src(%dma_wait3A_173 : memref<16x128xi32, #tpu.memory_space<hbm>>) dst(%arg7 : memref<16x128xi32, #tpu.memory_space<vmem>>)
    %dma_wait3A_174 = arith.constant 1 : i32
    %dma_wait3A_175 = arith.constant 0 : i32
    %dma_wait3A_176 = tpu.memref_slice %arg3[%dma_wait3A_174, %add3A_166, %dma_wait3A_175] : memref<2x2560x128xi32, #tpu.memory_space<hbm>> -> memref<1x16x128xi32, #tpu.memory_space<hbm>>
    %dma_wait3A_177 = tpu.memref_squeeze %dma_wait3A_176 : memref<1x16x128xi32, #tpu.memory_space<hbm>> -> memref<16x128xi32, #tpu.memory_space<hbm>>
    %dma_wait3A_178 = arith.constant 0 : i32
    %dma_wait3A_179 = tpu.memref_slice %arg3[%dma_wait3A_174, %add3A_166, %dma_wait3A_178] : memref<2x2560x128xi32, #tpu.memory_space<hbm>> -> memref<1x16x128xi32, #tpu.memory_space<hbm>>
    %dma_wait3A_180 = tpu.memref_squeeze %dma_wait3A_179 : memref<1x16x128xi32, #tpu.memory_space<hbm>> -> memref<16x128xi32, #tpu.memory_space<hbm>>
    tpu.wait_dma2 semaphore(%arg14 : memref<!tpu.dma_semaphore, #tpu.memory_space<semaphore_mem>>) src(%dma_wait3A_180 : memref<16x128xi32, #tpu.memory_space<hbm>>) dst(%arg8 : memref<16x128xi32, #tpu.memory_space<vmem>>)
    %dma_start3A_181 = arith.constant 0 : i32
    %dma_start3A_182 = arith.constant 0 : i32
    %dma_start3A_183 = tpu.memref_slice %arg7[%dma_start3A_181, %dma_start3A_182] : memref<16x128xi32, #tpu.memory_space<vmem>> -> memref<1x128xi32, #tpu.memory_space<vmem>>
    %dma_start3A_184 = tpu.memref_squeeze %dma_start3A_183 : memref<1x128xi32, #tpu.memory_space<vmem>> -> memref<128xi32, #tpu.memory_space<vmem>>
    %dma_start3A_185 = arith.constant 0 : i32
    %dma_start3A_186 = arith.constant 0 : i32
    %dma_start3A_187 = tpu.memref_slice %arg2[%dma_start3A_185, %dma_start3A_186] : memref<10000x128xf32, #tpu.memory_space<hbm>> -> memref<10000x128xf32, #tpu.memory_space<hbm>>
    tpu.enqueue_indirect_dma source(%dma_start3A_187 : memref<10000x128xf32, #tpu.memory_space<hbm>>) target(%arg9 : memref<128x128xf32, #tpu.memory_space<vmem>>) offsets(%dma_start3A_184 : memref<128xi32, #tpu.memory_space<vmem>>) semaphore(%arg12 : memref<!tpu.dma_semaphore, #tpu.memory_space<semaphore_mem>>)
    %dma_wait3A_188 = arith.constant 15 : i32
    %dma_wait3A_189 = arith.constant 0 : i32
    %dma_wait3A_190 = tpu.memref_slice %arg5[%dma_wait3A_188, %dma_wait3A_189] : memref<16x128xi32, #tpu.memory_space<vmem>> -> memref<1x128xi32, #tpu.memory_space<vmem>>
    %dma_wait3A_191 = tpu.memref_squeeze %dma_wait3A_190 : memref<1x128xi32, #tpu.memory_space<vmem>> -> memref<128xi32, #tpu.memory_space<vmem>>
    %dma_wait3A_192 = arith.constant 0 : i32
    %dma_wait3A_193 = arith.constant 0 : i32
    %dma_wait3A_194 = tpu.memref_slice %arg2[%dma_wait3A_192, %dma_wait3A_193] : memref<10000x128xf32, #tpu.memory_space<hbm>> -> memref<10000x128xf32, #tpu.memory_space<hbm>>
    tpu.wait_indirect_dma semaphore(%arg13 : memref<!tpu.dma_semaphore, #tpu.memory_space<semaphore_mem>>) src(%dma_wait3A_194 : memref<10000x128xf32, #tpu.memory_space<hbm>>) dst(%arg10 : memref<128x128xf32, #tpu.memory_space<vmem>>)
    %run_scoped3A_195 = arith.constant 15 : i32
    "tpu.region"() ({
      %run_scoped3A_442 = tpu.sem_alloc : memref<!tpu.dma_semaphore, #tpu.memory_space<semaphore_mem>>
      %dma_start3A_443 = arith.constant 0 : i32
      %dma_start3A_444 = tpu.memref_slice %arg6[%run_scoped3A_195, %dma_start3A_443] : memref<16x128xi32, #tpu.memory_space<vmem>> -> memref<1x128xi32, #tpu.memory_space<vmem>>
      %dma_start3A_445 = tpu.memref_squeeze %dma_start3A_444 : memref<1x128xi32, #tpu.memory_space<vmem>> -> memref<128xi32, #tpu.memory_space<vmem>>
      %dma_start3A_446 = arith.constant 0 : i32
      %dma_start3A_447 = arith.constant 0 : i32
      %dma_start3A_448 = tpu.memref_slice %arg11[%dma_start3A_446, %dma_start3A_447] : memref<10240x128xf32, #tpu.memory_space<vmem_shared>> -> memref<10240x128xf32, #tpu.memory_space<vmem_shared>>
      tpu.enqueue_indirect_dma source(%arg10 : memref<128x128xf32, #tpu.memory_space<vmem>>) target(%dma_start3A_448 : memref<10240x128xf32, #tpu.memory_space<vmem_shared>>) offsets(%dma_start3A_445 : memref<128xi32, #tpu.memory_space<vmem>>) semaphore(%run_scoped3A_442 : memref<!tpu.dma_semaphore, #tpu.memory_space<semaphore_mem>>) {add = true}
      %dma_wait3A_449 = arith.constant 0 : i32
      %dma_wait3A_450 = tpu.memref_slice %arg6[%run_scoped3A_195, %dma_wait3A_449] : memref<16x128xi32, #tpu.memory_space<vmem>> -> memref<1x128xi32, #tpu.memory_space<vmem>>
      %dma_wait3A_451 = tpu.memref_squeeze %dma_wait3A_450 : memref<1x128xi32, #tpu.memory_space<vmem>> -> memref<128xi32, #tpu.memory_space<vmem>>
      %dma_wait3A_452 = arith.constant 0 : i32
      %dma_wait3A_453 = arith.constant 0 : i32
      %dma_wait3A_454 = tpu.memref_slice %arg11[%dma_wait3A_452, %dma_wait3A_453] : memref<10240x128xf32, #tpu.memory_space<vmem_shared>> -> memref<10240x128xf32, #tpu.memory_space<vmem_shared>>
      tpu.wait_indirect_dma semaphore(%run_scoped3A_442 : memref<!tpu.dma_semaphore, #tpu.memory_space<semaphore_mem>>) src(%arg10 : memref<128x128xf32, #tpu.memory_space<vmem>>) dst(%dma_wait3A_454 : memref<10240x128xf32, #tpu.memory_space<vmem_shared>>)
      tpu.yield
    }) : () -> ()
    %mul3A_196 = arith.constant 80 : i32
    %mul3A_197 = arith.muli %add3A, %mul3A_196 : i32
    %add3A_198 = arith.constant 32 : i32
    %add3A_199 = arith.addi %mul3A_197, %add3A_198 : i32
    %dma_start3A_200 = arith.constant 0 : i32
    %dma_start3A_201 = arith.constant 0 : i32
    %dma_start3A_202 = tpu.memref_slice %arg3[%dma_start3A_200, %add3A_199, %dma_start3A_201] : memref<2x2560x128xi32, #tpu.memory_space<hbm>> -> memref<1x16x128xi32, #tpu.memory_space<hbm>>
    %dma_start3A_203 = tpu.memref_squeeze %dma_start3A_202 : memref<1x16x128xi32, #tpu.memory_space<hbm>> -> memref<16x128xi32, #tpu.memory_space<hbm>>
    %dma_start3A_204 = arith.constant 0 : i32
    %dma_start3A_205 = tpu.memref_slice %arg3[%dma_start3A_200, %add3A_199, %dma_start3A_204] : memref<2x2560x128xi32, #tpu.memory_space<hbm>> -> memref<1x16x128xi32, #tpu.memory_space<hbm>>
    %dma_start3A_206 = tpu.memref_squeeze %dma_start3A_205 : memref<1x16x128xi32, #tpu.memory_space<hbm>> -> memref<16x128xi32, #tpu.memory_space<hbm>>
    tpu.enqueue_dma source(%dma_start3A_206 : memref<16x128xi32, #tpu.memory_space<hbm>>) target(%arg5 : memref<16x128xi32, #tpu.memory_space<vmem>>) target_semaphore(%arg14 : memref<!tpu.dma_semaphore, #tpu.memory_space<semaphore_mem>>)
    %dma_start3A_207 = arith.constant 1 : i32
    %dma_start3A_208 = arith.constant 0 : i32
    %dma_start3A_209 = tpu.memref_slice %arg3[%dma_start3A_207, %add3A_199, %dma_start3A_208] : memref<2x2560x128xi32, #tpu.memory_space<hbm>> -> memref<1x16x128xi32, #tpu.memory_space<hbm>>
    %dma_start3A_210 = tpu.memref_squeeze %dma_start3A_209 : memref<1x16x128xi32, #tpu.memory_space<hbm>> -> memref<16x128xi32, #tpu.memory_space<hbm>>
    %dma_start3A_211 = arith.constant 0 : i32
    %dma_start3A_212 = tpu.memref_slice %arg3[%dma_start3A_207, %add3A_199, %dma_start3A_211] : memref<2x2560x128xi32, #tpu.memory_space<hbm>> -> memref<1x16x128xi32, #tpu.memory_space<hbm>>
    %dma_start3A_213 = tpu.memref_squeeze %dma_start3A_212 : memref<1x16x128xi32, #tpu.memory_space<hbm>> -> memref<16x128xi32, #tpu.memory_space<hbm>>
    tpu.enqueue_dma source(%dma_start3A_213 : memref<16x128xi32, #tpu.memory_space<hbm>>) target(%arg6 : memref<16x128xi32, #tpu.memory_space<vmem>>) target_semaphore(%arg14 : memref<!tpu.dma_semaphore, #tpu.memory_space<semaphore_mem>>)
    %scan3A_214 = arith.constant 0 : i32
    %scan3A_215 = arith.constant 7 : i32
    %scan3A_216 = arith.addi %scan3A_214, %scan3A_215 : i32
    %scan3A_217 = arith.constant 1 : i32
    scf.for %scan3A_442 = %scan3A_214 to %scan3A_216 step %scan3A_217  : i32 {
      %mul3A_443 = arith.constant 1 : i32
      %mul3A_444 = arith.muli %scan3A_442, %mul3A_443 : i32
      %add3A_445 = arith.constant 0 : i32
      %add3A_446 = arith.addi %add3A_445, %mul3A_444 : i32
      %mul3A_447 = arith.constant 2 : i32
      %mul3A_448 = arith.muli %mul3A_447, %add3A_446 : i32
      %add3A_449 = arith.constant 1 : i32
      %add3A_450 = arith.addi %mul3A_448, %add3A_449 : i32
      %dma_start3A_451 = arith.constant 0 : i32
      %dma_start3A_452 = tpu.memref_slice %arg7[%add3A_450, %dma_start3A_451] : memref<16x128xi32, #tpu.memory_space<vmem>> -> memref<1x128xi32, #tpu.memory_space<vmem>>
      %dma_start3A_453 = tpu.memref_squeeze %dma_start3A_452 : memref<1x128xi32, #tpu.memory_space<vmem>> -> memref<128xi32, #tpu.memory_space<vmem>>
      %dma_start3A_454 = arith.constant 0 : i32
      %dma_start3A_455 = arith.constant 0 : i32
      %dma_start3A_456 = tpu.memref_slice %arg2[%dma_start3A_454, %dma_start3A_455] : memref<10000x128xf32, #tpu.memory_space<hbm>> -> memref<10000x128xf32, #tpu.memory_space<hbm>>
      tpu.enqueue_indirect_dma source(%dma_start3A_456 : memref<10000x128xf32, #tpu.memory_space<hbm>>) target(%arg10 : memref<128x128xf32, #tpu.memory_space<vmem>>) offsets(%dma_start3A_453 : memref<128xi32, #tpu.memory_space<vmem>>) semaphore(%arg13 : memref<!tpu.dma_semaphore, #tpu.memory_space<semaphore_mem>>)
      %dma_wait3A_457 = arith.constant 0 : i32
      %dma_wait3A_458 = tpu.memref_slice %arg7[%mul3A_448, %dma_wait3A_457] : memref<16x128xi32, #tpu.memory_space<vmem>> -> memref<1x128xi32, #tpu.memory_space<vmem>>
      %dma_wait3A_459 = tpu.memref_squeeze %dma_wait3A_458 : memref<1x128xi32, #tpu.memory_space<vmem>> -> memref<128xi32, #tpu.memory_space<vmem>>
      %dma_wait3A_460 = arith.constant 0 : i32
      %dma_wait3A_461 = arith.constant 0 : i32
      %dma_wait3A_462 = tpu.memref_slice %arg2[%dma_wait3A_460, %dma_wait3A_461] : memref<10000x128xf32, #tpu.memory_space<hbm>> -> memref<10000x128xf32, #tpu.memory_space<hbm>>
      tpu.wait_indirect_dma semaphore(%arg12 : memref<!tpu.dma_semaphore, #tpu.memory_space<semaphore_mem>>) src(%dma_wait3A_462 : memref<10000x128xf32, #tpu.memory_space<hbm>>) dst(%arg9 : memref<128x128xf32, #tpu.memory_space<vmem>>)
      "tpu.region"() ({
        %run_scoped3A_479 = tpu.sem_alloc : memref<!tpu.dma_semaphore, #tpu.memory_space<semaphore_mem>>
        %dma_start3A_480 = arith.constant 0 : i32
        %dma_start3A_481 = tpu.memref_slice %arg8[%mul3A_448, %dma_start3A_480] : memref<16x128xi32, #tpu.memory_space<vmem>> -> memref<1x128xi32, #tpu.memory_space<vmem>>
        %dma_start3A_482 = tpu.memref_squeeze %dma_start3A_481 : memref<1x128xi32, #tpu.memory_space<vmem>> -> memref<128xi32, #tpu.memory_space<vmem>>
        %dma_start3A_483 = arith.constant 0 : i32
        %dma_start3A_484 = arith.constant 0 : i32
        %dma_start3A_485 = tpu.memref_slice %arg11[%dma_start3A_483, %dma_start3A_484] : memref<10240x128xf32, #tpu.memory_space<vmem_shared>> -> memref<10240x128xf32, #tpu.memory_space<vmem_shared>>
        tpu.enqueue_indirect_dma source(%arg9 : memref<128x128xf32, #tpu.memory_space<vmem>>) target(%dma_start3A_485 : memref<10240x128xf32, #tpu.memory_space<vmem_shared>>) offsets(%dma_start3A_482 : memref<128xi32, #tpu.memory_space<vmem>>) semaphore(%run_scoped3A_479 : memref<!tpu.dma_semaphore, #tpu.memory_space<semaphore_mem>>) {add = true}
        %dma_wait3A_486 = arith.constant 0 : i32
        %dma_wait3A_487 = tpu.memref_slice %arg8[%mul3A_448, %dma_wait3A_486] : memref<16x128xi32, #tpu.memory_space<vmem>> -> memref<1x128xi32, #tpu.memory_space<vmem>>
        %dma_wait3A_488 = tpu.memref_squeeze %dma_wait3A_487 : memref<1x128xi32, #tpu.memory_space<vmem>> -> memref<128xi32, #tpu.memory_space<vmem>>
        %dma_wait3A_489 = arith.constant 0 : i32
        %dma_wait3A_490 = arith.constant 0 : i32
        %dma_wait3A_491 = tpu.memref_slice %arg11[%dma_wait3A_489, %dma_wait3A_490] : memref<10240x128xf32, #tpu.memory_space<vmem_shared>> -> memref<10240x128xf32, #tpu.memory_space<vmem_shared>>
        tpu.wait_indirect_dma semaphore(%run_scoped3A_479 : memref<!tpu.dma_semaphore, #tpu.memory_space<semaphore_mem>>) src(%arg9 : memref<128x128xf32, #tpu.memory_space<vmem>>) dst(%dma_wait3A_491 : memref<10240x128xf32, #tpu.memory_space<vmem_shared>>)
        tpu.yield
      }) : () -> ()
      %add3A_463 = arith.constant 2 : i32
      %add3A_464 = arith.addi %mul3A_448, %add3A_463 : i32
      %dma_start3A_465 = arith.constant 0 : i32
      %dma_start3A_466 = tpu.memref_slice %arg7[%add3A_464, %dma_start3A_465] : memref<16x128xi32, #tpu.memory_space<vmem>> -> memref<1x128xi32, #tpu.memory_space<vmem>>
      %dma_start3A_467 = tpu.memref_squeeze %dma_start3A_466 : memref<1x128xi32, #tpu.memory_space<vmem>> -> memref<128xi32, #tpu.memory_space<vmem>>
      %dma_start3A_468 = arith.constant 0 : i32
      %dma_start3A_469 = arith.constant 0 : i32
      %dma_start3A_470 = tpu.memref_slice %arg2[%dma_start3A_468, %dma_start3A_469] : memref<10000x128xf32, #tpu.memory_space<hbm>> -> memref<10000x128xf32, #tpu.memory_space<hbm>>
      tpu.enqueue_indirect_dma source(%dma_start3A_470 : memref<10000x128xf32, #tpu.memory_space<hbm>>) target(%arg9 : memref<128x128xf32, #tpu.memory_space<vmem>>) offsets(%dma_start3A_467 : memref<128xi32, #tpu.memory_space<vmem>>) semaphore(%arg12 : memref<!tpu.dma_semaphore, #tpu.memory_space<semaphore_mem>>)
      %add3A_471 = arith.constant 1 : i32
      %add3A_472 = arith.addi %mul3A_448, %add3A_471 : i32
      %dma_wait3A_473 = arith.constant 0 : i32
      %dma_wait3A_474 = tpu.memref_slice %arg7[%add3A_472, %dma_wait3A_473] : memref<16x128xi32, #tpu.memory_space<vmem>> -> memref<1x128xi32, #tpu.memory_space<vmem>>
      %dma_wait3A_475 = tpu.memref_squeeze %dma_wait3A_474 : memref<1x128xi32, #tpu.memory_space<vmem>> -> memref<128xi32, #tpu.memory_space<vmem>>
      %dma_wait3A_476 = arith.constant 0 : i32
      %dma_wait3A_477 = arith.constant 0 : i32
      %dma_wait3A_478 = tpu.memref_slice %arg2[%dma_wait3A_476, %dma_wait3A_477] : memref<10000x128xf32, #tpu.memory_space<hbm>> -> memref<10000x128xf32, #tpu.memory_space<hbm>>
      tpu.wait_indirect_dma semaphore(%arg13 : memref<!tpu.dma_semaphore, #tpu.memory_space<semaphore_mem>>) src(%dma_wait3A_478 : memref<10000x128xf32, #tpu.memory_space<hbm>>) dst(%arg10 : memref<128x128xf32, #tpu.memory_space<vmem>>)
      "tpu.region"() ({
        %run_scoped3A_479 = tpu.sem_alloc : memref<!tpu.dma_semaphore, #tpu.memory_space<semaphore_mem>>
        %dma_start3A_480 = arith.constant 0 : i32
        %dma_start3A_481 = tpu.memref_slice %arg8[%add3A_472, %dma_start3A_480] : memref<16x128xi32, #tpu.memory_space<vmem>> -> memref<1x128xi32, #tpu.memory_space<vmem>>
        %dma_start3A_482 = tpu.memref_squeeze %dma_start3A_481 : memref<1x128xi32, #tpu.memory_space<vmem>> -> memref<128xi32, #tpu.memory_space<vmem>>
        %dma_start3A_483 = arith.constant 0 : i32
        %dma_start3A_484 = arith.constant 0 : i32
        %dma_start3A_485 = tpu.memref_slice %arg11[%dma_start3A_483, %dma_start3A_484] : memref<10240x128xf32, #tpu.memory_space<vmem_shared>> -> memref<10240x128xf32, #tpu.memory_space<vmem_shared>>
        tpu.enqueue_indirect_dma source(%arg10 : memref<128x128xf32, #tpu.memory_space<vmem>>) target(%dma_start3A_485 : memref<10240x128xf32, #tpu.memory_space<vmem_shared>>) offsets(%dma_start3A_482 : memref<128xi32, #tpu.memory_space<vmem>>) semaphore(%run_scoped3A_479 : memref<!tpu.dma_semaphore, #tpu.memory_space<semaphore_mem>>) {add = true}
        %dma_wait3A_486 = arith.constant 0 : i32
        %dma_wait3A_487 = tpu.memref_slice %arg8[%add3A_472, %dma_wait3A_486] : memref<16x128xi32, #tpu.memory_space<vmem>> -> memref<1x128xi32, #tpu.memory_space<vmem>>
        %dma_wait3A_488 = tpu.memref_squeeze %dma_wait3A_487 : memref<1x128xi32, #tpu.memory_space<vmem>> -> memref<128xi32, #tpu.memory_space<vmem>>
        %dma_wait3A_489 = arith.constant 0 : i32
        %dma_wait3A_490 = arith.constant 0 : i32
        %dma_wait3A_491 = tpu.memref_slice %arg11[%dma_wait3A_489, %dma_wait3A_490] : memref<10240x128xf32, #tpu.memory_space<vmem_shared>> -> memref<10240x128xf32, #tpu.memory_space<vmem_shared>>
        tpu.wait_indirect_dma semaphore(%run_scoped3A_479 : memref<!tpu.dma_semaphore, #tpu.memory_space<semaphore_mem>>) src(%arg10 : memref<128x128xf32, #tpu.memory_space<vmem>>) dst(%dma_wait3A_491 : memref<10240x128xf32, #tpu.memory_space<vmem_shared>>)
        tpu.yield
      }) : () -> ()
    }
    %scan3A_218 = arith.constant 7 : i32
    %dma_start3A_219 = arith.constant 15 : i32
    %dma_start3A_220 = arith.constant 0 : i32
    %dma_start3A_221 = tpu.memref_slice %arg7[%dma_start3A_219, %dma_start3A_220] : memref<16x128xi32, #tpu.memory_space<vmem>> -> memref<1x128xi32, #tpu.memory_space<vmem>>
    %dma_start3A_222 = tpu.memref_squeeze %dma_start3A_221 : memref<1x128xi32, #tpu.memory_space<vmem>> -> memref<128xi32, #tpu.memory_space<vmem>>
    %dma_start3A_223 = arith.constant 0 : i32
    %dma_start3A_224 = arith.constant 0 : i32
    %dma_start3A_225 = tpu.memref_slice %arg2[%dma_start3A_223, %dma_start3A_224] : memref<10000x128xf32, #tpu.memory_space<hbm>> -> memref<10000x128xf32, #tpu.memory_space<hbm>>
    tpu.enqueue_indirect_dma source(%dma_start3A_225 : memref<10000x128xf32, #tpu.memory_space<hbm>>) target(%arg10 : memref<128x128xf32, #tpu.memory_space<vmem>>) offsets(%dma_start3A_222 : memref<128xi32, #tpu.memory_space<vmem>>) semaphore(%arg13 : memref<!tpu.dma_semaphore, #tpu.memory_space<semaphore_mem>>)
    %dma_wait3A_226 = arith.constant 14 : i32
    %dma_wait3A_227 = arith.constant 0 : i32
    %dma_wait3A_228 = tpu.memref_slice %arg7[%dma_wait3A_226, %dma_wait3A_227] : memref<16x128xi32, #tpu.memory_space<vmem>> -> memref<1x128xi32, #tpu.memory_space<vmem>>
    %dma_wait3A_229 = tpu.memref_squeeze %dma_wait3A_228 : memref<1x128xi32, #tpu.memory_space<vmem>> -> memref<128xi32, #tpu.memory_space<vmem>>
    %dma_wait3A_230 = arith.constant 0 : i32
    %dma_wait3A_231 = arith.constant 0 : i32
    %dma_wait3A_232 = tpu.memref_slice %arg2[%dma_wait3A_230, %dma_wait3A_231] : memref<10000x128xf32, #tpu.memory_space<hbm>> -> memref<10000x128xf32, #tpu.memory_space<hbm>>
    tpu.wait_indirect_dma semaphore(%arg12 : memref<!tpu.dma_semaphore, #tpu.memory_space<semaphore_mem>>) src(%dma_wait3A_232 : memref<10000x128xf32, #tpu.memory_space<hbm>>) dst(%arg9 : memref<128x128xf32, #tpu.memory_space<vmem>>)
    %run_scoped3A_233 = arith.constant 14 : i32
    "tpu.region"() ({
      %run_scoped3A_442 = tpu.sem_alloc : memref<!tpu.dma_semaphore, #tpu.memory_space<semaphore_mem>>
      %dma_start3A_443 = arith.constant 0 : i32
      %dma_start3A_444 = tpu.memref_slice %arg8[%run_scoped3A_233, %dma_start3A_443] : memref<16x128xi32, #tpu.memory_space<vmem>> -> memref<1x128xi32, #tpu.memory_space<vmem>>
      %dma_start3A_445 = tpu.memref_squeeze %dma_start3A_444 : memref<1x128xi32, #tpu.memory_space<vmem>> -> memref<128xi32, #tpu.memory_space<vmem>>
      %dma_start3A_446 = arith.constant 0 : i32
      %dma_start3A_447 = arith.constant 0 : i32
      %dma_start3A_448 = tpu.memref_slice %arg11[%dma_start3A_446, %dma_start3A_447] : memref<10240x128xf32, #tpu.memory_space<vmem_shared>> -> memref<10240x128xf32, #tpu.memory_space<vmem_shared>>
      tpu.enqueue_indirect_dma source(%arg9 : memref<128x128xf32, #tpu.memory_space<vmem>>) target(%dma_start3A_448 : memref<10240x128xf32, #tpu.memory_space<vmem_shared>>) offsets(%dma_start3A_445 : memref<128xi32, #tpu.memory_space<vmem>>) semaphore(%run_scoped3A_442 : memref<!tpu.dma_semaphore, #tpu.memory_space<semaphore_mem>>) {add = true}
      %dma_wait3A_449 = arith.constant 0 : i32
      %dma_wait3A_450 = tpu.memref_slice %arg8[%run_scoped3A_233, %dma_wait3A_449] : memref<16x128xi32, #tpu.memory_space<vmem>> -> memref<1x128xi32, #tpu.memory_space<vmem>>
      %dma_wait3A_451 = tpu.memref_squeeze %dma_wait3A_450 : memref<1x128xi32, #tpu.memory_space<vmem>> -> memref<128xi32, #tpu.memory_space<vmem>>
      %dma_wait3A_452 = arith.constant 0 : i32
      %dma_wait3A_453 = arith.constant 0 : i32
      %dma_wait3A_454 = tpu.memref_slice %arg11[%dma_wait3A_452, %dma_wait3A_453] : memref<10240x128xf32, #tpu.memory_space<vmem_shared>> -> memref<10240x128xf32, #tpu.memory_space<vmem_shared>>
      tpu.wait_indirect_dma semaphore(%run_scoped3A_442 : memref<!tpu.dma_semaphore, #tpu.memory_space<semaphore_mem>>) src(%arg9 : memref<128x128xf32, #tpu.memory_space<vmem>>) dst(%dma_wait3A_454 : memref<10240x128xf32, #tpu.memory_space<vmem_shared>>)
      tpu.yield
    }) : () -> ()
    %mul3A_234 = arith.constant 80 : i32
    %mul3A_235 = arith.muli %add3A, %mul3A_234 : i32
    %add3A_236 = arith.constant 32 : i32
    %add3A_237 = arith.addi %mul3A_235, %add3A_236 : i32
    %dma_wait3A_238 = arith.constant 0 : i32
    %dma_wait3A_239 = arith.constant 0 : i32
    %dma_wait3A_240 = tpu.memref_slice %arg3[%dma_wait3A_238, %add3A_237, %dma_wait3A_239] : memref<2x2560x128xi32, #tpu.memory_space<hbm>> -> memref<1x16x128xi32, #tpu.memory_space<hbm>>
    %dma_wait3A_241 = tpu.memref_squeeze %dma_wait3A_240 : memref<1x16x128xi32, #tpu.memory_space<hbm>> -> memref<16x128xi32, #tpu.memory_space<hbm>>
    %dma_wait3A_242 = arith.constant 0 : i32
    %dma_wait3A_243 = tpu.memref_slice %arg3[%dma_wait3A_238, %add3A_237, %dma_wait3A_242] : memref<2x2560x128xi32, #tpu.memory_space<hbm>> -> memref<1x16x128xi32, #tpu.memory_space<hbm>>
    %dma_wait3A_244 = tpu.memref_squeeze %dma_wait3A_243 : memref<1x16x128xi32, #tpu.memory_space<hbm>> -> memref<16x128xi32, #tpu.memory_space<hbm>>
    tpu.wait_dma2 semaphore(%arg14 : memref<!tpu.dma_semaphore, #tpu.memory_space<semaphore_mem>>) src(%dma_wait3A_244 : memref<16x128xi32, #tpu.memory_space<hbm>>) dst(%arg5 : memref<16x128xi32, #tpu.memory_space<vmem>>)
    %dma_wait3A_245 = arith.constant 1 : i32
    %dma_wait3A_246 = arith.constant 0 : i32
    %dma_wait3A_247 = tpu.memref_slice %arg3[%dma_wait3A_245, %add3A_237, %dma_wait3A_246] : memref<2x2560x128xi32, #tpu.memory_space<hbm>> -> memref<1x16x128xi32, #tpu.memory_space<hbm>>
    %dma_wait3A_248 = tpu.memref_squeeze %dma_wait3A_247 : memref<1x16x128xi32, #tpu.memory_space<hbm>> -> memref<16x128xi32, #tpu.memory_space<hbm>>
    %dma_wait3A_249 = arith.constant 0 : i32
    %dma_wait3A_250 = tpu.memref_slice %arg3[%dma_wait3A_245, %add3A_237, %dma_wait3A_249] : memref<2x2560x128xi32, #tpu.memory_space<hbm>> -> memref<1x16x128xi32, #tpu.memory_space<hbm>>
    %dma_wait3A_251 = tpu.memref_squeeze %dma_wait3A_250 : memref<1x16x128xi32, #tpu.memory_space<hbm>> -> memref<16x128xi32, #tpu.memory_space<hbm>>
    tpu.wait_dma2 semaphore(%arg14 : memref<!tpu.dma_semaphore, #tpu.memory_space<semaphore_mem>>) src(%dma_wait3A_251 : memref<16x128xi32, #tpu.memory_space<hbm>>) dst(%arg6 : memref<16x128xi32, #tpu.memory_space<vmem>>)
    %dma_start3A_252 = arith.constant 0 : i32
    %dma_start3A_253 = arith.constant 0 : i32
    %dma_start3A_254 = tpu.memref_slice %arg5[%dma_start3A_252, %dma_start3A_253] : memref<16x128xi32, #tpu.memory_space<vmem>> -> memref<1x128xi32, #tpu.memory_space<vmem>>
    %dma_start3A_255 = tpu.memref_squeeze %dma_start3A_254 : memref<1x128xi32, #tpu.memory_space<vmem>> -> memref<128xi32, #tpu.memory_space<vmem>>
    %dma_start3A_256 = arith.constant 0 : i32
    %dma_start3A_257 = arith.constant 0 : i32
    %dma_start3A_258 = tpu.memref_slice %arg2[%dma_start3A_256, %dma_start3A_257] : memref<10000x128xf32, #tpu.memory_space<hbm>> -> memref<10000x128xf32, #tpu.memory_space<hbm>>
    tpu.enqueue_indirect_dma source(%dma_start3A_258 : memref<10000x128xf32, #tpu.memory_space<hbm>>) target(%arg9 : memref<128x128xf32, #tpu.memory_space<vmem>>) offsets(%dma_start3A_255 : memref<128xi32, #tpu.memory_space<vmem>>) semaphore(%arg12 : memref<!tpu.dma_semaphore, #tpu.memory_space<semaphore_mem>>)
    %dma_wait3A_259 = arith.constant 15 : i32
    %dma_wait3A_260 = arith.constant 0 : i32
    %dma_wait3A_261 = tpu.memref_slice %arg7[%dma_wait3A_259, %dma_wait3A_260] : memref<16x128xi32, #tpu.memory_space<vmem>> -> memref<1x128xi32, #tpu.memory_space<vmem>>
    %dma_wait3A_262 = tpu.memref_squeeze %dma_wait3A_261 : memref<1x128xi32, #tpu.memory_space<vmem>> -> memref<128xi32, #tpu.memory_space<vmem>>
    %dma_wait3A_263 = arith.constant 0 : i32
    %dma_wait3A_264 = arith.constant 0 : i32
    %dma_wait3A_265 = tpu.memref_slice %arg2[%dma_wait3A_263, %dma_wait3A_264] : memref<10000x128xf32, #tpu.memory_space<hbm>> -> memref<10000x128xf32, #tpu.memory_space<hbm>>
    tpu.wait_indirect_dma semaphore(%arg13 : memref<!tpu.dma_semaphore, #tpu.memory_space<semaphore_mem>>) src(%dma_wait3A_265 : memref<10000x128xf32, #tpu.memory_space<hbm>>) dst(%arg10 : memref<128x128xf32, #tpu.memory_space<vmem>>)
    %run_scoped3A_266 = arith.constant 15 : i32
    "tpu.region"() ({
      %run_scoped3A_442 = tpu.sem_alloc : memref<!tpu.dma_semaphore, #tpu.memory_space<semaphore_mem>>
      %dma_start3A_443 = arith.constant 0 : i32
      %dma_start3A_444 = tpu.memref_slice %arg8[%run_scoped3A_266, %dma_start3A_443] : memref<16x128xi32, #tpu.memory_space<vmem>> -> memref<1x128xi32, #tpu.memory_space<vmem>>
      %dma_start3A_445 = tpu.memref_squeeze %dma_start3A_444 : memref<1x128xi32, #tpu.memory_space<vmem>> -> memref<128xi32, #tpu.memory_space<vmem>>
      %dma_start3A_446 = arith.constant 0 : i32
      %dma_start3A_447 = arith.constant 0 : i32
      %dma_start3A_448 = tpu.memref_slice %arg11[%dma_start3A_446, %dma_start3A_447] : memref<10240x128xf32, #tpu.memory_space<vmem_shared>> -> memref<10240x128xf32, #tpu.memory_space<vmem_shared>>
      tpu.enqueue_indirect_dma source(%arg10 : memref<128x128xf32, #tpu.memory_space<vmem>>) target(%dma_start3A_448 : memref<10240x128xf32, #tpu.memory_space<vmem_shared>>) offsets(%dma_start3A_445 : memref<128xi32, #tpu.memory_space<vmem>>) semaphore(%run_scoped3A_442 : memref<!tpu.dma_semaphore, #tpu.memory_space<semaphore_mem>>) {add = true}
      %dma_wait3A_449 = arith.constant 0 : i32
      %dma_wait3A_450 = tpu.memref_slice %arg8[%run_scoped3A_266, %dma_wait3A_449] : memref<16x128xi32, #tpu.memory_space<vmem>> -> memref<1x128xi32, #tpu.memory_space<vmem>>
      %dma_wait3A_451 = tpu.memref_squeeze %dma_wait3A_450 : memref<1x128xi32, #tpu.memory_space<vmem>> -> memref<128xi32, #tpu.memory_space<vmem>>
      %dma_wait3A_452 = arith.constant 0 : i32
      %dma_wait3A_453 = arith.constant 0 : i32
      %dma_wait3A_454 = tpu.memref_slice %arg11[%dma_wait3A_452, %dma_wait3A_453] : memref<10240x128xf32, #tpu.memory_space<vmem_shared>> -> memref<10240x128xf32, #tpu.memory_space<vmem_shared>>
      tpu.wait_indirect_dma semaphore(%run_scoped3A_442 : memref<!tpu.dma_semaphore, #tpu.memory_space<semaphore_mem>>) src(%arg10 : memref<128x128xf32, #tpu.memory_space<vmem>>) dst(%dma_wait3A_454 : memref<10240x128xf32, #tpu.memory_space<vmem_shared>>)
      tpu.yield
    }) : () -> ()
    %mul3A_267 = arith.constant 80 : i32
    %mul3A_268 = arith.muli %add3A, %mul3A_267 : i32
    %add3A_269 = arith.constant 48 : i32
    %add3A_270 = arith.addi %mul3A_268, %add3A_269 : i32
    %dma_start3A_271 = arith.constant 0 : i32
    %dma_start3A_272 = arith.constant 0 : i32
    %dma_start3A_273 = tpu.memref_slice %arg3[%dma_start3A_271, %add3A_270, %dma_start3A_272] : memref<2x2560x128xi32, #tpu.memory_space<hbm>> -> memref<1x16x128xi32, #tpu.memory_space<hbm>>
    %dma_start3A_274 = tpu.memref_squeeze %dma_start3A_273 : memref<1x16x128xi32, #tpu.memory_space<hbm>> -> memref<16x128xi32, #tpu.memory_space<hbm>>
    %dma_start3A_275 = arith.constant 0 : i32
    %dma_start3A_276 = tpu.memref_slice %arg3[%dma_start3A_271, %add3A_270, %dma_start3A_275] : memref<2x2560x128xi32, #tpu.memory_space<hbm>> -> memref<1x16x128xi32, #tpu.memory_space<hbm>>
    %dma_start3A_277 = tpu.memref_squeeze %dma_start3A_276 : memref<1x16x128xi32, #tpu.memory_space<hbm>> -> memref<16x128xi32, #tpu.memory_space<hbm>>
    tpu.enqueue_dma source(%dma_start3A_277 : memref<16x128xi32, #tpu.memory_space<hbm>>) target(%arg7 : memref<16x128xi32, #tpu.memory_space<vmem>>) target_semaphore(%arg14 : memref<!tpu.dma_semaphore, #tpu.memory_space<semaphore_mem>>)
    %dma_start3A_278 = arith.constant 1 : i32
    %dma_start3A_279 = arith.constant 0 : i32
    %dma_start3A_280 = tpu.memref_slice %arg3[%dma_start3A_278, %add3A_270, %dma_start3A_279] : memref<2x2560x128xi32, #tpu.memory_space<hbm>> -> memref<1x16x128xi32, #tpu.memory_space<hbm>>
    %dma_start3A_281 = tpu.memref_squeeze %dma_start3A_280 : memref<1x16x128xi32, #tpu.memory_space<hbm>> -> memref<16x128xi32, #tpu.memory_space<hbm>>
    %dma_start3A_282 = arith.constant 0 : i32
    %dma_start3A_283 = tpu.memref_slice %arg3[%dma_start3A_278, %add3A_270, %dma_start3A_282] : memref<2x2560x128xi32, #tpu.memory_space<hbm>> -> memref<1x16x128xi32, #tpu.memory_space<hbm>>
    %dma_start3A_284 = tpu.memref_squeeze %dma_start3A_283 : memref<1x16x128xi32, #tpu.memory_space<hbm>> -> memref<16x128xi32, #tpu.memory_space<hbm>>
    tpu.enqueue_dma source(%dma_start3A_284 : memref<16x128xi32, #tpu.memory_space<hbm>>) target(%arg8 : memref<16x128xi32, #tpu.memory_space<vmem>>) target_semaphore(%arg14 : memref<!tpu.dma_semaphore, #tpu.memory_space<semaphore_mem>>)
    %scan3A_285 = arith.constant 0 : i32
    %scan3A_286 = arith.constant 7 : i32
    %scan3A_287 = arith.addi %scan3A_285, %scan3A_286 : i32
    %scan3A_288 = arith.constant 1 : i32
    scf.for %scan3A_442 = %scan3A_285 to %scan3A_287 step %scan3A_288  : i32 {
      %mul3A_443 = arith.constant 1 : i32
      %mul3A_444 = arith.muli %scan3A_442, %mul3A_443 : i32
      %add3A_445 = arith.constant 0 : i32
      %add3A_446 = arith.addi %add3A_445, %mul3A_444 : i32
      %mul3A_447 = arith.constant 2 : i32
      %mul3A_448 = arith.muli %mul3A_447, %add3A_446 : i32
      %add3A_449 = arith.constant 1 : i32
      %add3A_450 = arith.addi %mul3A_448, %add3A_449 : i32
      %dma_start3A_451 = arith.constant 0 : i32
      %dma_start3A_452 = tpu.memref_slice %arg5[%add3A_450, %dma_start3A_451] : memref<16x128xi32, #tpu.memory_space<vmem>> -> memref<1x128xi32, #tpu.memory_space<vmem>>
      %dma_start3A_453 = tpu.memref_squeeze %dma_start3A_452 : memref<1x128xi32, #tpu.memory_space<vmem>> -> memref<128xi32, #tpu.memory_space<vmem>>
      %dma_start3A_454 = arith.constant 0 : i32
      %dma_start3A_455 = arith.constant 0 : i32
      %dma_start3A_456 = tpu.memref_slice %arg2[%dma_start3A_454, %dma_start3A_455] : memref<10000x128xf32, #tpu.memory_space<hbm>> -> memref<10000x128xf32, #tpu.memory_space<hbm>>
      tpu.enqueue_indirect_dma source(%dma_start3A_456 : memref<10000x128xf32, #tpu.memory_space<hbm>>) target(%arg10 : memref<128x128xf32, #tpu.memory_space<vmem>>) offsets(%dma_start3A_453 : memref<128xi32, #tpu.memory_space<vmem>>) semaphore(%arg13 : memref<!tpu.dma_semaphore, #tpu.memory_space<semaphore_mem>>)
      %dma_wait3A_457 = arith.constant 0 : i32
      %dma_wait3A_458 = tpu.memref_slice %arg5[%mul3A_448, %dma_wait3A_457] : memref<16x128xi32, #tpu.memory_space<vmem>> -> memref<1x128xi32, #tpu.memory_space<vmem>>
      %dma_wait3A_459 = tpu.memref_squeeze %dma_wait3A_458 : memref<1x128xi32, #tpu.memory_space<vmem>> -> memref<128xi32, #tpu.memory_space<vmem>>
      %dma_wait3A_460 = arith.constant 0 : i32
      %dma_wait3A_461 = arith.constant 0 : i32
      %dma_wait3A_462 = tpu.memref_slice %arg2[%dma_wait3A_460, %dma_wait3A_461] : memref<10000x128xf32, #tpu.memory_space<hbm>> -> memref<10000x128xf32, #tpu.memory_space<hbm>>
      tpu.wait_indirect_dma semaphore(%arg12 : memref<!tpu.dma_semaphore, #tpu.memory_space<semaphore_mem>>) src(%dma_wait3A_462 : memref<10000x128xf32, #tpu.memory_space<hbm>>) dst(%arg9 : memref<128x128xf32, #tpu.memory_space<vmem>>)
      "tpu.region"() ({
        %run_scoped3A_479 = tpu.sem_alloc : memref<!tpu.dma_semaphore, #tpu.memory_space<semaphore_mem>>
        %dma_start3A_480 = arith.constant 0 : i32
        %dma_start3A_481 = tpu.memref_slice %arg6[%mul3A_448, %dma_start3A_480] : memref<16x128xi32, #tpu.memory_space<vmem>> -> memref<1x128xi32, #tpu.memory_space<vmem>>
        %dma_start3A_482 = tpu.memref_squeeze %dma_start3A_481 : memref<1x128xi32, #tpu.memory_space<vmem>> -> memref<128xi32, #tpu.memory_space<vmem>>
        %dma_start3A_483 = arith.constant 0 : i32
        %dma_start3A_484 = arith.constant 0 : i32
        %dma_start3A_485 = tpu.memref_slice %arg11[%dma_start3A_483, %dma_start3A_484] : memref<10240x128xf32, #tpu.memory_space<vmem_shared>> -> memref<10240x128xf32, #tpu.memory_space<vmem_shared>>
        tpu.enqueue_indirect_dma source(%arg9 : memref<128x128xf32, #tpu.memory_space<vmem>>) target(%dma_start3A_485 : memref<10240x128xf32, #tpu.memory_space<vmem_shared>>) offsets(%dma_start3A_482 : memref<128xi32, #tpu.memory_space<vmem>>) semaphore(%run_scoped3A_479 : memref<!tpu.dma_semaphore, #tpu.memory_space<semaphore_mem>>) {add = true}
        %dma_wait3A_486 = arith.constant 0 : i32
        %dma_wait3A_487 = tpu.memref_slice %arg6[%mul3A_448, %dma_wait3A_486] : memref<16x128xi32, #tpu.memory_space<vmem>> -> memref<1x128xi32, #tpu.memory_space<vmem>>
        %dma_wait3A_488 = tpu.memref_squeeze %dma_wait3A_487 : memref<1x128xi32, #tpu.memory_space<vmem>> -> memref<128xi32, #tpu.memory_space<vmem>>
        %dma_wait3A_489 = arith.constant 0 : i32
        %dma_wait3A_490 = arith.constant 0 : i32
        %dma_wait3A_491 = tpu.memref_slice %arg11[%dma_wait3A_489, %dma_wait3A_490] : memref<10240x128xf32, #tpu.memory_space<vmem_shared>> -> memref<10240x128xf32, #tpu.memory_space<vmem_shared>>
        tpu.wait_indirect_dma semaphore(%run_scoped3A_479 : memref<!tpu.dma_semaphore, #tpu.memory_space<semaphore_mem>>) src(%arg9 : memref<128x128xf32, #tpu.memory_space<vmem>>) dst(%dma_wait3A_491 : memref<10240x128xf32, #tpu.memory_space<vmem_shared>>)
        tpu.yield
      }) : () -> ()
      %add3A_463 = arith.constant 2 : i32
      %add3A_464 = arith.addi %mul3A_448, %add3A_463 : i32
      %dma_start3A_465 = arith.constant 0 : i32
      %dma_start3A_466 = tpu.memref_slice %arg5[%add3A_464, %dma_start3A_465] : memref<16x128xi32, #tpu.memory_space<vmem>> -> memref<1x128xi32, #tpu.memory_space<vmem>>
      %dma_start3A_467 = tpu.memref_squeeze %dma_start3A_466 : memref<1x128xi32, #tpu.memory_space<vmem>> -> memref<128xi32, #tpu.memory_space<vmem>>
      %dma_start3A_468 = arith.constant 0 : i32
      %dma_start3A_469 = arith.constant 0 : i32
      %dma_start3A_470 = tpu.memref_slice %arg2[%dma_start3A_468, %dma_start3A_469] : memref<10000x128xf32, #tpu.memory_space<hbm>> -> memref<10000x128xf32, #tpu.memory_space<hbm>>
      tpu.enqueue_indirect_dma source(%dma_start3A_470 : memref<10000x128xf32, #tpu.memory_space<hbm>>) target(%arg9 : memref<128x128xf32, #tpu.memory_space<vmem>>) offsets(%dma_start3A_467 : memref<128xi32, #tpu.memory_space<vmem>>) semaphore(%arg12 : memref<!tpu.dma_semaphore, #tpu.memory_space<semaphore_mem>>)
      %add3A_471 = arith.constant 1 : i32
      %add3A_472 = arith.addi %mul3A_448, %add3A_471 : i32
      %dma_wait3A_473 = arith.constant 0 : i32
      %dma_wait3A_474 = tpu.memref_slice %arg5[%add3A_472, %dma_wait3A_473] : memref<16x128xi32, #tpu.memory_space<vmem>> -> memref<1x128xi32, #tpu.memory_space<vmem>>
      %dma_wait3A_475 = tpu.memref_squeeze %dma_wait3A_474 : memref<1x128xi32, #tpu.memory_space<vmem>> -> memref<128xi32, #tpu.memory_space<vmem>>
      %dma_wait3A_476 = arith.constant 0 : i32
      %dma_wait3A_477 = arith.constant 0 : i32
      %dma_wait3A_478 = tpu.memref_slice %arg2[%dma_wait3A_476, %dma_wait3A_477] : memref<10000x128xf32, #tpu.memory_space<hbm>> -> memref<10000x128xf32, #tpu.memory_space<hbm>>
      tpu.wait_indirect_dma semaphore(%arg13 : memref<!tpu.dma_semaphore, #tpu.memory_space<semaphore_mem>>) src(%dma_wait3A_478 : memref<10000x128xf32, #tpu.memory_space<hbm>>) dst(%arg10 : memref<128x128xf32, #tpu.memory_space<vmem>>)
      "tpu.region"() ({
        %run_scoped3A_479 = tpu.sem_alloc : memref<!tpu.dma_semaphore, #tpu.memory_space<semaphore_mem>>
        %dma_start3A_480 = arith.constant 0 : i32
        %dma_start3A_481 = tpu.memref_slice %arg6[%add3A_472, %dma_start3A_480] : memref<16x128xi32, #tpu.memory_space<vmem>> -> memref<1x128xi32, #tpu.memory_space<vmem>>
        %dma_start3A_482 = tpu.memref_squeeze %dma_start3A_481 : memref<1x128xi32, #tpu.memory_space<vmem>> -> memref<128xi32, #tpu.memory_space<vmem>>
        %dma_start3A_483 = arith.constant 0 : i32
        %dma_start3A_484 = arith.constant 0 : i32
        %dma_start3A_485 = tpu.memref_slice %arg11[%dma_start3A_483, %dma_start3A_484] : memref<10240x128xf32, #tpu.memory_space<vmem_shared>> -> memref<10240x128xf32, #tpu.memory_space<vmem_shared>>
        tpu.enqueue_indirect_dma source(%arg10 : memref<128x128xf32, #tpu.memory_space<vmem>>) target(%dma_start3A_485 : memref<10240x128xf32, #tpu.memory_space<vmem_shared>>) offsets(%dma_start3A_482 : memref<128xi32, #tpu.memory_space<vmem>>) semaphore(%run_scoped3A_479 : memref<!tpu.dma_semaphore, #tpu.memory_space<semaphore_mem>>) {add = true}
        %dma_wait3A_486 = arith.constant 0 : i32
        %dma_wait3A_487 = tpu.memref_slice %arg6[%add3A_472, %dma_wait3A_486] : memref<16x128xi32, #tpu.memory_space<vmem>> -> memref<1x128xi32, #tpu.memory_space<vmem>>
        %dma_wait3A_488 = tpu.memref_squeeze %dma_wait3A_487 : memref<1x128xi32, #tpu.memory_space<vmem>> -> memref<128xi32, #tpu.memory_space<vmem>>
        %dma_wait3A_489 = arith.constant 0 : i32
        %dma_wait3A_490 = arith.constant 0 : i32
        %dma_wait3A_491 = tpu.memref_slice %arg11[%dma_wait3A_489, %dma_wait3A_490] : memref<10240x128xf32, #tpu.memory_space<vmem_shared>> -> memref<10240x128xf32, #tpu.memory_space<vmem_shared>>
        tpu.wait_indirect_dma semaphore(%run_scoped3A_479 : memref<!tpu.dma_semaphore, #tpu.memory_space<semaphore_mem>>) src(%arg10 : memref<128x128xf32, #tpu.memory_space<vmem>>) dst(%dma_wait3A_491 : memref<10240x128xf32, #tpu.memory_space<vmem_shared>>)
        tpu.yield
      }) : () -> ()
    }
    %scan3A_289 = arith.constant 7 : i32
    %dma_start3A_290 = arith.constant 15 : i32
    %dma_start3A_291 = arith.constant 0 : i32
    %dma_start3A_292 = tpu.memref_slice %arg5[%dma_start3A_290, %dma_start3A_291] : memref<16x128xi32, #tpu.memory_space<vmem>> -> memref<1x128xi32, #tpu.memory_space<vmem>>
    %dma_start3A_293 = tpu.memref_squeeze %dma_start3A_292 : memref<1x128xi32, #tpu.memory_space<vmem>> -> memref<128xi32, #tpu.memory_space<vmem>>
    %dma_start3A_294 = arith.constant 0 : i32
    %dma_start3A_295 = arith.constant 0 : i32
    %dma_start3A_296 = tpu.memref_slice %arg2[%dma_start3A_294, %dma_start3A_295] : memref<10000x128xf32, #tpu.memory_space<hbm>> -> memref<10000x128xf32, #tpu.memory_space<hbm>>
    tpu.enqueue_indirect_dma source(%dma_start3A_296 : memref<10000x128xf32, #tpu.memory_space<hbm>>) target(%arg10 : memref<128x128xf32, #tpu.memory_space<vmem>>) offsets(%dma_start3A_293 : memref<128xi32, #tpu.memory_space<vmem>>) semaphore(%arg13 : memref<!tpu.dma_semaphore, #tpu.memory_space<semaphore_mem>>)
    %dma_wait3A_297 = arith.constant 14 : i32
    %dma_wait3A_298 = arith.constant 0 : i32
    %dma_wait3A_299 = tpu.memref_slice %arg5[%dma_wait3A_297, %dma_wait3A_298] : memref<16x128xi32, #tpu.memory_space<vmem>> -> memref<1x128xi32, #tpu.memory_space<vmem>>
    %dma_wait3A_300 = tpu.memref_squeeze %dma_wait3A_299 : memref<1x128xi32, #tpu.memory_space<vmem>> -> memref<128xi32, #tpu.memory_space<vmem>>
    %dma_wait3A_301 = arith.constant 0 : i32
    %dma_wait3A_302 = arith.constant 0 : i32
    %dma_wait3A_303 = tpu.memref_slice %arg2[%dma_wait3A_301, %dma_wait3A_302] : memref<10000x128xf32, #tpu.memory_space<hbm>> -> memref<10000x128xf32, #tpu.memory_space<hbm>>
    tpu.wait_indirect_dma semaphore(%arg12 : memref<!tpu.dma_semaphore, #tpu.memory_space<semaphore_mem>>) src(%dma_wait3A_303 : memref<10000x128xf32, #tpu.memory_space<hbm>>) dst(%arg9 : memref<128x128xf32, #tpu.memory_space<vmem>>)
    %run_scoped3A_304 = arith.constant 14 : i32
    "tpu.region"() ({
      %run_scoped3A_442 = tpu.sem_alloc : memref<!tpu.dma_semaphore, #tpu.memory_space<semaphore_mem>>
      %dma_start3A_443 = arith.constant 0 : i32
      %dma_start3A_444 = tpu.memref_slice %arg6[%run_scoped3A_304, %dma_start3A_443] : memref<16x128xi32, #tpu.memory_space<vmem>> -> memref<1x128xi32, #tpu.memory_space<vmem>>
      %dma_start3A_445 = tpu.memref_squeeze %dma_start3A_444 : memref<1x128xi32, #tpu.memory_space<vmem>> -> memref<128xi32, #tpu.memory_space<vmem>>
      %dma_start3A_446 = arith.constant 0 : i32
      %dma_start3A_447 = arith.constant 0 : i32
      %dma_start3A_448 = tpu.memref_slice %arg11[%dma_start3A_446, %dma_start3A_447] : memref<10240x128xf32, #tpu.memory_space<vmem_shared>> -> memref<10240x128xf32, #tpu.memory_space<vmem_shared>>
      tpu.enqueue_indirect_dma source(%arg9 : memref<128x128xf32, #tpu.memory_space<vmem>>) target(%dma_start3A_448 : memref<10240x128xf32, #tpu.memory_space<vmem_shared>>) offsets(%dma_start3A_445 : memref<128xi32, #tpu.memory_space<vmem>>) semaphore(%run_scoped3A_442 : memref<!tpu.dma_semaphore, #tpu.memory_space<semaphore_mem>>) {add = true}
      %dma_wait3A_449 = arith.constant 0 : i32
      %dma_wait3A_450 = tpu.memref_slice %arg6[%run_scoped3A_304, %dma_wait3A_449] : memref<16x128xi32, #tpu.memory_space<vmem>> -> memref<1x128xi32, #tpu.memory_space<vmem>>
      %dma_wait3A_451 = tpu.memref_squeeze %dma_wait3A_450 : memref<1x128xi32, #tpu.memory_space<vmem>> -> memref<128xi32, #tpu.memory_space<vmem>>
      %dma_wait3A_452 = arith.constant 0 : i32
      %dma_wait3A_453 = arith.constant 0 : i32
      %dma_wait3A_454 = tpu.memref_slice %arg11[%dma_wait3A_452, %dma_wait3A_453] : memref<10240x128xf32, #tpu.memory_space<vmem_shared>> -> memref<10240x128xf32, #tpu.memory_space<vmem_shared>>
      tpu.wait_indirect_dma semaphore(%run_scoped3A_442 : memref<!tpu.dma_semaphore, #tpu.memory_space<semaphore_mem>>) src(%arg9 : memref<128x128xf32, #tpu.memory_space<vmem>>) dst(%dma_wait3A_454 : memref<10240x128xf32, #tpu.memory_space<vmem_shared>>)
      tpu.yield
    }) : () -> ()
    %mul3A_305 = arith.constant 80 : i32
    %mul3A_306 = arith.muli %add3A, %mul3A_305 : i32
    %add3A_307 = arith.constant 48 : i32
    %add3A_308 = arith.addi %mul3A_306, %add3A_307 : i32
    %dma_wait3A_309 = arith.constant 0 : i32
    %dma_wait3A_310 = arith.constant 0 : i32
    %dma_wait3A_311 = tpu.memref_slice %arg3[%dma_wait3A_309, %add3A_308, %dma_wait3A_310] : memref<2x2560x128xi32, #tpu.memory_space<hbm>> -> memref<1x16x128xi32, #tpu.memory_space<hbm>>
    %dma_wait3A_312 = tpu.memref_squeeze %dma_wait3A_311 : memref<1x16x128xi32, #tpu.memory_space<hbm>> -> memref<16x128xi32, #tpu.memory_space<hbm>>
    %dma_wait3A_313 = arith.constant 0 : i32
    %dma_wait3A_314 = tpu.memref_slice %arg3[%dma_wait3A_309, %add3A_308, %dma_wait3A_313] : memref<2x2560x128xi32, #tpu.memory_space<hbm>> -> memref<1x16x128xi32, #tpu.memory_space<hbm>>
    %dma_wait3A_315 = tpu.memref_squeeze %dma_wait3A_314 : memref<1x16x128xi32, #tpu.memory_space<hbm>> -> memref<16x128xi32, #tpu.memory_space<hbm>>
    tpu.wait_dma2 semaphore(%arg14 : memref<!tpu.dma_semaphore, #tpu.memory_space<semaphore_mem>>) src(%dma_wait3A_315 : memref<16x128xi32, #tpu.memory_space<hbm>>) dst(%arg7 : memref<16x128xi32, #tpu.memory_space<vmem>>)
    %dma_wait3A_316 = arith.constant 1 : i32
    %dma_wait3A_317 = arith.constant 0 : i32
    %dma_wait3A_318 = tpu.memref_slice %arg3[%dma_wait3A_316, %add3A_308, %dma_wait3A_317] : memref<2x2560x128xi32, #tpu.memory_space<hbm>> -> memref<1x16x128xi32, #tpu.memory_space<hbm>>
    %dma_wait3A_319 = tpu.memref_squeeze %dma_wait3A_318 : memref<1x16x128xi32, #tpu.memory_space<hbm>> -> memref<16x128xi32, #tpu.memory_space<hbm>>
    %dma_wait3A_320 = arith.constant 0 : i32
    %dma_wait3A_321 = tpu.memref_slice %arg3[%dma_wait3A_316, %add3A_308, %dma_wait3A_320] : memref<2x2560x128xi32, #tpu.memory_space<hbm>> -> memref<1x16x128xi32, #tpu.memory_space<hbm>>
    %dma_wait3A_322 = tpu.memref_squeeze %dma_wait3A_321 : memref<1x16x128xi32, #tpu.memory_space<hbm>> -> memref<16x128xi32, #tpu.memory_space<hbm>>
    tpu.wait_dma2 semaphore(%arg14 : memref<!tpu.dma_semaphore, #tpu.memory_space<semaphore_mem>>) src(%dma_wait3A_322 : memref<16x128xi32, #tpu.memory_space<hbm>>) dst(%arg8 : memref<16x128xi32, #tpu.memory_space<vmem>>)
    %dma_start3A_323 = arith.constant 0 : i32
    %dma_start3A_324 = arith.constant 0 : i32
    %dma_start3A_325 = tpu.memref_slice %arg7[%dma_start3A_323, %dma_start3A_324] : memref<16x128xi32, #tpu.memory_space<vmem>> -> memref<1x128xi32, #tpu.memory_space<vmem>>
    %dma_start3A_326 = tpu.memref_squeeze %dma_start3A_325 : memref<1x128xi32, #tpu.memory_space<vmem>> -> memref<128xi32, #tpu.memory_space<vmem>>
    %dma_start3A_327 = arith.constant 0 : i32
    %dma_start3A_328 = arith.constant 0 : i32
    %dma_start3A_329 = tpu.memref_slice %arg2[%dma_start3A_327, %dma_start3A_328] : memref<10000x128xf32, #tpu.memory_space<hbm>> -> memref<10000x128xf32, #tpu.memory_space<hbm>>
    tpu.enqueue_indirect_dma source(%dma_start3A_329 : memref<10000x128xf32, #tpu.memory_space<hbm>>) target(%arg9 : memref<128x128xf32, #tpu.memory_space<vmem>>) offsets(%dma_start3A_326 : memref<128xi32, #tpu.memory_space<vmem>>) semaphore(%arg12 : memref<!tpu.dma_semaphore, #tpu.memory_space<semaphore_mem>>)
    %dma_wait3A_330 = arith.constant 15 : i32
    %dma_wait3A_331 = arith.constant 0 : i32
    %dma_wait3A_332 = tpu.memref_slice %arg5[%dma_wait3A_330, %dma_wait3A_331] : memref<16x128xi32, #tpu.memory_space<vmem>> -> memref<1x128xi32, #tpu.memory_space<vmem>>
    %dma_wait3A_333 = tpu.memref_squeeze %dma_wait3A_332 : memref<1x128xi32, #tpu.memory_space<vmem>> -> memref<128xi32, #tpu.memory_space<vmem>>
    %dma_wait3A_334 = arith.constant 0 : i32
    %dma_wait3A_335 = arith.constant 0 : i32
    %dma_wait3A_336 = tpu.memref_slice %arg2[%dma_wait3A_334, %dma_wait3A_335] : memref<10000x128xf32, #tpu.memory_space<hbm>> -> memref<10000x128xf32, #tpu.memory_space<hbm>>
    tpu.wait_indirect_dma semaphore(%arg13 : memref<!tpu.dma_semaphore, #tpu.memory_space<semaphore_mem>>) src(%dma_wait3A_336 : memref<10000x128xf32, #tpu.memory_space<hbm>>) dst(%arg10 : memref<128x128xf32, #tpu.memory_space<vmem>>)
    %run_scoped3A_337 = arith.constant 15 : i32
    "tpu.region"() ({
      %run_scoped3A_442 = tpu.sem_alloc : memref<!tpu.dma_semaphore, #tpu.memory_space<semaphore_mem>>
      %dma_start3A_443 = arith.constant 0 : i32
      %dma_start3A_444 = tpu.memref_slice %arg6[%run_scoped3A_337, %dma_start3A_443] : memref<16x128xi32, #tpu.memory_space<vmem>> -> memref<1x128xi32, #tpu.memory_space<vmem>>
      %dma_start3A_445 = tpu.memref_squeeze %dma_start3A_444 : memref<1x128xi32, #tpu.memory_space<vmem>> -> memref<128xi32, #tpu.memory_space<vmem>>
      %dma_start3A_446 = arith.constant 0 : i32
      %dma_start3A_447 = arith.constant 0 : i32
      %dma_start3A_448 = tpu.memref_slice %arg11[%dma_start3A_446, %dma_start3A_447] : memref<10240x128xf32, #tpu.memory_space<vmem_shared>> -> memref<10240x128xf32, #tpu.memory_space<vmem_shared>>
      tpu.enqueue_indirect_dma source(%arg10 : memref<128x128xf32, #tpu.memory_space<vmem>>) target(%dma_start3A_448 : memref<10240x128xf32, #tpu.memory_space<vmem_shared>>) offsets(%dma_start3A_445 : memref<128xi32, #tpu.memory_space<vmem>>) semaphore(%run_scoped3A_442 : memref<!tpu.dma_semaphore, #tpu.memory_space<semaphore_mem>>) {add = true}
      %dma_wait3A_449 = arith.constant 0 : i32
      %dma_wait3A_450 = tpu.memref_slice %arg6[%run_scoped3A_337, %dma_wait3A_449] : memref<16x128xi32, #tpu.memory_space<vmem>> -> memref<1x128xi32, #tpu.memory_space<vmem>>
      %dma_wait3A_451 = tpu.memref_squeeze %dma_wait3A_450 : memref<1x128xi32, #tpu.memory_space<vmem>> -> memref<128xi32, #tpu.memory_space<vmem>>
      %dma_wait3A_452 = arith.constant 0 : i32
      %dma_wait3A_453 = arith.constant 0 : i32
      %dma_wait3A_454 = tpu.memref_slice %arg11[%dma_wait3A_452, %dma_wait3A_453] : memref<10240x128xf32, #tpu.memory_space<vmem_shared>> -> memref<10240x128xf32, #tpu.memory_space<vmem_shared>>
      tpu.wait_indirect_dma semaphore(%run_scoped3A_442 : memref<!tpu.dma_semaphore, #tpu.memory_space<semaphore_mem>>) src(%arg10 : memref<128x128xf32, #tpu.memory_space<vmem>>) dst(%dma_wait3A_454 : memref<10240x128xf32, #tpu.memory_space<vmem_shared>>)
      tpu.yield
    }) : () -> ()
    %mul3A_338 = arith.constant 80 : i32
    %mul3A_339 = arith.muli %add3A, %mul3A_338 : i32
    %add3A_340 = arith.constant 64 : i32
    %add3A_341 = arith.addi %mul3A_339, %add3A_340 : i32
    %dma_start3A_342 = arith.constant 0 : i32
    %dma_start3A_343 = arith.constant 0 : i32
    %dma_start3A_344 = tpu.memref_slice %arg3[%dma_start3A_342, %add3A_341, %dma_start3A_343] : memref<2x2560x128xi32, #tpu.memory_space<hbm>> -> memref<1x16x128xi32, #tpu.memory_space<hbm>>
    %dma_start3A_345 = tpu.memref_squeeze %dma_start3A_344 : memref<1x16x128xi32, #tpu.memory_space<hbm>> -> memref<16x128xi32, #tpu.memory_space<hbm>>
    %dma_start3A_346 = arith.constant 0 : i32
    %dma_start3A_347 = tpu.memref_slice %arg3[%dma_start3A_342, %add3A_341, %dma_start3A_346] : memref<2x2560x128xi32, #tpu.memory_space<hbm>> -> memref<1x16x128xi32, #tpu.memory_space<hbm>>
    %dma_start3A_348 = tpu.memref_squeeze %dma_start3A_347 : memref<1x16x128xi32, #tpu.memory_space<hbm>> -> memref<16x128xi32, #tpu.memory_space<hbm>>
    tpu.enqueue_dma source(%dma_start3A_348 : memref<16x128xi32, #tpu.memory_space<hbm>>) target(%arg5 : memref<16x128xi32, #tpu.memory_space<vmem>>) target_semaphore(%arg14 : memref<!tpu.dma_semaphore, #tpu.memory_space<semaphore_mem>>)
    %dma_start3A_349 = arith.constant 1 : i32
    %dma_start3A_350 = arith.constant 0 : i32
    %dma_start3A_351 = tpu.memref_slice %arg3[%dma_start3A_349, %add3A_341, %dma_start3A_350] : memref<2x2560x128xi32, #tpu.memory_space<hbm>> -> memref<1x16x128xi32, #tpu.memory_space<hbm>>
    %dma_start3A_352 = tpu.memref_squeeze %dma_start3A_351 : memref<1x16x128xi32, #tpu.memory_space<hbm>> -> memref<16x128xi32, #tpu.memory_space<hbm>>
    %dma_start3A_353 = arith.constant 0 : i32
    %dma_start3A_354 = tpu.memref_slice %arg3[%dma_start3A_349, %add3A_341, %dma_start3A_353] : memref<2x2560x128xi32, #tpu.memory_space<hbm>> -> memref<1x16x128xi32, #tpu.memory_space<hbm>>
    %dma_start3A_355 = tpu.memref_squeeze %dma_start3A_354 : memref<1x16x128xi32, #tpu.memory_space<hbm>> -> memref<16x128xi32, #tpu.memory_space<hbm>>
    tpu.enqueue_dma source(%dma_start3A_355 : memref<16x128xi32, #tpu.memory_space<hbm>>) target(%arg6 : memref<16x128xi32, #tpu.memory_space<vmem>>) target_semaphore(%arg14 : memref<!tpu.dma_semaphore, #tpu.memory_space<semaphore_mem>>)
    %scan3A_356 = arith.constant 0 : i32
    %scan3A_357 = arith.constant 7 : i32
    %scan3A_358 = arith.addi %scan3A_356, %scan3A_357 : i32
    %scan3A_359 = arith.constant 1 : i32
    scf.for %scan3A_442 = %scan3A_356 to %scan3A_358 step %scan3A_359  : i32 {
      %mul3A_443 = arith.constant 1 : i32
      %mul3A_444 = arith.muli %scan3A_442, %mul3A_443 : i32
      %add3A_445 = arith.constant 0 : i32
      %add3A_446 = arith.addi %add3A_445, %mul3A_444 : i32
      %mul3A_447 = arith.constant 2 : i32
      %mul3A_448 = arith.muli %mul3A_447, %add3A_446 : i32
      %add3A_449 = arith.constant 1 : i32
      %add3A_450 = arith.addi %mul3A_448, %add3A_449 : i32
      %dma_start3A_451 = arith.constant 0 : i32
      %dma_start3A_452 = tpu.memref_slice %arg7[%add3A_450, %dma_start3A_451] : memref<16x128xi32, #tpu.memory_space<vmem>> -> memref<1x128xi32, #tpu.memory_space<vmem>>
      %dma_start3A_453 = tpu.memref_squeeze %dma_start3A_452 : memref<1x128xi32, #tpu.memory_space<vmem>> -> memref<128xi32, #tpu.memory_space<vmem>>
      %dma_start3A_454 = arith.constant 0 : i32
      %dma_start3A_455 = arith.constant 0 : i32
      %dma_start3A_456 = tpu.memref_slice %arg2[%dma_start3A_454, %dma_start3A_455] : memref<10000x128xf32, #tpu.memory_space<hbm>> -> memref<10000x128xf32, #tpu.memory_space<hbm>>
      tpu.enqueue_indirect_dma source(%dma_start3A_456 : memref<10000x128xf32, #tpu.memory_space<hbm>>) target(%arg10 : memref<128x128xf32, #tpu.memory_space<vmem>>) offsets(%dma_start3A_453 : memref<128xi32, #tpu.memory_space<vmem>>) semaphore(%arg13 : memref<!tpu.dma_semaphore, #tpu.memory_space<semaphore_mem>>)
      %dma_wait3A_457 = arith.constant 0 : i32
      %dma_wait3A_458 = tpu.memref_slice %arg7[%mul3A_448, %dma_wait3A_457] : memref<16x128xi32, #tpu.memory_space<vmem>> -> memref<1x128xi32, #tpu.memory_space<vmem>>
      %dma_wait3A_459 = tpu.memref_squeeze %dma_wait3A_458 : memref<1x128xi32, #tpu.memory_space<vmem>> -> memref<128xi32, #tpu.memory_space<vmem>>
      %dma_wait3A_460 = arith.constant 0 : i32
      %dma_wait3A_461 = arith.constant 0 : i32
      %dma_wait3A_462 = tpu.memref_slice %arg2[%dma_wait3A_460, %dma_wait3A_461] : memref<10000x128xf32, #tpu.memory_space<hbm>> -> memref<10000x128xf32, #tpu.memory_space<hbm>>
      tpu.wait_indirect_dma semaphore(%arg12 : memref<!tpu.dma_semaphore, #tpu.memory_space<semaphore_mem>>) src(%dma_wait3A_462 : memref<10000x128xf32, #tpu.memory_space<hbm>>) dst(%arg9 : memref<128x128xf32, #tpu.memory_space<vmem>>)
      "tpu.region"() ({
        %run_scoped3A_479 = tpu.sem_alloc : memref<!tpu.dma_semaphore, #tpu.memory_space<semaphore_mem>>
        %dma_start3A_480 = arith.constant 0 : i32
        %dma_start3A_481 = tpu.memref_slice %arg8[%mul3A_448, %dma_start3A_480] : memref<16x128xi32, #tpu.memory_space<vmem>> -> memref<1x128xi32, #tpu.memory_space<vmem>>
        %dma_start3A_482 = tpu.memref_squeeze %dma_start3A_481 : memref<1x128xi32, #tpu.memory_space<vmem>> -> memref<128xi32, #tpu.memory_space<vmem>>
        %dma_start3A_483 = arith.constant 0 : i32
        %dma_start3A_484 = arith.constant 0 : i32
        %dma_start3A_485 = tpu.memref_slice %arg11[%dma_start3A_483, %dma_start3A_484] : memref<10240x128xf32, #tpu.memory_space<vmem_shared>> -> memref<10240x128xf32, #tpu.memory_space<vmem_shared>>
        tpu.enqueue_indirect_dma source(%arg9 : memref<128x128xf32, #tpu.memory_space<vmem>>) target(%dma_start3A_485 : memref<10240x128xf32, #tpu.memory_space<vmem_shared>>) offsets(%dma_start3A_482 : memref<128xi32, #tpu.memory_space<vmem>>) semaphore(%run_scoped3A_479 : memref<!tpu.dma_semaphore, #tpu.memory_space<semaphore_mem>>) {add = true}
        %dma_wait3A_486 = arith.constant 0 : i32
        %dma_wait3A_487 = tpu.memref_slice %arg8[%mul3A_448, %dma_wait3A_486] : memref<16x128xi32, #tpu.memory_space<vmem>> -> memref<1x128xi32, #tpu.memory_space<vmem>>
        %dma_wait3A_488 = tpu.memref_squeeze %dma_wait3A_487 : memref<1x128xi32, #tpu.memory_space<vmem>> -> memref<128xi32, #tpu.memory_space<vmem>>
        %dma_wait3A_489 = arith.constant 0 : i32
        %dma_wait3A_490 = arith.constant 0 : i32
        %dma_wait3A_491 = tpu.memref_slice %arg11[%dma_wait3A_489, %dma_wait3A_490] : memref<10240x128xf32, #tpu.memory_space<vmem_shared>> -> memref<10240x128xf32, #tpu.memory_space<vmem_shared>>
        tpu.wait_indirect_dma semaphore(%run_scoped3A_479 : memref<!tpu.dma_semaphore, #tpu.memory_space<semaphore_mem>>) src(%arg9 : memref<128x128xf32, #tpu.memory_space<vmem>>) dst(%dma_wait3A_491 : memref<10240x128xf32, #tpu.memory_space<vmem_shared>>)
        tpu.yield
      }) : () -> ()
      %add3A_463 = arith.constant 2 : i32
      %add3A_464 = arith.addi %mul3A_448, %add3A_463 : i32
      %dma_start3A_465 = arith.constant 0 : i32
      %dma_start3A_466 = tpu.memref_slice %arg7[%add3A_464, %dma_start3A_465] : memref<16x128xi32, #tpu.memory_space<vmem>> -> memref<1x128xi32, #tpu.memory_space<vmem>>
      %dma_start3A_467 = tpu.memref_squeeze %dma_start3A_466 : memref<1x128xi32, #tpu.memory_space<vmem>> -> memref<128xi32, #tpu.memory_space<vmem>>
      %dma_start3A_468 = arith.constant 0 : i32
      %dma_start3A_469 = arith.constant 0 : i32
      %dma_start3A_470 = tpu.memref_slice %arg2[%dma_start3A_468, %dma_start3A_469] : memref<10000x128xf32, #tpu.memory_space<hbm>> -> memref<10000x128xf32, #tpu.memory_space<hbm>>
      tpu.enqueue_indirect_dma source(%dma_start3A_470 : memref<10000x128xf32, #tpu.memory_space<hbm>>) target(%arg9 : memref<128x128xf32, #tpu.memory_space<vmem>>) offsets(%dma_start3A_467 : memref<128xi32, #tpu.memory_space<vmem>>) semaphore(%arg12 : memref<!tpu.dma_semaphore, #tpu.memory_space<semaphore_mem>>)
      %add3A_471 = arith.constant 1 : i32
      %add3A_472 = arith.addi %mul3A_448, %add3A_471 : i32
      %dma_wait3A_473 = arith.constant 0 : i32
      %dma_wait3A_474 = tpu.memref_slice %arg7[%add3A_472, %dma_wait3A_473] : memref<16x128xi32, #tpu.memory_space<vmem>> -> memref<1x128xi32, #tpu.memory_space<vmem>>
      %dma_wait3A_475 = tpu.memref_squeeze %dma_wait3A_474 : memref<1x128xi32, #tpu.memory_space<vmem>> -> memref<128xi32, #tpu.memory_space<vmem>>
      %dma_wait3A_476 = arith.constant 0 : i32
      %dma_wait3A_477 = arith.constant 0 : i32
      %dma_wait3A_478 = tpu.memref_slice %arg2[%dma_wait3A_476, %dma_wait3A_477] : memref<10000x128xf32, #tpu.memory_space<hbm>> -> memref<10000x128xf32, #tpu.memory_space<hbm>>
      tpu.wait_indirect_dma semaphore(%arg13 : memref<!tpu.dma_semaphore, #tpu.memory_space<semaphore_mem>>) src(%dma_wait3A_478 : memref<10000x128xf32, #tpu.memory_space<hbm>>) dst(%arg10 : memref<128x128xf32, #tpu.memory_space<vmem>>)
      "tpu.region"() ({
        %run_scoped3A_479 = tpu.sem_alloc : memref<!tpu.dma_semaphore, #tpu.memory_space<semaphore_mem>>
        %dma_start3A_480 = arith.constant 0 : i32
        %dma_start3A_481 = tpu.memref_slice %arg8[%add3A_472, %dma_start3A_480] : memref<16x128xi32, #tpu.memory_space<vmem>> -> memref<1x128xi32, #tpu.memory_space<vmem>>
        %dma_start3A_482 = tpu.memref_squeeze %dma_start3A_481 : memref<1x128xi32, #tpu.memory_space<vmem>> -> memref<128xi32, #tpu.memory_space<vmem>>
        %dma_start3A_483 = arith.constant 0 : i32
        %dma_start3A_484 = arith.constant 0 : i32
        %dma_start3A_485 = tpu.memref_slice %arg11[%dma_start3A_483, %dma_start3A_484] : memref<10240x128xf32, #tpu.memory_space<vmem_shared>> -> memref<10240x128xf32, #tpu.memory_space<vmem_shared>>
        tpu.enqueue_indirect_dma source(%arg10 : memref<128x128xf32, #tpu.memory_space<vmem>>) target(%dma_start3A_485 : memref<10240x128xf32, #tpu.memory_space<vmem_shared>>) offsets(%dma_start3A_482 : memref<128xi32, #tpu.memory_space<vmem>>) semaphore(%run_scoped3A_479 : memref<!tpu.dma_semaphore, #tpu.memory_space<semaphore_mem>>) {add = true}
        %dma_wait3A_486 = arith.constant 0 : i32
        %dma_wait3A_487 = tpu.memref_slice %arg8[%add3A_472, %dma_wait3A_486] : memref<16x128xi32, #tpu.memory_space<vmem>> -> memref<1x128xi32, #tpu.memory_space<vmem>>
        %dma_wait3A_488 = tpu.memref_squeeze %dma_wait3A_487 : memref<1x128xi32, #tpu.memory_space<vmem>> -> memref<128xi32, #tpu.memory_space<vmem>>
        %dma_wait3A_489 = arith.constant 0 : i32
        %dma_wait3A_490 = arith.constant 0 : i32
        %dma_wait3A_491 = tpu.memref_slice %arg11[%dma_wait3A_489, %dma_wait3A_490] : memref<10240x128xf32, #tpu.memory_space<vmem_shared>> -> memref<10240x128xf32, #tpu.memory_space<vmem_shared>>
        tpu.wait_indirect_dma semaphore(%run_scoped3A_479 : memref<!tpu.dma_semaphore, #tpu.memory_space<semaphore_mem>>) src(%arg10 : memref<128x128xf32, #tpu.memory_space<vmem>>) dst(%dma_wait3A_491 : memref<10240x128xf32, #tpu.memory_space<vmem_shared>>)
        tpu.yield
      }) : () -> ()
    }
    %scan3A_360 = arith.constant 7 : i32
    %dma_start3A_361 = arith.constant 15 : i32
    %dma_start3A_362 = arith.constant 0 : i32
    %dma_start3A_363 = tpu.memref_slice %arg7[%dma_start3A_361, %dma_start3A_362] : memref<16x128xi32, #tpu.memory_space<vmem>> -> memref<1x128xi32, #tpu.memory_space<vmem>>
    %dma_start3A_364 = tpu.memref_squeeze %dma_start3A_363 : memref<1x128xi32, #tpu.memory_space<vmem>> -> memref<128xi32, #tpu.memory_space<vmem>>
    %dma_start3A_365 = arith.constant 0 : i32
    %dma_start3A_366 = arith.constant 0 : i32
    %dma_start3A_367 = tpu.memref_slice %arg2[%dma_start3A_365, %dma_start3A_366] : memref<10000x128xf32, #tpu.memory_space<hbm>> -> memref<10000x128xf32, #tpu.memory_space<hbm>>
    tpu.enqueue_indirect_dma source(%dma_start3A_367 : memref<10000x128xf32, #tpu.memory_space<hbm>>) target(%arg10 : memref<128x128xf32, #tpu.memory_space<vmem>>) offsets(%dma_start3A_364 : memref<128xi32, #tpu.memory_space<vmem>>) semaphore(%arg13 : memref<!tpu.dma_semaphore, #tpu.memory_space<semaphore_mem>>)
    %dma_wait3A_368 = arith.constant 14 : i32
    %dma_wait3A_369 = arith.constant 0 : i32
    %dma_wait3A_370 = tpu.memref_slice %arg7[%dma_wait3A_368, %dma_wait3A_369] : memref<16x128xi32, #tpu.memory_space<vmem>> -> memref<1x128xi32, #tpu.memory_space<vmem>>
    %dma_wait3A_371 = tpu.memref_squeeze %dma_wait3A_370 : memref<1x128xi32, #tpu.memory_space<vmem>> -> memref<128xi32, #tpu.memory_space<vmem>>
    %dma_wait3A_372 = arith.constant 0 : i32
    %dma_wait3A_373 = arith.constant 0 : i32
    %dma_wait3A_374 = tpu.memref_slice %arg2[%dma_wait3A_372, %dma_wait3A_373] : memref<10000x128xf32, #tpu.memory_space<hbm>> -> memref<10000x128xf32, #tpu.memory_space<hbm>>
    tpu.wait_indirect_dma semaphore(%arg12 : memref<!tpu.dma_semaphore, #tpu.memory_space<semaphore_mem>>) src(%dma_wait3A_374 : memref<10000x128xf32, #tpu.memory_space<hbm>>) dst(%arg9 : memref<128x128xf32, #tpu.memory_space<vmem>>)
    %run_scoped3A_375 = arith.constant 14 : i32
    "tpu.region"() ({
      %run_scoped3A_442 = tpu.sem_alloc : memref<!tpu.dma_semaphore, #tpu.memory_space<semaphore_mem>>
      %dma_start3A_443 = arith.constant 0 : i32
      %dma_start3A_444 = tpu.memref_slice %arg8[%run_scoped3A_375, %dma_start3A_443] : memref<16x128xi32, #tpu.memory_space<vmem>> -> memref<1x128xi32, #tpu.memory_space<vmem>>
      %dma_start3A_445 = tpu.memref_squeeze %dma_start3A_444 : memref<1x128xi32, #tpu.memory_space<vmem>> -> memref<128xi32, #tpu.memory_space<vmem>>
      %dma_start3A_446 = arith.constant 0 : i32
      %dma_start3A_447 = arith.constant 0 : i32
      %dma_start3A_448 = tpu.memref_slice %arg11[%dma_start3A_446, %dma_start3A_447] : memref<10240x128xf32, #tpu.memory_space<vmem_shared>> -> memref<10240x128xf32, #tpu.memory_space<vmem_shared>>
      tpu.enqueue_indirect_dma source(%arg9 : memref<128x128xf32, #tpu.memory_space<vmem>>) target(%dma_start3A_448 : memref<10240x128xf32, #tpu.memory_space<vmem_shared>>) offsets(%dma_start3A_445 : memref<128xi32, #tpu.memory_space<vmem>>) semaphore(%run_scoped3A_442 : memref<!tpu.dma_semaphore, #tpu.memory_space<semaphore_mem>>) {add = true}
      %dma_wait3A_449 = arith.constant 0 : i32
      %dma_wait3A_450 = tpu.memref_slice %arg8[%run_scoped3A_375, %dma_wait3A_449] : memref<16x128xi32, #tpu.memory_space<vmem>> -> memref<1x128xi32, #tpu.memory_space<vmem>>
      %dma_wait3A_451 = tpu.memref_squeeze %dma_wait3A_450 : memref<1x128xi32, #tpu.memory_space<vmem>> -> memref<128xi32, #tpu.memory_space<vmem>>
      %dma_wait3A_452 = arith.constant 0 : i32
      %dma_wait3A_453 = arith.constant 0 : i32
      %dma_wait3A_454 = tpu.memref_slice %arg11[%dma_wait3A_452, %dma_wait3A_453] : memref<10240x128xf32, #tpu.memory_space<vmem_shared>> -> memref<10240x128xf32, #tpu.memory_space<vmem_shared>>
      tpu.wait_indirect_dma semaphore(%run_scoped3A_442 : memref<!tpu.dma_semaphore, #tpu.memory_space<semaphore_mem>>) src(%arg9 : memref<128x128xf32, #tpu.memory_space<vmem>>) dst(%dma_wait3A_454 : memref<10240x128xf32, #tpu.memory_space<vmem_shared>>)
      tpu.yield
    }) : () -> ()
    %mul3A_376 = arith.constant 80 : i32
    %mul3A_377 = arith.muli %add3A, %mul3A_376 : i32
    %add3A_378 = arith.constant 64 : i32
    %add3A_379 = arith.addi %mul3A_377, %add3A_378 : i32
    %dma_wait3A_380 = arith.constant 0 : i32
    %dma_wait3A_381 = arith.constant 0 : i32
    %dma_wait3A_382 = tpu.memref_slice %arg3[%dma_wait3A_380, %add3A_379, %dma_wait3A_381] : memref<2x2560x128xi32, #tpu.memory_space<hbm>> -> memref<1x16x128xi32, #tpu.memory_space<hbm>>
    %dma_wait3A_383 = tpu.memref_squeeze %dma_wait3A_382 : memref<1x16x128xi32, #tpu.memory_space<hbm>> -> memref<16x128xi32, #tpu.memory_space<hbm>>
    %dma_wait3A_384 = arith.constant 0 : i32
    %dma_wait3A_385 = tpu.memref_slice %arg3[%dma_wait3A_380, %add3A_379, %dma_wait3A_384] : memref<2x2560x128xi32, #tpu.memory_space<hbm>> -> memref<1x16x128xi32, #tpu.memory_space<hbm>>
    %dma_wait3A_386 = tpu.memref_squeeze %dma_wait3A_385 : memref<1x16x128xi32, #tpu.memory_space<hbm>> -> memref<16x128xi32, #tpu.memory_space<hbm>>
    tpu.wait_dma2 semaphore(%arg14 : memref<!tpu.dma_semaphore, #tpu.memory_space<semaphore_mem>>) src(%dma_wait3A_386 : memref<16x128xi32, #tpu.memory_space<hbm>>) dst(%arg5 : memref<16x128xi32, #tpu.memory_space<vmem>>)
    %dma_wait3A_387 = arith.constant 1 : i32
    %dma_wait3A_388 = arith.constant 0 : i32
    %dma_wait3A_389 = tpu.memref_slice %arg3[%dma_wait3A_387, %add3A_379, %dma_wait3A_388] : memref<2x2560x128xi32, #tpu.memory_space<hbm>> -> memref<1x16x128xi32, #tpu.memory_space<hbm>>
    %dma_wait3A_390 = tpu.memref_squeeze %dma_wait3A_389 : memref<1x16x128xi32, #tpu.memory_space<hbm>> -> memref<16x128xi32, #tpu.memory_space<hbm>>
    %dma_wait3A_391 = arith.constant 0 : i32
    %dma_wait3A_392 = tpu.memref_slice %arg3[%dma_wait3A_387, %add3A_379, %dma_wait3A_391] : memref<2x2560x128xi32, #tpu.memory_space<hbm>> -> memref<1x16x128xi32, #tpu.memory_space<hbm>>
    %dma_wait3A_393 = tpu.memref_squeeze %dma_wait3A_392 : memref<1x16x128xi32, #tpu.memory_space<hbm>> -> memref<16x128xi32, #tpu.memory_space<hbm>>
    tpu.wait_dma2 semaphore(%arg14 : memref<!tpu.dma_semaphore, #tpu.memory_space<semaphore_mem>>) src(%dma_wait3A_393 : memref<16x128xi32, #tpu.memory_space<hbm>>) dst(%arg6 : memref<16x128xi32, #tpu.memory_space<vmem>>)
    %dma_start3A_394 = arith.constant 0 : i32
    %dma_start3A_395 = arith.constant 0 : i32
    %dma_start3A_396 = tpu.memref_slice %arg5[%dma_start3A_394, %dma_start3A_395] : memref<16x128xi32, #tpu.memory_space<vmem>> -> memref<1x128xi32, #tpu.memory_space<vmem>>
    %dma_start3A_397 = tpu.memref_squeeze %dma_start3A_396 : memref<1x128xi32, #tpu.memory_space<vmem>> -> memref<128xi32, #tpu.memory_space<vmem>>
    %dma_start3A_398 = arith.constant 0 : i32
    %dma_start3A_399 = arith.constant 0 : i32
    %dma_start3A_400 = tpu.memref_slice %arg2[%dma_start3A_398, %dma_start3A_399] : memref<10000x128xf32, #tpu.memory_space<hbm>> -> memref<10000x128xf32, #tpu.memory_space<hbm>>
    tpu.enqueue_indirect_dma source(%dma_start3A_400 : memref<10000x128xf32, #tpu.memory_space<hbm>>) target(%arg9 : memref<128x128xf32, #tpu.memory_space<vmem>>) offsets(%dma_start3A_397 : memref<128xi32, #tpu.memory_space<vmem>>) semaphore(%arg12 : memref<!tpu.dma_semaphore, #tpu.memory_space<semaphore_mem>>)
    %dma_wait3A_401 = arith.constant 15 : i32
    %dma_wait3A_402 = arith.constant 0 : i32
    %dma_wait3A_403 = tpu.memref_slice %arg7[%dma_wait3A_401, %dma_wait3A_402] : memref<16x128xi32, #tpu.memory_space<vmem>> -> memref<1x128xi32, #tpu.memory_space<vmem>>
    %dma_wait3A_404 = tpu.memref_squeeze %dma_wait3A_403 : memref<1x128xi32, #tpu.memory_space<vmem>> -> memref<128xi32, #tpu.memory_space<vmem>>
    %dma_wait3A_405 = arith.constant 0 : i32
    %dma_wait3A_406 = arith.constant 0 : i32
    %dma_wait3A_407 = tpu.memref_slice %arg2[%dma_wait3A_405, %dma_wait3A_406] : memref<10000x128xf32, #tpu.memory_space<hbm>> -> memref<10000x128xf32, #tpu.memory_space<hbm>>
    tpu.wait_indirect_dma semaphore(%arg13 : memref<!tpu.dma_semaphore, #tpu.memory_space<semaphore_mem>>) src(%dma_wait3A_407 : memref<10000x128xf32, #tpu.memory_space<hbm>>) dst(%arg10 : memref<128x128xf32, #tpu.memory_space<vmem>>)
    %run_scoped3A_408 = arith.constant 15 : i32
    "tpu.region"() ({
      %run_scoped3A_442 = tpu.sem_alloc : memref<!tpu.dma_semaphore, #tpu.memory_space<semaphore_mem>>
      %dma_start3A_443 = arith.constant 0 : i32
      %dma_start3A_444 = tpu.memref_slice %arg8[%run_scoped3A_408, %dma_start3A_443] : memref<16x128xi32, #tpu.memory_space<vmem>> -> memref<1x128xi32, #tpu.memory_space<vmem>>
      %dma_start3A_445 = tpu.memref_squeeze %dma_start3A_444 : memref<1x128xi32, #tpu.memory_space<vmem>> -> memref<128xi32, #tpu.memory_space<vmem>>
      %dma_start3A_446 = arith.constant 0 : i32
      %dma_start3A_447 = arith.constant 0 : i32
      %dma_start3A_448 = tpu.memref_slice %arg11[%dma_start3A_446, %dma_start3A_447] : memref<10240x128xf32, #tpu.memory_space<vmem_shared>> -> memref<10240x128xf32, #tpu.memory_space<vmem_shared>>
      tpu.enqueue_indirect_dma source(%arg10 : memref<128x128xf32, #tpu.memory_space<vmem>>) target(%dma_start3A_448 : memref<10240x128xf32, #tpu.memory_space<vmem_shared>>) offsets(%dma_start3A_445 : memref<128xi32, #tpu.memory_space<vmem>>) semaphore(%run_scoped3A_442 : memref<!tpu.dma_semaphore, #tpu.memory_space<semaphore_mem>>) {add = true}
      %dma_wait3A_449 = arith.constant 0 : i32
      %dma_wait3A_450 = tpu.memref_slice %arg8[%run_scoped3A_408, %dma_wait3A_449] : memref<16x128xi32, #tpu.memory_space<vmem>> -> memref<1x128xi32, #tpu.memory_space<vmem>>
      %dma_wait3A_451 = tpu.memref_squeeze %dma_wait3A_450 : memref<1x128xi32, #tpu.memory_space<vmem>> -> memref<128xi32, #tpu.memory_space<vmem>>
      %dma_wait3A_452 = arith.constant 0 : i32
      %dma_wait3A_453 = arith.constant 0 : i32
      %dma_wait3A_454 = tpu.memref_slice %arg11[%dma_wait3A_452, %dma_wait3A_453] : memref<10240x128xf32, #tpu.memory_space<vmem_shared>> -> memref<10240x128xf32, #tpu.memory_space<vmem_shared>>
      tpu.wait_indirect_dma semaphore(%run_scoped3A_442 : memref<!tpu.dma_semaphore, #tpu.memory_space<semaphore_mem>>) src(%arg10 : memref<128x128xf32, #tpu.memory_space<vmem>>) dst(%dma_wait3A_454 : memref<10240x128xf32, #tpu.memory_space<vmem_shared>>)
      tpu.yield
    }) : () -> ()
    %scan3A_409 = arith.constant 0 : i32
    %scan3A_410 = arith.constant 7 : i32
    %scan3A_411 = arith.addi %scan3A_409, %scan3A_410 : i32
    %scan3A_412 = arith.constant 1 : i32
    scf.for %scan3A_442 = %scan3A_409 to %scan3A_411 step %scan3A_412  : i32 {
      %mul3A_443 = arith.constant 1 : i32
      %mul3A_444 = arith.muli %scan3A_442, %mul3A_443 : i32
      %add3A_445 = arith.constant 0 : i32
      %add3A_446 = arith.addi %add3A_445, %mul3A_444 : i32
      %mul3A_447 = arith.constant 2 : i32
      %mul3A_448 = arith.muli %mul3A_447, %add3A_446 : i32
      %add3A_449 = arith.constant 1 : i32
      %add3A_450 = arith.addi %mul3A_448, %add3A_449 : i32
      %dma_start3A_451 = arith.constant 0 : i32
      %dma_start3A_452 = tpu.memref_slice %arg5[%add3A_450, %dma_start3A_451] : memref<16x128xi32, #tpu.memory_space<vmem>> -> memref<1x128xi32, #tpu.memory_space<vmem>>
      %dma_start3A_453 = tpu.memref_squeeze %dma_start3A_452 : memref<1x128xi32, #tpu.memory_space<vmem>> -> memref<128xi32, #tpu.memory_space<vmem>>
      %dma_start3A_454 = arith.constant 0 : i32
      %dma_start3A_455 = arith.constant 0 : i32
      %dma_start3A_456 = tpu.memref_slice %arg2[%dma_start3A_454, %dma_start3A_455] : memref<10000x128xf32, #tpu.memory_space<hbm>> -> memref<10000x128xf32, #tpu.memory_space<hbm>>
      tpu.enqueue_indirect_dma source(%dma_start3A_456 : memref<10000x128xf32, #tpu.memory_space<hbm>>) target(%arg10 : memref<128x128xf32, #tpu.memory_space<vmem>>) offsets(%dma_start3A_453 : memref<128xi32, #tpu.memory_space<vmem>>) semaphore(%arg13 : memref<!tpu.dma_semaphore, #tpu.memory_space<semaphore_mem>>)
      %dma_wait3A_457 = arith.constant 0 : i32
      %dma_wait3A_458 = tpu.memref_slice %arg5[%mul3A_448, %dma_wait3A_457] : memref<16x128xi32, #tpu.memory_space<vmem>> -> memref<1x128xi32, #tpu.memory_space<vmem>>
      %dma_wait3A_459 = tpu.memref_squeeze %dma_wait3A_458 : memref<1x128xi32, #tpu.memory_space<vmem>> -> memref<128xi32, #tpu.memory_space<vmem>>
      %dma_wait3A_460 = arith.constant 0 : i32
      %dma_wait3A_461 = arith.constant 0 : i32
      %dma_wait3A_462 = tpu.memref_slice %arg2[%dma_wait3A_460, %dma_wait3A_461] : memref<10000x128xf32, #tpu.memory_space<hbm>> -> memref<10000x128xf32, #tpu.memory_space<hbm>>
      tpu.wait_indirect_dma semaphore(%arg12 : memref<!tpu.dma_semaphore, #tpu.memory_space<semaphore_mem>>) src(%dma_wait3A_462 : memref<10000x128xf32, #tpu.memory_space<hbm>>) dst(%arg9 : memref<128x128xf32, #tpu.memory_space<vmem>>)
      "tpu.region"() ({
        %run_scoped3A_479 = tpu.sem_alloc : memref<!tpu.dma_semaphore, #tpu.memory_space<semaphore_mem>>
        %dma_start3A_480 = arith.constant 0 : i32
        %dma_start3A_481 = tpu.memref_slice %arg6[%mul3A_448, %dma_start3A_480] : memref<16x128xi32, #tpu.memory_space<vmem>> -> memref<1x128xi32, #tpu.memory_space<vmem>>
        %dma_start3A_482 = tpu.memref_squeeze %dma_start3A_481 : memref<1x128xi32, #tpu.memory_space<vmem>> -> memref<128xi32, #tpu.memory_space<vmem>>
        %dma_start3A_483 = arith.constant 0 : i32
        %dma_start3A_484 = arith.constant 0 : i32
        %dma_start3A_485 = tpu.memref_slice %arg11[%dma_start3A_483, %dma_start3A_484] : memref<10240x128xf32, #tpu.memory_space<vmem_shared>> -> memref<10240x128xf32, #tpu.memory_space<vmem_shared>>
        tpu.enqueue_indirect_dma source(%arg9 : memref<128x128xf32, #tpu.memory_space<vmem>>) target(%dma_start3A_485 : memref<10240x128xf32, #tpu.memory_space<vmem_shared>>) offsets(%dma_start3A_482 : memref<128xi32, #tpu.memory_space<vmem>>) semaphore(%run_scoped3A_479 : memref<!tpu.dma_semaphore, #tpu.memory_space<semaphore_mem>>) {add = true}
        %dma_wait3A_486 = arith.constant 0 : i32
        %dma_wait3A_487 = tpu.memref_slice %arg6[%mul3A_448, %dma_wait3A_486] : memref<16x128xi32, #tpu.memory_space<vmem>> -> memref<1x128xi32, #tpu.memory_space<vmem>>
        %dma_wait3A_488 = tpu.memref_squeeze %dma_wait3A_487 : memref<1x128xi32, #tpu.memory_space<vmem>> -> memref<128xi32, #tpu.memory_space<vmem>>
        %dma_wait3A_489 = arith.constant 0 : i32
        %dma_wait3A_490 = arith.constant 0 : i32
        %dma_wait3A_491 = tpu.memref_slice %arg11[%dma_wait3A_489, %dma_wait3A_490] : memref<10240x128xf32, #tpu.memory_space<vmem_shared>> -> memref<10240x128xf32, #tpu.memory_space<vmem_shared>>
        tpu.wait_indirect_dma semaphore(%run_scoped3A_479 : memref<!tpu.dma_semaphore, #tpu.memory_space<semaphore_mem>>) src(%arg9 : memref<128x128xf32, #tpu.memory_space<vmem>>) dst(%dma_wait3A_491 : memref<10240x128xf32, #tpu.memory_space<vmem_shared>>)
        tpu.yield
      }) : () -> ()
      %add3A_463 = arith.constant 2 : i32
      %add3A_464 = arith.addi %mul3A_448, %add3A_463 : i32
      %dma_start3A_465 = arith.constant 0 : i32
      %dma_start3A_466 = tpu.memref_slice %arg5[%add3A_464, %dma_start3A_465] : memref<16x128xi32, #tpu.memory_space<vmem>> -> memref<1x128xi32, #tpu.memory_space<vmem>>
      %dma_start3A_467 = tpu.memref_squeeze %dma_start3A_466 : memref<1x128xi32, #tpu.memory_space<vmem>> -> memref<128xi32, #tpu.memory_space<vmem>>
      %dma_start3A_468 = arith.constant 0 : i32
      %dma_start3A_469 = arith.constant 0 : i32
      %dma_start3A_470 = tpu.memref_slice %arg2[%dma_start3A_468, %dma_start3A_469] : memref<10000x128xf32, #tpu.memory_space<hbm>> -> memref<10000x128xf32, #tpu.memory_space<hbm>>
      tpu.enqueue_indirect_dma source(%dma_start3A_470 : memref<10000x128xf32, #tpu.memory_space<hbm>>) target(%arg9 : memref<128x128xf32, #tpu.memory_space<vmem>>) offsets(%dma_start3A_467 : memref<128xi32, #tpu.memory_space<vmem>>) semaphore(%arg12 : memref<!tpu.dma_semaphore, #tpu.memory_space<semaphore_mem>>)
      %add3A_471 = arith.constant 1 : i32
      %add3A_472 = arith.addi %mul3A_448, %add3A_471 : i32
      %dma_wait3A_473 = arith.constant 0 : i32
      %dma_wait3A_474 = tpu.memref_slice %arg5[%add3A_472, %dma_wait3A_473] : memref<16x128xi32, #tpu.memory_space<vmem>> -> memref<1x128xi32, #tpu.memory_space<vmem>>
      %dma_wait3A_475 = tpu.memref_squeeze %dma_wait3A_474 : memref<1x128xi32, #tpu.memory_space<vmem>> -> memref<128xi32, #tpu.memory_space<vmem>>
      %dma_wait3A_476 = arith.constant 0 : i32
      %dma_wait3A_477 = arith.constant 0 : i32
      %dma_wait3A_478 = tpu.memref_slice %arg2[%dma_wait3A_476, %dma_wait3A_477] : memref<10000x128xf32, #tpu.memory_space<hbm>> -> memref<10000x128xf32, #tpu.memory_space<hbm>>
      tpu.wait_indirect_dma semaphore(%arg13 : memref<!tpu.dma_semaphore, #tpu.memory_space<semaphore_mem>>) src(%dma_wait3A_478 : memref<10000x128xf32, #tpu.memory_space<hbm>>) dst(%arg10 : memref<128x128xf32, #tpu.memory_space<vmem>>)
      "tpu.region"() ({
        %run_scoped3A_479 = tpu.sem_alloc : memref<!tpu.dma_semaphore, #tpu.memory_space<semaphore_mem>>
        %dma_start3A_480 = arith.constant 0 : i32
        %dma_start3A_481 = tpu.memref_slice %arg6[%add3A_472, %dma_start3A_480] : memref<16x128xi32, #tpu.memory_space<vmem>> -> memref<1x128xi32, #tpu.memory_space<vmem>>
        %dma_start3A_482 = tpu.memref_squeeze %dma_start3A_481 : memref<1x128xi32, #tpu.memory_space<vmem>> -> memref<128xi32, #tpu.memory_space<vmem>>
        %dma_start3A_483 = arith.constant 0 : i32
        %dma_start3A_484 = arith.constant 0 : i32
        %dma_start3A_485 = tpu.memref_slice %arg11[%dma_start3A_483, %dma_start3A_484] : memref<10240x128xf32, #tpu.memory_space<vmem_shared>> -> memref<10240x128xf32, #tpu.memory_space<vmem_shared>>
        tpu.enqueue_indirect_dma source(%arg10 : memref<128x128xf32, #tpu.memory_space<vmem>>) target(%dma_start3A_485 : memref<10240x128xf32, #tpu.memory_space<vmem_shared>>) offsets(%dma_start3A_482 : memref<128xi32, #tpu.memory_space<vmem>>) semaphore(%run_scoped3A_479 : memref<!tpu.dma_semaphore, #tpu.memory_space<semaphore_mem>>) {add = true}
        %dma_wait3A_486 = arith.constant 0 : i32
        %dma_wait3A_487 = tpu.memref_slice %arg6[%add3A_472, %dma_wait3A_486] : memref<16x128xi32, #tpu.memory_space<vmem>> -> memref<1x128xi32, #tpu.memory_space<vmem>>
        %dma_wait3A_488 = tpu.memref_squeeze %dma_wait3A_487 : memref<1x128xi32, #tpu.memory_space<vmem>> -> memref<128xi32, #tpu.memory_space<vmem>>
        %dma_wait3A_489 = arith.constant 0 : i32
        %dma_wait3A_490 = arith.constant 0 : i32
        %dma_wait3A_491 = tpu.memref_slice %arg11[%dma_wait3A_489, %dma_wait3A_490] : memref<10240x128xf32, #tpu.memory_space<vmem_shared>> -> memref<10240x128xf32, #tpu.memory_space<vmem_shared>>
        tpu.wait_indirect_dma semaphore(%run_scoped3A_479 : memref<!tpu.dma_semaphore, #tpu.memory_space<semaphore_mem>>) src(%arg10 : memref<128x128xf32, #tpu.memory_space<vmem>>) dst(%dma_wait3A_491 : memref<10240x128xf32, #tpu.memory_space<vmem_shared>>)
        tpu.yield
      }) : () -> ()
    }
    %scan3A_413 = arith.constant 7 : i32
    %dma_start3A_414 = arith.constant 15 : i32
    %dma_start3A_415 = arith.constant 0 : i32
    %dma_start3A_416 = tpu.memref_slice %arg5[%dma_start3A_414, %dma_start3A_415] : memref<16x128xi32, #tpu.memory_space<vmem>> -> memref<1x128xi32, #tpu.memory_space<vmem>>
    %dma_start3A_417 = tpu.memref_squeeze %dma_start3A_416 : memref<1x128xi32, #tpu.memory_space<vmem>> -> memref<128xi32, #tpu.memory_space<vmem>>
    %dma_start3A_418 = arith.constant 0 : i32
    %dma_start3A_419 = arith.constant 0 : i32
    %dma_start3A_420 = tpu.memref_slice %arg2[%dma_start3A_418, %dma_start3A_419] : memref<10000x128xf32, #tpu.memory_space<hbm>> -> memref<10000x128xf32, #tpu.memory_space<hbm>>
    tpu.enqueue_indirect_dma source(%dma_start3A_420 : memref<10000x128xf32, #tpu.memory_space<hbm>>) target(%arg10 : memref<128x128xf32, #tpu.memory_space<vmem>>) offsets(%dma_start3A_417 : memref<128xi32, #tpu.memory_space<vmem>>) semaphore(%arg13 : memref<!tpu.dma_semaphore, #tpu.memory_space<semaphore_mem>>)
    %dma_wait3A_421 = arith.constant 14 : i32
    %dma_wait3A_422 = arith.constant 0 : i32
    %dma_wait3A_423 = tpu.memref_slice %arg5[%dma_wait3A_421, %dma_wait3A_422] : memref<16x128xi32, #tpu.memory_space<vmem>> -> memref<1x128xi32, #tpu.memory_space<vmem>>
    %dma_wait3A_424 = tpu.memref_squeeze %dma_wait3A_423 : memref<1x128xi32, #tpu.memory_space<vmem>> -> memref<128xi32, #tpu.memory_space<vmem>>
    %dma_wait3A_425 = arith.constant 0 : i32
    %dma_wait3A_426 = arith.constant 0 : i32
    %dma_wait3A_427 = tpu.memref_slice %arg2[%dma_wait3A_425, %dma_wait3A_426] : memref<10000x128xf32, #tpu.memory_space<hbm>> -> memref<10000x128xf32, #tpu.memory_space<hbm>>
    tpu.wait_indirect_dma semaphore(%arg12 : memref<!tpu.dma_semaphore, #tpu.memory_space<semaphore_mem>>) src(%dma_wait3A_427 : memref<10000x128xf32, #tpu.memory_space<hbm>>) dst(%arg9 : memref<128x128xf32, #tpu.memory_space<vmem>>)
    %run_scoped3A_428 = arith.constant 14 : i32
    "tpu.region"() ({
      %run_scoped3A_442 = tpu.sem_alloc : memref<!tpu.dma_semaphore, #tpu.memory_space<semaphore_mem>>
      %dma_start3A_443 = arith.constant 0 : i32
      %dma_start3A_444 = tpu.memref_slice %arg6[%run_scoped3A_428, %dma_start3A_443] : memref<16x128xi32, #tpu.memory_space<vmem>> -> memref<1x128xi32, #tpu.memory_space<vmem>>
      %dma_start3A_445 = tpu.memref_squeeze %dma_start3A_444 : memref<1x128xi32, #tpu.memory_space<vmem>> -> memref<128xi32, #tpu.memory_space<vmem>>
      %dma_start3A_446 = arith.constant 0 : i32
      %dma_start3A_447 = arith.constant 0 : i32
      %dma_start3A_448 = tpu.memref_slice %arg11[%dma_start3A_446, %dma_start3A_447] : memref<10240x128xf32, #tpu.memory_space<vmem_shared>> -> memref<10240x128xf32, #tpu.memory_space<vmem_shared>>
      tpu.enqueue_indirect_dma source(%arg9 : memref<128x128xf32, #tpu.memory_space<vmem>>) target(%dma_start3A_448 : memref<10240x128xf32, #tpu.memory_space<vmem_shared>>) offsets(%dma_start3A_445 : memref<128xi32, #tpu.memory_space<vmem>>) semaphore(%run_scoped3A_442 : memref<!tpu.dma_semaphore, #tpu.memory_space<semaphore_mem>>) {add = true}
      %dma_wait3A_449 = arith.constant 0 : i32
      %dma_wait3A_450 = tpu.memref_slice %arg6[%run_scoped3A_428, %dma_wait3A_449] : memref<16x128xi32, #tpu.memory_space<vmem>> -> memref<1x128xi32, #tpu.memory_space<vmem>>
      %dma_wait3A_451 = tpu.memref_squeeze %dma_wait3A_450 : memref<1x128xi32, #tpu.memory_space<vmem>> -> memref<128xi32, #tpu.memory_space<vmem>>
      %dma_wait3A_452 = arith.constant 0 : i32
      %dma_wait3A_453 = arith.constant 0 : i32
      %dma_wait3A_454 = tpu.memref_slice %arg11[%dma_wait3A_452, %dma_wait3A_453] : memref<10240x128xf32, #tpu.memory_space<vmem_shared>> -> memref<10240x128xf32, #tpu.memory_space<vmem_shared>>
      tpu.wait_indirect_dma semaphore(%run_scoped3A_442 : memref<!tpu.dma_semaphore, #tpu.memory_space<semaphore_mem>>) src(%arg9 : memref<128x128xf32, #tpu.memory_space<vmem>>) dst(%dma_wait3A_454 : memref<10240x128xf32, #tpu.memory_space<vmem_shared>>)
      tpu.yield
    }) : () -> ()
    %dma_wait3A_429 = arith.constant 15 : i32
    %dma_wait3A_430 = arith.constant 0 : i32
    %dma_wait3A_431 = tpu.memref_slice %arg5[%dma_wait3A_429, %dma_wait3A_430] : memref<16x128xi32, #tpu.memory_space<vmem>> -> memref<1x128xi32, #tpu.memory_space<vmem>>
    %dma_wait3A_432 = tpu.memref_squeeze %dma_wait3A_431 : memref<1x128xi32, #tpu.memory_space<vmem>> -> memref<128xi32, #tpu.memory_space<vmem>>
    %dma_wait3A_433 = arith.constant 0 : i32
    %dma_wait3A_434 = arith.constant 0 : i32
    %dma_wait3A_435 = tpu.memref_slice %arg2[%dma_wait3A_433, %dma_wait3A_434] : memref<10000x128xf32, #tpu.memory_space<hbm>> -> memref<10000x128xf32, #tpu.memory_space<hbm>>
    tpu.wait_indirect_dma semaphore(%arg13 : memref<!tpu.dma_semaphore, #tpu.memory_space<semaphore_mem>>) src(%dma_wait3A_435 : memref<10000x128xf32, #tpu.memory_space<hbm>>) dst(%arg10 : memref<128x128xf32, #tpu.memory_space<vmem>>)
    %run_scoped3A_436 = arith.constant 15 : i32
    "tpu.region"() ({
      %run_scoped3A_442 = tpu.sem_alloc : memref<!tpu.dma_semaphore, #tpu.memory_space<semaphore_mem>>
      %dma_start3A_443 = arith.constant 0 : i32
      %dma_start3A_444 = tpu.memref_slice %arg6[%run_scoped3A_436, %dma_start3A_443] : memref<16x128xi32, #tpu.memory_space<vmem>> -> memref<1x128xi32, #tpu.memory_space<vmem>>
      %dma_start3A_445 = tpu.memref_squeeze %dma_start3A_444 : memref<1x128xi32, #tpu.memory_space<vmem>> -> memref<128xi32, #tpu.memory_space<vmem>>
      %dma_start3A_446 = arith.constant 0 : i32
      %dma_start3A_447 = arith.constant 0 : i32
      %dma_start3A_448 = tpu.memref_slice %arg11[%dma_start3A_446, %dma_start3A_447] : memref<10240x128xf32, #tpu.memory_space<vmem_shared>> -> memref<10240x128xf32, #tpu.memory_space<vmem_shared>>
      tpu.enqueue_indirect_dma source(%arg10 : memref<128x128xf32, #tpu.memory_space<vmem>>) target(%dma_start3A_448 : memref<10240x128xf32, #tpu.memory_space<vmem_shared>>) offsets(%dma_start3A_445 : memref<128xi32, #tpu.memory_space<vmem>>) semaphore(%run_scoped3A_442 : memref<!tpu.dma_semaphore, #tpu.memory_space<semaphore_mem>>) {add = true}
      %dma_wait3A_449 = arith.constant 0 : i32
      %dma_wait3A_450 = tpu.memref_slice %arg6[%run_scoped3A_436, %dma_wait3A_449] : memref<16x128xi32, #tpu.memory_space<vmem>> -> memref<1x128xi32, #tpu.memory_space<vmem>>
      %dma_wait3A_451 = tpu.memref_squeeze %dma_wait3A_450 : memref<1x128xi32, #tpu.memory_space<vmem>> -> memref<128xi32, #tpu.memory_space<vmem>>
      %dma_wait3A_452 = arith.constant 0 : i32
      %dma_wait3A_453 = arith.constant 0 : i32
      %dma_wait3A_454 = tpu.memref_slice %arg11[%dma_wait3A_452, %dma_wait3A_453] : memref<10240x128xf32, #tpu.memory_space<vmem_shared>> -> memref<10240x128xf32, #tpu.memory_space<vmem_shared>>
      tpu.wait_indirect_dma semaphore(%run_scoped3A_442 : memref<!tpu.dma_semaphore, #tpu.memory_space<semaphore_mem>>) src(%arg10 : memref<128x128xf32, #tpu.memory_space<vmem>>) dst(%dma_wait3A_454 : memref<10240x128xf32, #tpu.memory_space<vmem_shared>>)
      tpu.yield
    }) : () -> ()
    %barrier3A_437 = arith.constant 0 : index
    tpu.barrier barrier_id(%barrier3A_437)
    %mul3A_438 = arith.constant 640 : i32
    %mul3A_439 = arith.muli %arg1, %mul3A_438 : i32
    %mul3A_440 = arith.constant 640 : i32
    %mul3A_441 = arith.muli %arg1, %mul3A_440 : i32
    "tpu.region"() ({
      %run_scoped3A_442 = tpu.sem_alloc : memref<!tpu.dma_semaphore, #tpu.memory_space<semaphore_mem>>
      %dma_start3A_443 = arith.constant 0 : i32
      %dma_start3A_444 = tpu.memref_slice %arg4[%arg0, %mul3A_441, %dma_start3A_443] : memref<2x10240x128xf32, #tpu.memory_space<hbm>> -> memref<1x640x128xf32, #tpu.memory_space<hbm>>
      %dma_start3A_445 = tpu.memref_squeeze %dma_start3A_444 : memref<1x640x128xf32, #tpu.memory_space<hbm>> -> memref<640x128xf32, #tpu.memory_space<hbm>>
      %dma_start3A_446 = arith.constant 0 : i32
      %dma_start3A_447 = tpu.memref_slice %arg11[%mul3A_439, %dma_start3A_446] : memref<10240x128xf32, #tpu.memory_space<vmem_shared>> -> memref<640x128xf32, #tpu.memory_space<vmem_shared>>
      tpu.enqueue_dma source(%dma_start3A_447 : memref<640x128xf32, #tpu.memory_space<vmem_shared>>) target(%dma_start3A_445 : memref<640x128xf32, #tpu.memory_space<hbm>>) target_semaphore(%run_scoped3A_442 : memref<!tpu.dma_semaphore, #tpu.memory_space<semaphore_mem>>)
      %dma_wait3A_448 = arith.constant 0 : i32
      %dma_wait3A_449 = tpu.memref_slice %arg4[%arg0, %mul3A_441, %dma_wait3A_448] : memref<2x10240x128xf32, #tpu.memory_space<hbm>> -> memref<1x640x128xf32, #tpu.memory_space<hbm>>
      %dma_wait3A_450 = tpu.memref_squeeze %dma_wait3A_449 : memref<1x640x128xf32, #tpu.memory_space<hbm>> -> memref<640x128xf32, #tpu.memory_space<hbm>>
      %dma_wait3A_451 = arith.constant 0 : i32
      %dma_wait3A_452 = tpu.memref_slice %arg11[%mul3A_439, %dma_wait3A_451] : memref<10240x128xf32, #tpu.memory_space<vmem_shared>> -> memref<640x128xf32, #tpu.memory_space<vmem_shared>>
      tpu.wait_dma2 semaphore(%run_scoped3A_442 : memref<!tpu.dma_semaphore, #tpu.memory_space<semaphore_mem>>) src(%dma_wait3A_452 : memref<640x128xf32, #tpu.memory_space<vmem_shared>>) dst(%dma_wait3A_450 : memref<640x128xf32, #tpu.memory_space<hbm>>)
      tpu.yield
    }) : () -> ()
    return
  }
}

module attributes {stable_mosaic.version = 14 : i64} {
  func.func @_mm_body(%arg0: memref<10000x128xf32, #tpu.memory_space<vmem>>, %arg1: memref<128x128xf32, #tpu.memory_space<vmem>>, %arg2: memref<2x10240xf32, #tpu.memory_space<vmem>>, %arg3: memref<10000x128xf32, #tpu.memory_space<vmem>>) attributes {dimension_semantics = [], scalar_prefetch = 0 : i64, scratch_operands = 0 : i64, tpu.core_type = #tpu.core_type<tc>} {
    %get3A = arith.constant 0 : index
    %get3A_0 = arith.constant 0 : index
    %get3A_1 = vector.load %arg0[%get3A, %get3A_0] : memref<10000x128xf32, #tpu.memory_space<vmem>>, vector<10000x128xf32>
    %get3A_2 = arith.constant 0 : index
    %get3A_3 = arith.constant 0 : index
    %get3A_4 = vector.load %arg2[%get3A_2, %get3A_3] : memref<2x10240xf32, #tpu.memory_space<vmem>>, vector<1x10240xf32>
    %get3A_5 = vector.shape_cast %get3A_4 : vector<1x10240xf32> to vector<10240xf32>
    %get3A_6 = arith.constant 1 : index
    %get3A_7 = arith.constant 0 : index
    %get3A_8 = vector.load %arg2[%get3A_6, %get3A_7] : memref<2x10240xf32, #tpu.memory_space<vmem>>, vector<1x10240xf32>
    %get3A_9 = vector.shape_cast %get3A_8 : vector<1x10240xf32> to vector<10240xf32>
    %add3A = arith.addf %get3A_5, %get3A_9 : vector<10240xf32>
    %add3A_10 = arith.constant 1.000000e+00 : f32
    %add3A_11 = vector.broadcast %add3A_10 : f32 to vector<10240xf32>
    %add3A_12 = arith.addf %add3A, %add3A_11 : vector<10240xf32>
    %rsqrt3A = math.rsqrt %add3A_12 : vector<10240xf32>
    %reshape3A = vector.shape_cast %rsqrt3A : vector<10240xf32> to vector<10240x1xf32>
    %slice3A = vector.extract_strided_slice %reshape3A {offsets = [0, 0], sizes = [10000, 1], strides = [1, 1]} : vector<10240x1xf32> to vector<10000x1xf32>
    %mul3A = vector.broadcast %slice3A : vector<10000x1xf32> to vector<10000x128xf32>
    %mul3A_13 = arith.mulf %get3A_1, %mul3A : vector<10000x128xf32>
    %get3A_14 = arith.constant 0 : index
    %get3A_15 = arith.constant 0 : index
    %get3A_16 = vector.load %arg1[%get3A_14, %get3A_15] : memref<128x128xf32, #tpu.memory_space<vmem>>, vector<128x128xf32>
    %dot_general3A = arith.constant dense<0.000000e+00> : vector<10000x128xf32>
    %dot_general3A_17 = tpu.matmul %mul3A_13, %get3A_16, %dot_general3A {dimension_numbers = #tpu.dot_dimension_numbers<[1], [0], [0], [1], [0, 0, 1, 1], [], []>, transpose_lhs_hint = false} : vector<10000x128xf32>, vector<128x128xf32>, vector<10000x128xf32> -> vector<10000x128xf32>
    %swap3A = arith.constant 0 : index
    %swap3A_18 = arith.constant 0 : index
    %swap3A_19 = vector.load %arg3[%swap3A, %swap3A_18] : memref<10000x128xf32, #tpu.memory_space<vmem>>, vector<10000x128xf32>
    tpu.vector_store %arg3[%swap3A, %swap3A_18], %dot_general3A_17 {strides = array<i32>} : memref<10000x128xf32, #tpu.memory_space<vmem>>, vector<10000x128xf32>,
    return
  }
}

module attributes {stable_mosaic.version = 14 : i64} {
  func.func @_comb_body(%arg0: memref<2x10240x128xf32, #tpu.memory_space<vmem>>, %arg1: memref<10000x128xf32, #tpu.memory_space<vmem>>, %arg2: memref<2x10240xf32, #tpu.memory_space<vmem>>, %arg3: memref<1x128xf32, #tpu.memory_space<vmem>>, %arg4: memref<10000x128xf32, #tpu.memory_space<vmem>>) attributes {dimension_semantics = [], scalar_prefetch = 0 : i64, scratch_operands = 0 : i64, tpu.core_type = #tpu.core_type<tc>} {
    %get3A = arith.constant 0 : index
    %get3A_0 = arith.constant 0 : index
    %get3A_1 = vector.load %arg2[%get3A, %get3A_0] : memref<2x10240xf32, #tpu.memory_space<vmem>>, vector<1x10240xf32>
    %get3A_2 = vector.shape_cast %get3A_1 : vector<1x10240xf32> to vector<10240xf32>
    %get3A_3 = arith.constant 1 : index
    %get3A_4 = arith.constant 0 : index
    %get3A_5 = vector.load %arg2[%get3A_3, %get3A_4] : memref<2x10240xf32, #tpu.memory_space<vmem>>, vector<1x10240xf32>
    %get3A_6 = vector.shape_cast %get3A_5 : vector<1x10240xf32> to vector<10240xf32>
    %add3A = arith.addf %get3A_2, %get3A_6 : vector<10240xf32>
    %add3A_7 = arith.constant 1.000000e+00 : f32
    %add3A_8 = vector.broadcast %add3A_7 : f32 to vector<10240xf32>
    %add3A_9 = arith.addf %add3A, %add3A_8 : vector<10240xf32>
    %rsqrt3A = math.rsqrt %add3A_9 : vector<10240xf32>
    %reshape3A = vector.shape_cast %rsqrt3A : vector<10240xf32> to vector<10240x1xf32>
    %slice3A = vector.extract_strided_slice %reshape3A {offsets = [0, 0], sizes = [10000, 1], strides = [1, 1]} : vector<10240x1xf32> to vector<10000x1xf32>
    %get3A_10 = arith.constant 0 : index
    %get3A_11 = arith.constant 0 : index
    %get3A_12 = arith.constant 0 : index
    %get3A_13 = vector.load %arg0[%get3A_10, %get3A_11, %get3A_12] : memref<2x10240x128xf32, #tpu.memory_space<vmem>>, vector<1x10000x128xf32>
    %get3A_14 = vector.shape_cast %get3A_13 : vector<1x10000x128xf32> to vector<10000x128xf32>
    %get3A_15 = arith.constant 1 : index
    %get3A_16 = arith.constant 0 : index
    %get3A_17 = arith.constant 0 : index
    %get3A_18 = vector.load %arg0[%get3A_15, %get3A_16, %get3A_17] : memref<2x10240x128xf32, #tpu.memory_space<vmem>>, vector<1x10000x128xf32>
    %get3A_19 = vector.shape_cast %get3A_18 : vector<1x10000x128xf32> to vector<10000x128xf32>
    %add3A_20 = arith.addf %get3A_14, %get3A_19 : vector<10000x128xf32>
    %get3A_21 = arith.constant 0 : index
    %get3A_22 = arith.constant 0 : index
    %get3A_23 = vector.load %arg1[%get3A_21, %get3A_22] : memref<10000x128xf32, #tpu.memory_space<vmem>>, vector<10000x128xf32>
    %add3A_24 = arith.addf %add3A_20, %get3A_23 : vector<10000x128xf32>
    %mul3A = vector.broadcast %slice3A : vector<10000x1xf32> to vector<10000x128xf32>
    %mul3A_25 = arith.mulf %mul3A, %add3A_24 : vector<10000x128xf32>
    %get3A_26 = arith.constant 0 : index
    %get3A_27 = arith.constant 0 : index
    %get3A_28 = vector.load %arg3[%get3A_26, %get3A_27] : memref<1x128xf32, #tpu.memory_space<vmem>>, vector<1x128xf32>
    %add3A_29 = vector.broadcast %get3A_28 : vector<1x128xf32> to vector<10000x128xf32>
    %add3A_30 = arith.addf %mul3A_25, %add3A_29 : vector<10000x128xf32>
    %swap3A = arith.constant 0 : index
    %swap3A_31 = arith.constant 0 : index
    %swap3A_32 = vector.load %arg4[%swap3A, %swap3A_31] : memref<10000x128xf32, #tpu.memory_space<vmem>>, vector<10000x128xf32>
    tpu.vector_store %arg4[%swap3A, %swap3A_31], %add3A_30 {strides = array<i32>} : memref<10000x128xf32, #tpu.memory_space<vmem>>, vector<10000x128xf32>,
    return
  }
}

</mosaic_0001>

<sc_bundles>
// kernel: kernel.6.cloned.1.call-start
scs
__scs_entry_jumppad:
0x0: {  	(pc) =	sbr.rel $0x88, $3  }
0x1: {  	(tag) =	ssettag $0x0;
	lr =	simm.s32 $0x1  }
0x2: {  	[smem:$0x3F9D] =	sst lr;
	_ =	strace $0xD0000000  }
0x3: {  	_ = 	snop  }
0x4: {  	_ = 	snop  }
0x5: {  	_ = 	snop  }
0x6: {  	_ = 	snop  }
0x7: {  	_ = 	snop  }
__scs_overlays_trampoline_lowered:
0x8: {  	[smem:$0x3FAC] =	sst s0  }
0x9: {  	[smem:$0x3FAD] =	sst s1  }
0xa: {  	[smem:$0x3FAE] =	sst s2  }
0xb: {  	[smem:$0x3FAF] =	sst s3  }
0xc: {  	[smem:$0x3FB0] =	sst s4  }
0xd: {  	[smem:$0x3FB1] =	sst s5  }
0xe: {  	[smem:$0x3FB2] =	sst s6  }
0xf: {  	[smem:$0x3FB3] =	sst s7  }
0x10: {  	[smem:$0x3FB4] =	sst s8  }
0x11: {  	[smem:$0x3FB5] =	sst s9;
	s0 =	simm.s32 @!p0 $0x0  }
0x12: {  	s1 =	sld [smem:$0x3F9B];
	s0 =	simm.s32 @p0 $0x1  }
0x13: {  	[smem:$0x3FB6] =	sst s0;
	s0 =	simm.s32 @!p1 $0x0  }
0x14: {  	s2 =	sld [smem:$0x3F9A];
	s0 =	simm.s32 @p1 $0x1  }
0x15: {  	[smem:$0x3FB7] =	sst s0;
	s0 =	simm.s32 @!p2 $0x0  }
0x16: {  	s3 =	sld [smem:$0x3FDB];
	s0 =	simm.s32 @p2 $0x1  }
0x17: {  	s4 =	simm.s32 $0x1BF5;
	[smem:$0x3FB9] =	sst s0  }
0x18: {  	s0 =	sld [smem:$0x3F9C];
	_ =	swait.ge [sflag:s4], $0x0  }
0x19: {  	s7 =	sld [smem:$0x3F9D]  }
0x1a: {  	s8 =	sadd.s32 $0xFFFFE003, lr  }
0x1b: {  	s9 =	sadd.s32 $0xFFFFFEF7, lr;
	s5 =	simm.s32 $0xFFFFFFFF;
	p2 =	slt.u32 s8, $0xFFFFF086  }
0x1c: {  	p1 =	slt.u32 s9, $0xF7A;
	s5 =	simm.s32 @!p2 $0x0  }
0x1d: {  	s5 =	simm.s32 @p1 $0x1;
	p0 =	seq.s32 s7, s2  }
0x1e: {  	s7 =	smul.u32 @!p0 $0xF7A, s2;
	p2 =	seq.s32 @!p0 s5, $0x0  }
0x1f: {  	s9 =	smul.u32 $0xF7A, s1;
	s8 =	simm.s32 @!p0 $0x1BF5;
	p2 =	por !p2, p0  }
0x20: {  	[sflag:s8] =	ssyncset.s32 @!p0 $0xFFFFF086;
	s6 =	sadd.s32 @!p0 s3, s7;
	s7 =	simm.s32 @!p0 $0x108  }
0x21: {  	s3 =	sadd.s32 s3, s9;
	s6 =	sadd.s32 @!p0 $0x88, s6;
	s7 =	simm.s32 @p2 $0x1082  }
0x22: {  	[simem:s7], [sflag:s8] =	dma.local @!p0 [hbm:s6], $0xF7A  }
0x23: {  	s9 =	sor.u32 $0xD0000000, s2;
	s6 =	simm.s32 $0x108;
	_ =	swait.ge @!p0 [sflag:s8], $0x0  }
0x24: {  	s3 =	sadd.s32 $0x88, s3;
	s6 =	simm.s32 @!p1 $0x1082;
	[sflag:s4] =	ssyncset.s32 $0xFFFFF086  }
0x25: {  	[simem:s6], [sflag:s4] =	dma.local [hbm:s3], $0xF7A  }
0x26: {  	[smem:$0x3F9D] =	sst s1;
	(tag) =	ssettag s2;
	_ =	strace s9  }
0x27: {  	s1 =	sld [smem:$0x3FAD]  }
0x28: {  	s2 =	sld [smem:$0x3FAE]  }
0x29: {  	s4 =	sld [smem:$0x3FB0]  }
0x2a: {  	p0 =	seq.s32 s5, $0x0;
	s5 =	sld [smem:$0x3FB1]  }
0x2b: {  	s6 =	sld [smem:$0x3FB2]  }
0x2c: {  	s7 =	sld [smem:$0x3FB3]  }
0x2d: {  	s3 =	simm.s32 $0x108;
	s8 =	sld [smem:$0x3FB4]  }
0x2e: {  	s3 =	simm.s32 @!p0 $0x1082;
	s9 =	sld [smem:$0x3FB5]  }
0x2f: {  	lr =	sadd.s32 s0, s3;
	s0 =	sld [smem:$0x3FAC]  }
0x30: {  	s3 =	sld [smem:$0x3FAF]  }
0x31: {  	[smem:$0x3FB8] =	sst s10  }
0x32: {  	s10 =	sld [smem:$0x3FB6];
	_ =	sdelay $0x3  }
0x33: {  	p0 =	seq.s32 s10, $0x1;
	s10 =	sld [smem:$0x3FB8];
	_ =	sdelay $0x3  }
0x34: {  	[smem:$0x3FB8] =	sst s10  }
0x35: {  	s10 =	sld [smem:$0x3FB7];
	_ =	sdelay $0x3  }
0x36: {  	p1 =	seq.s32 s10, $0x1;
	s10 =	sld [smem:$0x3FB8];
	_ =	sdelay $0x3  }
0x37: {  	[smem:$0x3FB8] =	sst s10  }
0x38: {  	s10 =	sld [smem:$0x3FB9]  }
0x39: {  	_ = 	snop;
	(pc) =	sbr.ind lr, $3  }
0x3a: {  	_ = 	snop  }
0x3b: {  	_ = 	snop  }
0x3c: {  	p2 =	seq.s32 s10, $0x1;
	s10 =	sld [smem:$0x3FB8]  }
0x3d: {  	_ =	shalt  }
0x3e: {  	_ =	shalt  }
0x3f: {  	_ =	shalt  }
0x40: {  	_ =	shalt  }
0x41: {  	_ =	shalt  }
0x42: {  	_ =	shalt  }
0x43: {  	_ =	shalt  }
0x44: {  	_ =	shalt  }
0x45: {  	_ =	shalt  }
0x46: {  	_ =	shalt  }
0x47: {  	_ =	shalt  }
0x48: {  	_ =	shalt  }
0x49: {  	_ =	shalt  }
0x4a: {  	_ =	shalt  }
0x4b: {  	_ =	shalt  }
0x4c: {  	_ =	shalt  }
0x4d: {  	_ =	shalt  }
0x4e: {  	_ =	shalt  }
0x4f: {  	_ =	shalt  }
0x50: {  	_ =	shalt  }
0x51: {  	_ =	shalt  }
0x52: {  	_ =	shalt  }
0x53: {  	_ =	shalt  }
0x54: {  	_ =	shalt  }
0x55: {  	_ =	shalt  }
0x56: {  	_ =	shalt  }
0x57: {  	_ =	shalt  }
0x58: {  	_ =	shalt  }
0x59: {  	_ =	shalt  }
0x5a: {  	_ =	shalt  }
0x5b: {  	_ =	shalt  }
0x5c: {  	_ =	shalt  }
0x5d: {  	_ =	shalt  }
0x5e: {  	_ =	shalt  }
0x5f: {  	_ =	shalt  }
0x60: {  	_ =	shalt  }
0x61: {  	_ =	shalt  }
0x62: {  	_ =	shalt  }
0x63: {  	_ =	shalt  }
0x64: {  	_ =	shalt  }
0x65: {  	_ =	shalt  }
0x66: {  	_ =	shalt  }
0x67: {  	_ =	shalt  }
0x68: {  	_ =	shalt  }
0x69: {  	_ =	shalt  }
0x6a: {  	_ =	shalt  }
0x6b: {  	_ =	shalt  }
0x6c: {  	_ =	shalt  }
0x6d: {  	_ =	shalt  }
0x6e: {  	_ =	shalt  }
0x6f: {  	_ =	shalt  }
0x70: {  	_ =	shalt  }
0x71: {  	_ =	shalt  }
0x72: {  	_ =	shalt  }
0x73: {  	_ =	shalt  }
0x74: {  	_ =	shalt  }
0x75: {  	_ =	shalt  }
0x76: {  	_ =	shalt  }
0x77: {  	_ =	shalt  }
0x78: {  	_ =	shalt  }
0x79: {  	_ =	shalt  }
0x7a: {  	_ =	shalt  }
0x7b: {  	_ =	shalt  }
0x7c: {  	_ =	shalt  }
0x7d: {  	_ =	shalt  }
0x7e: {  	_ =	shalt  }
0x7f: {  	_ =	shalt  }
0x80: {  	_ =	shalt  }
0x81: {  	_ =	shalt  }
0x82: {  	_ =	shalt  }
0x83: {  	_ =	shalt  }
0x84: {  	_ =	shalt  }
0x85: {  	_ =	shalt  }
0x86: {  	_ =	shalt  }
0x87: {  	_ =	shalt  }
.Lfunc_end0:
.L_simem_size_0:
called_computation_lowered:
.L_overlay_start_0:
0x88: {  	s2 =	sld [smem:$0x3FD9]  }
0x89: {  	s3 =	sld [smem:$0x3FFE];
	_ =	sdelay $0x1  }
0x8a: {  	s1 =	srdreg.scid  }
0x8b: {  	s0 =	sand.u32 $0x1, s1  }
0x8c: {  	s17 =	sshll.u32 s0, $0xA;
	s2 =	sadd.s32 s3, s2  }
0x8d: {  	s2 =	sadd.s32 s2, s17  }
0x8e: {  	[smem:$0x3FC4] =	sst s2  }
0x8f: {  	_ = 	snop  }
0x90: {  	s2 =	sld [smem:$0x3FD0];
	(tm) =	ssettm $0x1  }
0x91: {  	s18 =	sld [smem:$0x3FFB];
	_ =	sdelay $0x3  }
0x92: {  	_ =	strace s18  }
0x93: {  	s3 =	sld [smem:$0x3FFC];
	_ =	sdelay $0x3  }
0x94: {  	_ =	strace s3  }
0x95: {  	s3 =	sld [smem:$0x3FFD];
	_ =	sdelay $0x3  }
0x96: {  	_ =	strace s3  }
0x97: {  	_ =	strace $0x8FFFFFFF  }
0x98: {  	s19 =	sld [smem:$0x3FDB];
	_ =	sdelay $0x1  }
0x99: {  	s4 =	simm.s32 $_scs_section_size  }
0x9a: {  	s5 =	simm.s32 $_size__tile_overlayer_lowered;
	s6 =	simm.s32 $_tile_overlayer_lowered  }
0x9b: {  	s22 =	simm.s32 $0x1BFF;
	s21 =	sshll.u32 s6, $0x1;
	s3 =	sadd.s32 s4, s19  }
0x9c: {  	s7 =	simm.s32 $0x0;
	s20 =	sshll.u32 s5, $0x1;
	s5 =	sadd.s32 s21, s3  }
0x9d: {  	[timem:s7], [sflag:s22] =	dma.local [hbm:s5], s20  }
0x9e: {  	_ =	swait.ge [sflag:s22], s20  }
0x9f: {  	s4 =	ssub.s32 $0x0, s20;
	[sflag:s22] =	ssyncset.done $0x0  }
0xa0: {  	[sflag:s22] =	ssyncadd.s32 s4;
	_ =	sdelay $0x1  }
0xa1: {  	s23 =	simm.s32 $0x1B8B  }
0xa2: {  	_ =	swait.ge [sflag:s23], $0x1  }
0xa3: {  	[sflag:s23] =	ssyncset.done $0x0  }
0xa4: {  	s25 =	simm.s32 $0x1B8E;
	s24 =	sld [smem:$0x3FFE];
	[sflag:s23] =	ssyncadd.s32 $0xFFFFFFFF  }
0xa5: {  	s26 =	simm.s32 $execute0_lowered;
	[smem:$0x3FD2] =	sst s25  }
0xa6: {  	s5 =	sshll.u32 s26, $0x1;
	_ =	strace $0x80000046;
	[dreg:$0x1] =	wrdreg $0xFFFFFFFF  }
0xa7: {  	s28 =	simm.s32 $_size_execute0_lowered;
	s3 =	sadd.s32 s3, s5;
	[dreg:$0x0] =	wrdreg $0x0  }
0xa8: {  	s5 =	sshll.u32 s28, $0x1;
	[dreg:$0x2] =	wrdreg s3  }
0xa9: {  	[dreg:$0x3] =	wrdreg s5  }
0xaa: {  	[dreg:$0x4] =	wrdreg $0xC0  }
0xab: {  	_ =	task [dreg:s7], $0x5FFFF  }
0xac: {  	[dreg:$0x1] =	wrdreg $0xFFFFFFFF  }
0xad: {  	[dreg:$0x0] =	wrdreg $0x60  }
0xae: {  	[dreg:$0x2] =	wrdreg s24  }
0xaf: {  	[dreg:$0x3] =	wrdreg s2  }
0xb0: {  	[dreg:$0x4] =	wrdreg $0x2B000  }
0xb1: {  	[dreg:$0x5] =	wrdreg $0x9  }
0xb2: {  	_ =	task.clear_ibuf [dreg:s7], $0x6FFFF;
	_ =	strace $0x90000046  }
0xb3: {  	s29 =	simm.s32 $0x9;
	_ =	strace $0x80000048  }
0xb4: {  	_ =	swait.ge [sflag:s29], $0x1  }
0xb5: {  	[sflag:s29] =	ssyncadd.s32 $0xFFFFFFFF  }
0xb6: {  	_ =	strace $0x90000048  }
0xb7: {  	_ =	sfence  }
0xb8: {  	s30 =	sld [smem:$0x0];
	_ =	sdelay $0x2  }
0xb9: {  	s31 =	sshll.u32 s1, $0xD;
	s1 =	sshrl.u32 s1, $0x2  }
0xba: {  	s3 =	sand.u32 $0x4000, s31;
	s1 =	sadd.s32 s1, s30  }
0xbb: {  	s0 =	sor.u32 s3, s0;
	s1 =	sshll.u32 s1, $0x11  }
0xbc: {  	s0 =	sor.u32 s1, s0  }
0xbd: {  	s0 =	sadd.s32 $0x8F2B, s0  }
0xbe: {  	[sflag:s0] =	ssyncadd.remote.s32 $0x1  }
0xbf: {  	_ =	sfence.sel $0xFFFF  }
0xc0: {  	[dreg:$0x0] =	wrdreg $0xFFFFFFFF;
	(pc) =	sbr.abs _section_cstart, $3  }
0xc1: {  	[dreg:$0x1] =	wrdreg $0xFFFFFFFF  }
0xc2: {  	_ =	task.clear_ibuf [dreg:s7], $0x2FFFF;
	_ =	strace $0x9FFFFFFF  }
0xc3: {  	(tm) =	ssettm $0x7FFFFFFF  }
tec
execute0_lowered:
.L_overlay_start_1:
0x0: {  	(tag) =	ssettag $0x1  }
0x1: {  	s4 =	rddreg [dreg:$0x0]  }
0x2: {  	s1 =	srdreg.scid;
	s6 =	rddreg [dreg:$0x1]  }
0x3: {  	s0 =	stileid.u32;
	s2 =	rddreg [dreg:$0x2]  }
0x4: {  	s3 =	simm.s32 $0x0;
	s14 =	simm.s32 $0x20;
	s15 =	simm.s32 $0x10  }
0x5: {  	s16 =	simm.s32 $0x0;
	s5 =	sand.u32 $0x1, s1;
	s1 =	rddreg [dreg:$0x3]  }
0x6: {  	s28 =	sshll.u32 s0, $0x1;
	[smem:$0x7FF] =	sst s3;
	s9 =	smul.u32 $0xA00, s0  }
0x7: {  	s11 =	smul.u32 $0x500, s0;
	s12 =	sshll.u32 s0, $0x6;
	s7 =	sor.u32 s5, s28  }
0x8: {  	s8 =	ssub.s32 $0x2, s5;
	_ =	strace $0x80000047;
	s5 =	sshll.u32 s5, $0x7  }
0x9: {  	s12 =	sor.u32 $0x1C01, s12;
	s7 =	smul.u32 $0x2800, s7;
	s10 =	sshrl.u32 s8, $0x1  }
0xa: {  	s29 =	sshrl.u32 s9, $0x2;
	s30 =	sor.u32 s5, s11;
	s9 =	simm.s32 $0x2880  }
0xb: {  	s11 =	simm.s32 $0x2800;
	s8 =	ssub.s32 s8, s10;
	s5 =	sadd.s32 s29, s2  }
0xc: {  	s31 =	sshrl.u32 s30, $0x3;
	s10 =	simm.s32 $0x80;
	s7 =	sshrl.u32 s7, $0x3  }
0xd: {  	s6 =	sadd.s32 s6, s31;
	s13 =	sshrl.u32 s5, $0x3;
	s4 =	sadd.s32 s4, s7  }
0xe: {  	v0 =	vimm.f32 $1.000000000e+00;
	v1 =	vimm.f32 $0.0e+00;
	s7 =	smax.u32 s8, $0x1;
	s8 =	simm.s32 $0x1;
	s4 =	sadd.s32 $0xBE00, s4  }
.LBB2_1:
0xf: {  	[tilespmem:s3], [sflag:$0x1] =	stream.linear.gather [hbm4b:s4+s3], $0x2800, $0x38;
	[tilespmem:$0x2D80] =	vst v63  }
0x10: {  	_ =	swait.ge [sflag:s8], $0x2800  }
0x11: {  	[sflag:s8] =	ssyncset.done $0x0  }
0x12: {  	[sflag:s8] =	ssyncadd.s32 $0xFFFFD800  }
0x13: {  	[tilespmem:$0x2800] =	vst v0  }
0x14: {  	[tilespmem:$0x2810] =	vst v0  }
0x15: {  	[tilespmem:$0x2820] =	vst v0  }
0x16: {  	[tilespmem:$0x2830] =	vst v0  }
0x17: {  	[tilespmem:$0x2840] =	vst v0  }
0x18: {  	[tilespmem:$0x2850] =	vst v0  }
0x19: {  	[tilespmem:$0x2860] =	vst v0  }
0x1a: {  	[tilespmem:$0x2870] =	vst v0  }
0x1b: {  	[tilespmem:$0x2880] =	vst v1  }
0x1c: {  	[tilespmem:$0x2890] =	vst v1  }
0x1d: {  	[tilespmem:$0x28A0] =	vst v1  }
0x1e: {  	[tilespmem:$0x28B0] =	vst v1  }
0x1f: {  	[tilespmem:$0x28C0] =	vst v1  }
0x20: {  	[tilespmem:$0x28D0] =	vst v1  }
0x21: {  	[tilespmem:$0x28E0] =	vst v1  }
0x22: {  	[tilespmem:$0x28F0] =	vst v1  }
0x23: {  	[tilespmem:$0x2900] =	vst v1  }
0x24: {  	[tilespmem:$0x2910] =	vst v1  }
0x25: {  	[tilespmem:$0x2920] =	vst v1  }
0x26: {  	[tilespmem:$0x2930] =	vst v1  }
0x27: {  	[tilespmem:$0x2940] =	vst v1  }
0x28: {  	[tilespmem:$0x2950] =	vst v1  }
0x29: {  	[tilespmem:$0x2960] =	vst v1  }
0x2a: {  	[tilespmem:$0x2970] =	vst v1  }
0x2b: {  	[tilespmem:$0x2980] =	vst v1  }
0x2c: {  	[tilespmem:$0x2990] =	vst v1  }
0x2d: {  	[tilespmem:$0x29A0] =	vst v1  }
0x2e: {  	[tilespmem:$0x29B0] =	vst v1  }
0x2f: {  	[tilespmem:$0x29C0] =	vst v1  }
0x30: {  	[tilespmem:$0x29D0] =	vst v1  }
0x31: {  	[tilespmem:$0x29E0] =	vst v1  }
0x32: {  	[tilespmem:$0x29F0] =	vst v1  }
0x33: {  	[tilespmem:$0x2A00] =	vst v1  }
0x34: {  	[tilespmem:$0x2A10] =	vst v1  }
0x35: {  	[tilespmem:$0x2A20] =	vst v1  }
0x36: {  	[tilespmem:$0x2A30] =	vst v1  }
0x37: {  	[tilespmem:$0x2A40] =	vst v1  }
0x38: {  	[tilespmem:$0x2A50] =	vst v1  }
0x39: {  	[tilespmem:$0x2A60] =	vst v1  }
0x3a: {  	[tilespmem:$0x2A70] =	vst v1  }
0x3b: {  	[tilespmem:$0x2A80] =	vst v1  }
0x3c: {  	[tilespmem:$0x2A90] =	vst v1  }
0x3d: {  	[tilespmem:$0x2AA0] =	vst v1  }
0x3e: {  	[tilespmem:$0x2AB0] =	vst v1  }
0x3f: {  	[tilespmem:$0x2AC0] =	vst v1  }
0x40: {  	[tilespmem:$0x2AD0] =	vst v1  }
0x41: {  	[tilespmem:$0x2AE0] =	vst v1  }
0x42: {  	[tilespmem:$0x2AF0] =	vst v1  }
0x43: {  	[spmem:s5] =	stream.linear.scatter [tilespmem:s9], [sflag:$0x1], $0x280, $0x38;
	[tilespmem:$0x2D80] =	vst v63  }
0x44: {  	_ =	swait.ge [sflag:s8], $0x280  }
0x45: {  	[sflag:s8] =	ssyncset.done $0x0  }
0x46: {  	[sflag:s8] =	ssyncadd.s32 $0xFFFFFD80  }
0x47: {  	s17 =	simm.s32 $0x0;
	[bflag:$0x0] =	sbarrier.arrive $0xFFFF  }
0x48: {  	[spmem:s2] =	stream.indirect.scatter.add.f32 [tilespmem:s11], [sflag:$0x1], $0x1, s17, s10, $0xb8;
	[tilespmem:$0x2D80] =	vst v63  }
0x49: {  	_ =	swait.ge [sflag:s8], $0x80  }
0x4a: {  	s17 =	simm.s32 $0x200;
	[sflag:s8] =	ssyncset.done $0x0  }
.LBB2_2:
0x4b: {  	s18 =	sshra.s32 s17, $0x2;
	[sflag:s8] =	ssyncadd.s32 $0xFFFFFF80;
	p0 =	sne.s32 s17, $0x9E00  }
0x4c: {  	[spmem:s2] =	stream.indirect.scatter.add.f32 [tilespmem:s11], [sflag:$0x1], $0x1, s18, s10, $0xb8;
	[tilespmem:$0x2D80] =	vst v63  }
.Ltmp0:
0x4d: {  	_ = 	snop;
	(pc) =	sbr.rel @p0 .LBB2_2-.Ltmp0, $4  }
0x4e: {  	_ = 	snop  }
0x4f: {  	s17 =	sadd.s32 $0x200, s17  }
0x50: {  	_ =	swait.ge [sflag:s8], $0x80  }
0x51: {  	[sflag:s8] =	ssyncset.done $0x0  }
0x52: {  	s16 =	sadd.s32 $0x1, s16  }
0x53: {  	[sflag:s8] =	ssyncadd.s32 $0xFFFFFF80;
	p0 =	sne.s32 s16, s7  }
.Ltmp1:
0x54: {  	[bflag:$0x0] =	sbarrier.arrive $0xFFFF;
	(pc) =	sbr.rel @p0 .LBB2_1-.Ltmp1, $4  }
0x55: {  	[hbm:s6@s14], [sflag:s12] =	dma.strided [spmem:s13@s15], $0x50, s8, $0x10   }
0x56: {  	_ =	swait.ge [sflag:s8], $0x50  }
0x57: {  	[sflag:s8] =	ssyncset.done $0x0  }
0x58: {  	[sflag:s8] =	ssyncadd.s32 $0xFFFFFFB0  }
0x59: {  	_ =	sfence.sel $0x180000  }
0x5a: {  	[bflag:$0x0] =	sbarrier.arrive $0xFFFF  }
0x5b: {  	p0 =	sne.s32 s0, $0x0;
	_ =	strace $0x90000047  }
0x5c: {  	s0 =	sadd.s32 @!p0 $0x100000, s1;
	[bflag:$0x2] =	sbarrier.arrive $0xFFFF  }
0x5d: {  	[sflag:s0] =	ssyncadd.tile.s32 @!p0 $0x1;
	_ =	shalt  }
.Lfunc_end2:
_tile_overlayer_lowered:
.L_overlay_start_2:
0x5e: {  	(tag) =	ssettag $0x2  }
0x5f: {  	s0 =	rddreg [dreg:$0x0];
	s2 =	stileid.u32  }
0x60: {  	s1 =	rddreg [dreg:$0x1];
	p0 =	sne.s32 s2, $0x0  }
0x61: {  	s3 =	rddreg [dreg:$0x2];
	[bflag:$0x3] =	sbarrier.arrive $0xFFFF;
	s2 =	simm.s32 @!p0 $0x1C01  }
0x62: {  	[timem:s3], [sflag:s2] =	dma.local @!p0 [hbm:s0], s1  }
0x63: {  	s0 =	simm.s32 @!p0 $0x1  }
0x64: {  	_ =	swait.ge @!p0 [sflag:s0], s1  }
0x65: {  	s1 =	ssub.s32 @!p0 $0x0, s1;
	[sflag:s0] =	ssyncset.done @!p0 $0x0  }
0x66: {  	[sflag:s0] =	ssyncadd.s32 @!p0 s1  }
0x67: {  	[bflag:$0x3] =	sbarrier.arrive $0xFFFF  }
0x68: {  	_ =	shalt  }

// kernel: kernel.9.cloned.1.call-start
scs
__scs_entry_jumppad:
0x0: {  	(pc) =	sbr.rel $0x88, $3  }
0x1: {  	(tag) =	ssettag $0x0;
	lr =	simm.s32 $0x1  }
0x2: {  	[smem:$0x3F9D] =	sst lr;
	_ =	strace $0xD0000000  }
0x3: {  	_ = 	snop  }
0x4: {  	_ = 	snop  }
0x5: {  	_ = 	snop  }
0x6: {  	_ = 	snop  }
0x7: {  	_ = 	snop  }
__scs_overlays_trampoline_lowered:
0x8: {  	[smem:$0x3FAC] =	sst s0  }
0x9: {  	[smem:$0x3FAD] =	sst s1  }
0xa: {  	[smem:$0x3FAE] =	sst s2  }
0xb: {  	[smem:$0x3FAF] =	sst s3  }
0xc: {  	[smem:$0x3FB0] =	sst s4  }
0xd: {  	[smem:$0x3FB1] =	sst s5  }
0xe: {  	[smem:$0x3FB2] =	sst s6  }
0xf: {  	[smem:$0x3FB3] =	sst s7  }
0x10: {  	[smem:$0x3FB4] =	sst s8  }
0x11: {  	[smem:$0x3FB5] =	sst s9;
	s0 =	simm.s32 @!p0 $0x0  }
0x12: {  	s1 =	sld [smem:$0x3F9B];
	s0 =	simm.s32 @p0 $0x1  }
0x13: {  	[smem:$0x3FB6] =	sst s0;
	s0 =	simm.s32 @!p1 $0x0  }
0x14: {  	s2 =	sld [smem:$0x3F9A];
	s0 =	simm.s32 @p1 $0x1  }
0x15: {  	[smem:$0x3FB7] =	sst s0;
	s0 =	simm.s32 @!p2 $0x0  }
0x16: {  	s3 =	sld [smem:$0x3FDB];
	s0 =	simm.s32 @p2 $0x1  }
0x17: {  	s4 =	simm.s32 $0x1BF5;
	[smem:$0x3FB9] =	sst s0  }
0x18: {  	s0 =	sld [smem:$0x3F9C];
	_ =	swait.ge [sflag:s4], $0x0  }
0x19: {  	s7 =	sld [smem:$0x3F9D]  }
0x1a: {  	s8 =	sadd.s32 $0xFFFFE003, lr  }
0x1b: {  	s9 =	sadd.s32 $0xFFFFFEF7, lr;
	s5 =	simm.s32 $0xFFFFFFFF;
	p2 =	slt.u32 s8, $0xFFFFF086  }
0x1c: {  	p1 =	slt.u32 s9, $0xF7A;
	s5 =	simm.s32 @!p2 $0x0  }
0x1d: {  	s5 =	simm.s32 @p1 $0x1;
	p0 =	seq.s32 s7, s2  }
0x1e: {  	s7 =	smul.u32 @!p0 $0xF7A, s2;
	p2 =	seq.s32 @!p0 s5, $0x0  }
0x1f: {  	s9 =	smul.u32 $0xF7A, s1;
	s8 =	simm.s32 @!p0 $0x1BF5;
	p2 =	por !p2, p0  }
0x20: {  	[sflag:s8] =	ssyncset.s32 @!p0 $0xFFFFF086;
	s6 =	sadd.s32 @!p0 s3, s7;
	s7 =	simm.s32 @!p0 $0x108  }
0x21: {  	s3 =	sadd.s32 s3, s9;
	s6 =	sadd.s32 @!p0 $0x88, s6;
	s7 =	simm.s32 @p2 $0x1082  }
0x22: {  	[simem:s7], [sflag:s8] =	dma.local @!p0 [hbm:s6], $0xF7A  }
0x23: {  	s9 =	sor.u32 $0xD0000000, s2;
	s6 =	simm.s32 $0x108;
	_ =	swait.ge @!p0 [sflag:s8], $0x0  }
0x24: {  	s3 =	sadd.s32 $0x88, s3;
	s6 =	simm.s32 @!p1 $0x1082;
	[sflag:s4] =	ssyncset.s32 $0xFFFFF086  }
0x25: {  	[simem:s6], [sflag:s4] =	dma.local [hbm:s3], $0xF7A  }
0x26: {  	[smem:$0x3F9D] =	sst s1;
	(tag) =	ssettag s2;
	_ =	strace s9  }
0x27: {  	s1 =	sld [smem:$0x3FAD]  }
0x28: {  	s2 =	sld [smem:$0x3FAE]  }
0x29: {  	s4 =	sld [smem:$0x3FB0]  }
0x2a: {  	p0 =	seq.s32 s5, $0x0;
	s5 =	sld [smem:$0x3FB1]  }
0x2b: {  	s6 =	sld [smem:$0x3FB2]  }
0x2c: {  	s7 =	sld [smem:$0x3FB3]  }
0x2d: {  	s3 =	simm.s32 $0x108;
	s8 =	sld [smem:$0x3FB4]  }
0x2e: {  	s3 =	simm.s32 @!p0 $0x1082;
	s9 =	sld [smem:$0x3FB5]  }
0x2f: {  	lr =	sadd.s32 s0, s3;
	s0 =	sld [smem:$0x3FAC]  }
0x30: {  	s3 =	sld [smem:$0x3FAF]  }
0x31: {  	[smem:$0x3FB8] =	sst s10  }
0x32: {  	s10 =	sld [smem:$0x3FB6];
	_ =	sdelay $0x3  }
0x33: {  	p0 =	seq.s32 s10, $0x1;
	s10 =	sld [smem:$0x3FB8];
	_ =	sdelay $0x3  }
0x34: {  	[smem:$0x3FB8] =	sst s10  }
0x35: {  	s10 =	sld [smem:$0x3FB7];
	_ =	sdelay $0x3  }
0x36: {  	p1 =	seq.s32 s10, $0x1;
	s10 =	sld [smem:$0x3FB8];
	_ =	sdelay $0x3  }
0x37: {  	[smem:$0x3FB8] =	sst s10  }
0x38: {  	s10 =	sld [smem:$0x3FB9]  }
0x39: {  	_ = 	snop;
	(pc) =	sbr.ind lr, $3  }
0x3a: {  	_ = 	snop  }
0x3b: {  	_ = 	snop  }
0x3c: {  	p2 =	seq.s32 s10, $0x1;
	s10 =	sld [smem:$0x3FB8]  }
0x3d: {  	_ =	shalt  }
0x3e: {  	_ =	shalt  }
0x3f: {  	_ =	shalt  }
0x40: {  	_ =	shalt  }
0x41: {  	_ =	shalt  }
0x42: {  	_ =	shalt  }
0x43: {  	_ =	shalt  }
0x44: {  	_ =	shalt  }
0x45: {  	_ =	shalt  }
0x46: {  	_ =	shalt  }
0x47: {  	_ =	shalt  }
0x48: {  	_ =	shalt  }
0x49: {  	_ =	shalt  }
0x4a: {  	_ =	shalt  }
0x4b: {  	_ =	shalt  }
0x4c: {  	_ =	shalt  }
0x4d: {  	_ =	shalt  }
0x4e: {  	_ =	shalt  }
0x4f: {  	_ =	shalt  }
0x50: {  	_ =	shalt  }
0x51: {  	_ =	shalt  }
0x52: {  	_ =	shalt  }
0x53: {  	_ =	shalt  }
0x54: {  	_ =	shalt  }
0x55: {  	_ =	shalt  }
0x56: {  	_ =	shalt  }
0x57: {  	_ =	shalt  }
0x58: {  	_ =	shalt  }
0x59: {  	_ =	shalt  }
0x5a: {  	_ =	shalt  }
0x5b: {  	_ =	shalt  }
0x5c: {  	_ =	shalt  }
0x5d: {  	_ =	shalt  }
0x5e: {  	_ =	shalt  }
0x5f: {  	_ =	shalt  }
0x60: {  	_ =	shalt  }
0x61: {  	_ =	shalt  }
0x62: {  	_ =	shalt  }
0x63: {  	_ =	shalt  }
0x64: {  	_ =	shalt  }
0x65: {  	_ =	shalt  }
0x66: {  	_ =	shalt  }
0x67: {  	_ =	shalt  }
0x68: {  	_ =	shalt  }
0x69: {  	_ =	shalt  }
0x6a: {  	_ =	shalt  }
0x6b: {  	_ =	shalt  }
0x6c: {  	_ =	shalt  }
0x6d: {  	_ =	shalt  }
0x6e: {  	_ =	shalt  }
0x6f: {  	_ =	shalt  }
0x70: {  	_ =	shalt  }
0x71: {  	_ =	shalt  }
0x72: {  	_ =	shalt  }
0x73: {  	_ =	shalt  }
0x74: {  	_ =	shalt  }
0x75: {  	_ =	shalt  }
0x76: {  	_ =	shalt  }
0x77: {  	_ =	shalt  }
0x78: {  	_ =	shalt  }
0x79: {  	_ =	shalt  }
0x7a: {  	_ =	shalt  }
0x7b: {  	_ =	shalt  }
0x7c: {  	_ =	shalt  }
0x7d: {  	_ =	shalt  }
0x7e: {  	_ =	shalt  }
0x7f: {  	_ =	shalt  }
0x80: {  	_ =	shalt  }
0x81: {  	_ =	shalt  }
0x82: {  	_ =	shalt  }
0x83: {  	_ =	shalt  }
0x84: {  	_ =	shalt  }
0x85: {  	_ =	shalt  }
0x86: {  	_ =	shalt  }
0x87: {  	_ =	shalt  }
.Lfunc_end0:
.L_simem_size_0:
called_computation.1_lowered:
.L_overlay_start_0:
0x88: {  	s2 =	sld [smem:$0x3FD9]  }
0x89: {  	s3 =	sld [smem:$0x3FFE];
	_ =	sdelay $0x1  }
0x8a: {  	s1 =	srdreg.scid  }
0x8b: {  	s0 =	sand.u32 $0x1, s1  }
0x8c: {  	s17 =	sshll.u32 s0, $0xA;
	s2 =	sadd.s32 s3, s2  }
0x8d: {  	s2 =	sadd.s32 s2, s17  }
0x8e: {  	[smem:$0x3FC4] =	sst s2  }
0x8f: {  	_ = 	snop  }
0x90: {  	s2 =	sld [smem:$0x3FD0];
	(tm) =	ssettm $0x1  }
0x91: {  	s18 =	sld [smem:$0x3FFB];
	_ =	sdelay $0x3  }
0x92: {  	_ =	strace s18  }
0x93: {  	s3 =	sld [smem:$0x3FFC];
	_ =	sdelay $0x3  }
0x94: {  	_ =	strace s3  }
0x95: {  	s3 =	sld [smem:$0x3FFD];
	_ =	sdelay $0x3  }
0x96: {  	_ =	strace s3  }
0x97: {  	_ =	strace $0x8FFFFFFF  }
0x98: {  	s19 =	sld [smem:$0x3FDB];
	_ =	sdelay $0x1  }
0x99: {  	s4 =	simm.s32 $_scs_section_size  }
0x9a: {  	s5 =	simm.s32 $_size__tile_overlayer_lowered;
	s6 =	simm.s32 $_tile_overlayer_lowered  }
0x9b: {  	s22 =	simm.s32 $0x1BFF;
	s21 =	sshll.u32 s6, $0x1;
	s3 =	sadd.s32 s4, s19  }
0x9c: {  	s7 =	simm.s32 $0x0;
	s20 =	sshll.u32 s5, $0x1;
	s5 =	sadd.s32 s21, s3  }
0x9d: {  	[timem:s7], [sflag:s22] =	dma.local [hbm:s5], s20  }
0x9e: {  	_ =	swait.ge [sflag:s22], s20  }
0x9f: {  	s4 =	ssub.s32 $0x0, s20;
	[sflag:s22] =	ssyncset.done $0x0  }
0xa0: {  	[sflag:s22] =	ssyncadd.s32 s4;
	_ =	sdelay $0x1  }
0xa1: {  	s23 =	simm.s32 $0x1B8B  }
0xa2: {  	_ =	swait.ge [sflag:s23], $0x1  }
0xa3: {  	[sflag:s23] =	ssyncset.done $0x0  }
0xa4: {  	s25 =	simm.s32 $0x1B8E;
	s24 =	sld [smem:$0x3FFE];
	[sflag:s23] =	ssyncadd.s32 $0xFFFFFFFF  }
0xa5: {  	s26 =	simm.s32 $execute0_lowered;
	[smem:$0x3FD2] =	sst s25  }
0xa6: {  	s5 =	sshll.u32 s26, $0x1;
	_ =	strace $0x80000049;
	[dreg:$0x1] =	wrdreg $0xFFFFFFFF  }
0xa7: {  	s28 =	simm.s32 $_size_execute0_lowered;
	s3 =	sadd.s32 s3, s5;
	[dreg:$0x0] =	wrdreg $0x0  }
0xa8: {  	s5 =	sshll.u32 s28, $0x1;
	[dreg:$0x2] =	wrdreg s3  }
0xa9: {  	[dreg:$0x3] =	wrdreg s5  }
0xaa: {  	[dreg:$0x4] =	wrdreg $0xC0  }
0xab: {  	_ =	task [dreg:s7], $0x5FFFF  }
0xac: {  	[dreg:$0x1] =	wrdreg $0xFFFFFFFF  }
0xad: {  	[dreg:$0x0] =	wrdreg $0x60  }
0xae: {  	[dreg:$0x2] =	wrdreg s2  }
0xaf: {  	[dreg:$0x3] =	wrdreg s24  }
0xb0: {  	[dreg:$0x4] =	wrdreg $0xA0000  }
0xb1: {  	[dreg:$0x5] =	wrdreg $0x9  }
0xb2: {  	_ =	task.clear_ibuf [dreg:s7], $0x6FFFF;
	_ =	strace $0x90000049  }
0xb3: {  	s29 =	simm.s32 $0x9;
	_ =	strace $0x8000004B  }
0xb4: {  	_ =	swait.ge [sflag:s29], $0x1  }
0xb5: {  	[sflag:s29] =	ssyncadd.s32 $0xFFFFFFFF  }
0xb6: {  	_ =	strace $0x9000004B  }
0xb7: {  	_ =	sfence  }
0xb8: {  	s30 =	sld [smem:$0x0];
	_ =	sdelay $0x2  }
0xb9: {  	s31 =	sshll.u32 s1, $0xD;
	s1 =	sshrl.u32 s1, $0x2  }
0xba: {  	s3 =	sand.u32 $0x4000, s31;
	s1 =	sadd.s32 s1, s30  }
0xbb: {  	s0 =	sor.u32 s3, s0;
	s1 =	sshll.u32 s1, $0x11  }
0xbc: {  	s0 =	sor.u32 s1, s0  }
0xbd: {  	s0 =	sadd.s32 $0x8F2B, s0  }
0xbe: {  	[sflag:s0] =	ssyncadd.remote.s32 $0x1  }
0xbf: {  	_ =	sfence.sel $0xFFFF  }
0xc0: {  	[dreg:$0x0] =	wrdreg $0xFFFFFFFF;
	(pc) =	sbr.abs _section_cstart, $3  }
0xc1: {  	[dreg:$0x1] =	wrdreg $0xFFFFFFFF  }
0xc2: {  	_ =	task.clear_ibuf [dreg:s7], $0x2FFFF;
	_ =	strace $0x9FFFFFFF  }
0xc3: {  	(tm) =	ssettm $0x7FFFFFFF  }
tec
execute0_lowered:
.L_overlay_start_1:
0x0: {  	(tag) =	ssettag $0x1  }
0x1: {  	s1 =	rddreg [dreg:$0x0]  }
0x2: {  	s0 =	srdreg.scid;
	s5 =	rddreg [dreg:$0x1]  }
0x3: {  	s8 =	stileid.u32;
	s3 =	rddreg [dreg:$0x2];
	s4 =	simm.s32 $0x0  }
0x4: {  	s29 =	simm.s32 $0x80;
	s30 =	simm.s32 $0x6000;
	s31 =	simm.s32 $0x4  }
0x5: {  	s9 =	simm.s32 $0x1180;
	s0 =	sand.u32 $0x1, s0;
	s7 =	smul.u32 $0x14000, s8  }
0x6: {  	s2 =	sshll.u32 s8, $0x1;
	[smem:$0x7FF] =	sst s4;
	s11 =	smul.u32 $0x50000, s8  }
0x7: {  	s2 =	sor.u32 s0, s2;
	s6 =	smul.u32 $0x140000, s0;
	_ =	strace $0x8000004A  }
0x8: {  	s0 =	ssub.s32 $0x2, s0;
	s2 =	smul.u32 $0x2800, s2;
	s13 =	sshrl.u32 s11, $0x2  }
0x9: {  	s12 =	sshrl.u32 s0, $0x1;
	s6 =	sadd.s32 s7, s6;
	s16 =	sadd.s32 s13, s3  }
0xa: {  	s0 =	ssub.s32 s0, s12;
	s17 =	sadd.s32 $0x8000, s16;
	[dreg:$0x14] =	wrdreg s16  }
0xb: {  	s2 =	sshrl.u32 s2, $0x3;
	s18 =	sadd.s32 $0xC000, s16;
	[dreg:$0x7] =	wrdreg s17  }
0xc: {  	s6 =	sshrl.u32 s6, $0x3;
	s19 =	sadd.s32 $0x10000, s16;
	[dreg:$0x8] =	wrdreg s18  }
0xd: {  	s0 =	smax.u32 s0, $0x1;
	s2 =	sadd.s32 s2, s5;
	[dreg:$0x9] =	wrdreg s19  }
0xe: {  	s5 =	sadd.s32 s6, s5;
	s6 =	sadd.s32 $0x4000, s16;
	[dreg:$0x13] =	wrdreg s0  }
0xf: {  	s10 =	simm.s32 $0x1900;
	s14 =	sadd.s32 $0x1E00, s2;
	[dreg:$0x6] =	wrdreg s6  }
0x10: {  	s8 =	simm.s32 $0x1880;
	s15 =	sadd.s32 $0xBE00, s2;
	[dreg:$0x4] =	wrdreg s14  }
0x11: {  	s11 =	simm.s32 $0x1200;
	s20 =	sadd.s32 $0x1F00, s2;
	[dreg:$0x5] =	wrdreg s15  }
0x12: {  	s7 =	simm.s32 $0x1800;
	s21 =	sadd.s32 $0xBF00, s2;
	[dreg:$0xa] =	wrdreg s20  }
0x13: {  	s12 =	simm.s32 $0x1980;
	s22 =	sadd.s32 $0x2000, s2;
	[dreg:$0xb] =	wrdreg s21  }
0x14: {  	s13 =	simm.s32 $0x1280;
	s23 =	sadd.s32 $0xC000, s2;
	[dreg:$0xc] =	wrdreg s22  }
0x15: {  	s0 =	simm.s32 $0x2;
	s24 =	sadd.s32 $0x2100, s2;
	[dreg:$0xd] =	wrdreg s23  }
0x16: {  	s17 =	simm.s32 $0x0;
	s25 =	sadd.s32 $0xC100, s2;
	[dreg:$0xe] =	wrdreg s24  }
0x17: {  	s16 =	simm.s32 $0x1A80;
	s26 =	sadd.s32 $0x2200, s2;
	[dreg:$0xf] =	wrdreg s25  }
0x18: {  	s2 =	sadd.s32 $0xC200, s2;
	s28 =	sadd.s32 $0x15E00, s5;
	[dreg:$0x10] =	wrdreg s26  }
0x19: {  	s5 =	simm.s32 $0x800;
	s6 =	simm.s32 $0x1100;
	[dreg:$0x11] =	wrdreg s2  }
0x1a: {  	[dreg:$0x12] =	wrdreg s28;
	s23 =	simm.s32 $0x2000;
	s24 =	simm.s32 $0x1  }
0x1b: {  	s25 =	simm.s32 $0x3;
	s22 =	simm.s32 $0x1080;
	s14 =	simm.s32 $0x1A00  }
0x1c: {  	v0 =	vimm.f32 $0.0e+00;
	s15 =	simm.s32 $0x1300;
	s21 =	simm.s32 $0x1380;
	s26 =	simm.s32 $0x1B00  }
.LBB2_1:
0x1d: {  	s18 =	rddreg [dreg:$0x4]  }
0x1e: {  	[tilespmem:s4], [sflag:$0x3] =	stream.linear.gather [hbm4b:s18+s4], $0x800, $0x38;
	[tilespmem:$0x1E000] =	vst v63  }
0x1f: {  	s28 =	rddreg [dreg:$0x5];
	s19 =	simm.s32 $0x200;
	s18 =	simm.s32 $0x0  }
0x20: {  	[tilespmem:s5], [sflag:$0x3] =	stream.linear.gather [hbm4b:s28+s4], $0x800, $0x38;
	[tilespmem:$0x1E000] =	vst v63  }
.LBB2_2:
0x21: {  	p0 =	sne.s32 s19, $0xFE00;
	[tilespmem:s18+$0x2070] =	vst v0  }
0x22: {  	[tilespmem:s18+$0x2000] =	vst v0  }
0x23: {  	[tilespmem:s18+$0x2010] =	vst v0  }
.Ltmp0:
0x24: {  	[tilespmem:s18+$0x2020] =	vst v0;
	(pc) =	sbr.rel @p0 .LBB2_2-.Ltmp0, $4  }
0x25: {  	[tilespmem:s18+$0x2030] =	vst v0  }
0x26: {  	[tilespmem:s18+$0x2040] =	vst v0  }
0x27: {  	[tilespmem:s18+$0x2050] =	vst v0  }
0x28: {  	[tilespmem:s18+$0x2060] =	vst v0;
	s18 =	sshra.s32 s19, $0x2;
	s19 =	sadd.s32 $0x200, s19  }
0x29: {  	[tilespmem:s18+$0x2070] =	vst v0  }
0x2a: {  	[tilespmem:s18+$0x2000] =	vst v0  }
0x2b: {  	[tilespmem:s18+$0x2010] =	vst v0  }
0x2c: {  	[tilespmem:s18+$0x2020] =	vst v0  }
0x2d: {  	[tilespmem:s18+$0x2030] =	vst v0  }
0x2e: {  	[tilespmem:s18+$0x2040] =	vst v0  }
0x2f: {  	[tilespmem:s18+$0x2050] =	vst v0  }
0x30: {  	[tilespmem:s18+$0x2060] =	vst v0;
	s2 =	rddreg [dreg:$0x14]  }
0x31: {  	[spmem:s2] =	stream.linear.scatter [tilespmem:s23], [sflag:$0x1], $0x4000, $0x38;
	[tilespmem:$0x1E000] =	vst v63  }
0x32: {  	s2 =	rddreg [dreg:$0x6]  }
0x33: {  	[spmem:s2] =	stream.linear.scatter [tilespmem:s23], [sflag:$0x1], $0x4000, $0x38;
	[tilespmem:$0x1E000] =	vst v63  }
0x34: {  	s19 =	rddreg [dreg:$0x7]  }
0x35: {  	[spmem:s19] =	stream.linear.scatter [tilespmem:s23], [sflag:$0x1], $0x4000, $0x38;
	[tilespmem:$0x1E000] =	vst v63  }
0x36: {  	s20 =	rddreg [dreg:$0x8]  }
0x37: {  	[spmem:s20] =	stream.linear.scatter [tilespmem:s23], [sflag:$0x1], $0x4000, $0x38;
	[tilespmem:$0x1E000] =	vst v63  }
0x38: {  	s28 =	rddreg [dreg:$0x9]  }
0x39: {  	[spmem:s28] =	stream.linear.scatter [tilespmem:s23], [sflag:$0x1], $0x4000, $0x38;
	[tilespmem:$0x1E000] =	vst v63  }
0x3a: {  	_ =	swait.ge [sflag:s24], $0x4000  }
0x3b: {  	[sflag:s24] =	ssyncset.done $0x0  }
0x3c: {  	[sflag:s24] =	ssyncadd.s32 $0xFFFFC000  }
0x3d: {  	_ =	swait.ge [sflag:s24], $0x4000  }
0x3e: {  	[sflag:s24] =	ssyncset.done $0x0  }
0x3f: {  	[sflag:s24] =	ssyncadd.s32 $0xFFFFC000  }
0x40: {  	_ =	swait.ge [sflag:s24], $0x4000  }
0x41: {  	[sflag:s24] =	ssyncset.done $0x0  }
0x42: {  	[sflag:s24] =	ssyncadd.s32 $0xFFFFC000  }
0x43: {  	_ =	swait.ge [sflag:s24], $0x4000  }
0x44: {  	[sflag:s24] =	ssyncset.done $0x0  }
0x45: {  	[sflag:s24] =	ssyncadd.s32 $0xFFFFC000  }
0x46: {  	_ =	swait.ge [sflag:s24], $0x4000  }
0x47: {  	[sflag:s24] =	ssyncset.done $0x0  }
0x48: {  	[sflag:s24] =	ssyncadd.s32 $0xFFFFC000  }
0x49: {  	[bflag:$0x0] =	sbarrier.arrive $0xFFFF  }
0x4a: {  	_ =	swait.ge [sflag:s25], $0x800  }
0x4b: {  	[sflag:s25] =	ssyncset.done $0x0  }
0x4c: {  	[sflag:s25] =	ssyncadd.s32 $0xFFFFF800  }
0x4d: {  	_ =	swait.ge [sflag:s25], $0x800  }
0x4e: {  	[sflag:s25] =	ssyncset.done $0x0  }
0x4f: {  	s28 =	simm.s32 $0x1000;
	s2 =	rddreg [dreg:$0xa];
	[sflag:s25] =	ssyncadd.s32 $0xFFFFF800  }
0x50: {  	[tilespmem:s28], [sflag:$0x3] =	stream.linear.gather [hbm4b:s2+s4], $0x800, $0x38;
	[tilespmem:$0x1E000] =	vst v63  }
0x51: {  	s19 =	rddreg [dreg:$0xb]  }
0x52: {  	[tilespmem:s7], [sflag:$0x3] =	stream.linear.gather [hbm4b:s19+s4], $0x800, $0x38;
	[tilespmem:$0x1E000] =	vst v63  }
0x53: {  	_ = 	snop  }
0x54: {  	[tilespmem:s23], [sflag:$0x1] =	stream.indirect.gather [hbm4b:s1+s29], $0x80, s4, s29, $0xb8;
	[tilespmem:$0x1E000] =	vst v63  }
0x55: {  	_ = 	snop  }
0x56: {  	[tilespmem:s30], [sflag:$0x2] =	stream.indirect.gather [hbm4b:s1+s29], $0x80, s29, s29, $0xb8;
	[tilespmem:$0x1E000] =	vst v63  }
0x57: {  	_ =	swait.ge [sflag:s24], $0x4000  }
0x58: {  	[sflag:s24] =	ssyncset.done $0x0  }
0x59: {  	[sflag:s24] =	ssyncadd.s32 $0xFFFFC000  }
0x5a: {  	[spmem:s3] =	stream.indirect.scatter.add.f32 [tilespmem:s23], [sflag:$0x4], $0x80, s5, s29, $0xb8;
	[tilespmem:$0x1E000] =	vst v63  }
0x5b: {  	_ =	swait.ge [sflag:s31], $0x4000  }
0x5c: {  	[sflag:s31] =	ssyncset.done $0x0  }
0x5d: {  	s20 =	simm.s32 $0x100;
	[sflag:s31] =	ssyncadd.s32 $0xFFFFC000  }
0x5e: {  	[tilespmem:s23], [sflag:$0x1] =	stream.indirect.gather [hbm4b:s1+s29], $0x80, s20, s29, $0xb8;
	[tilespmem:$0x1E000] =	vst v63  }
0x5f: {  	_ =	swait.ge [sflag:s0], $0x4000  }
0x60: {  	[sflag:s0] =	ssyncset.done $0x0  }
0x61: {  	s18 =	simm.s32 $0x880;
	[sflag:s0] =	ssyncadd.s32 $0xFFFFC000  }
0x62: {  	[spmem:s3] =	stream.indirect.scatter.add.f32 [tilespmem:s30], [sflag:$0x4], $0x80, s18, s29, $0xb8;
	[tilespmem:$0x1E000] =	vst v63  }
0x63: {  	_ =	swait.ge [sflag:s31], $0x4000  }
0x64: {  	[sflag:s31] =	ssyncset.done $0x0  }
0x65: {  	s19 =	simm.s32 $0x180;
	[sflag:s31] =	ssyncadd.s32 $0xFFFFC000  }
0x66: {  	[tilespmem:s30], [sflag:$0x2] =	stream.indirect.gather [hbm4b:s1+s29], $0x80, s19, s29, $0xb8;
	[tilespmem:$0x1E000] =	vst v63  }
0x67: {  	_ =	swait.ge [sflag:s24], $0x4000  }
0x68: {  	[sflag:s24] =	ssyncset.done $0x0  }
0x69: {  	s20 =	simm.s32 $0x900;
	[sflag:s24] =	ssyncadd.s32 $0xFFFFC000  }
0x6a: {  	[spmem:s3] =	stream.indirect.scatter.add.f32 [tilespmem:s23], [sflag:$0x4], $0x80, s20, s29, $0xb8;
	[tilespmem:$0x1E000] =	vst v63  }
0x6b: {  	_ =	swait.ge [sflag:s31], $0x4000  }
0x6c: {  	[sflag:s31] =	ssyncset.done $0x0  }
0x6d: {  	s18 =	simm.s32 $0x200;
	[sflag:s31] =	ssyncadd.s32 $0xFFFFC000  }
0x6e: {  	[tilespmem:s23], [sflag:$0x1] =	stream.indirect.gather [hbm4b:s1+s29], $0x80, s18, s29, $0xb8;
	[tilespmem:$0x1E000] =	vst v63  }
0x6f: {  	_ =	swait.ge [sflag:s0], $0x4000  }
0x70: {  	[sflag:s0] =	ssyncset.done $0x0  }
0x71: {  	s19 =	simm.s32 $0x980;
	[sflag:s0] =	ssyncadd.s32 $0xFFFFC000  }
0x72: {  	[spmem:s3] =	stream.indirect.scatter.add.f32 [tilespmem:s30], [sflag:$0x4], $0x80, s19, s29, $0xb8;
	[tilespmem:$0x1E000] =	vst v63  }
0x73: {  	_ =	swait.ge [sflag:s31], $0x4000  }
0x74: {  	[sflag:s31] =	ssyncset.done $0x0  }
0x75: {  	s20 =	simm.s32 $0x280;
	[sflag:s31] =	ssyncadd.s32 $0xFFFFC000  }
0x76: {  	[tilespmem:s30], [sflag:$0x2] =	stream.indirect.gather [hbm4b:s1+s29], $0x80, s20, s29, $0xb8;
	[tilespmem:$0x1E000] =	vst v63  }
0x77: {  	_ =	swait.ge [sflag:s24], $0x4000  }
0x78: {  	[sflag:s24] =	ssyncset.done $0x0  }
0x79: {  	s18 =	simm.s32 $0xA00;
	[sflag:s24] =	ssyncadd.s32 $0xFFFFC000  }
0x7a: {  	[spmem:s3] =	stream.indirect.scatter.add.f32 [tilespmem:s23], [sflag:$0x4], $0x80, s18, s29, $0xb8;
	[tilespmem:$0x1E000] =	vst v63  }
0x7b: {  	_ =	swait.ge [sflag:s31], $0x4000  }
0x7c: {  	[sflag:s31] =	ssyncset.done $0x0  }
0x7d: {  	s19 =	simm.s32 $0x300;
	[sflag:s31] =	ssyncadd.s32 $0xFFFFC000  }
0x7e: {  	[tilespmem:s23], [sflag:$0x1] =	stream.indirect.gather [hbm4b:s1+s29], $0x80, s19, s29, $0xb8;
	[tilespmem:$0x1E000] =	vst v63  }
0x7f: {  	_ =	swait.ge [sflag:s0], $0x4000  }
0x80: {  	[sflag:s0] =	ssyncset.done $0x0  }
0x81: {  	s20 =	simm.s32 $0xA80;
	[sflag:s0] =	ssyncadd.s32 $0xFFFFC000  }
0x82: {  	[spmem:s3] =	stream.indirect.scatter.add.f32 [tilespmem:s30], [sflag:$0x4], $0x80, s20, s29, $0xb8;
	[tilespmem:$0x1E000] =	vst v63  }
0x83: {  	_ =	swait.ge [sflag:s31], $0x4000  }
0x84: {  	[sflag:s31] =	ssyncset.done $0x0  }
0x85: {  	s18 =	simm.s32 $0x380;
	[sflag:s31] =	ssyncadd.s32 $0xFFFFC000  }
0x86: {  	[tilespmem:s30], [sflag:$0x2] =	stream.indirect.gather [hbm4b:s1+s29], $0x80, s18, s29, $0xb8;
	[tilespmem:$0x1E000] =	vst v63  }
0x87: {  	_ =	swait.ge [sflag:s24], $0x4000  }
0x88: {  	[sflag:s24] =	ssyncset.done $0x0  }
0x89: {  	s19 =	simm.s32 $0xB00;
	[sflag:s24] =	ssyncadd.s32 $0xFFFFC000  }
0x8a: {  	[spmem:s3] =	stream.indirect.scatter.add.f32 [tilespmem:s23], [sflag:$0x4], $0x80, s19, s29, $0xb8;
	[tilespmem:$0x1E000] =	vst v63  }
0x8b: {  	_ =	swait.ge [sflag:s31], $0x4000  }
0x8c: {  	[sflag:s31] =	ssyncset.done $0x0  }
0x8d: {  	s20 =	simm.s32 $0x400;
	[sflag:s31] =	ssyncadd.s32 $0xFFFFC000  }
0x8e: {  	[tilespmem:s23], [sflag:$0x1] =	stream.indirect.gather [hbm4b:s1+s29], $0x80, s20, s29, $0xb8;
	[tilespmem:$0x1E000] =	vst v63  }
0x8f: {  	_ =	swait.ge [sflag:s0], $0x4000  }
0x90: {  	[sflag:s0] =	ssyncset.done $0x0  }
0x91: {  	s18 =	simm.s32 $0xB80;
	[sflag:s0] =	ssyncadd.s32 $0xFFFFC000  }
0x92: {  	[spmem:s3] =	stream.indirect.scatter.add.f32 [tilespmem:s30], [sflag:$0x4], $0x80, s18, s29, $0xb8;
	[tilespmem:$0x1E000] =	vst v63  }
0x93: {  	_ =	swait.ge [sflag:s31], $0x4000  }
0x94: {  	[sflag:s31] =	ssyncset.done $0x0  }
0x95: {  	s19 =	simm.s32 $0x480;
	[sflag:s31] =	ssyncadd.s32 $0xFFFFC000  }
0x96: {  	[tilespmem:s30], [sflag:$0x2] =	stream.indirect.gather [hbm4b:s1+s29], $0x80, s19, s29, $0xb8;
	[tilespmem:$0x1E000] =	vst v63  }
0x97: {  	_ =	swait.ge [sflag:s24], $0x4000  }
0x98: {  	[sflag:s24] =	ssyncset.done $0x0  }
0x99: {  	s20 =	simm.s32 $0xC00;
	[sflag:s24] =	ssyncadd.s32 $0xFFFFC000  }
0x9a: {  	[spmem:s3] =	stream.indirect.scatter.add.f32 [tilespmem:s23], [sflag:$0x4], $0x80, s20, s29, $0xb8;
	[tilespmem:$0x1E000] =	vst v63  }
0x9b: {  	_ =	swait.ge [sflag:s31], $0x4000  }
0x9c: {  	[sflag:s31] =	ssyncset.done $0x0  }
0x9d: {  	s18 =	simm.s32 $0x500;
	[sflag:s31] =	ssyncadd.s32 $0xFFFFC000  }
0x9e: {  	[tilespmem:s23], [sflag:$0x1] =	stream.indirect.gather [hbm4b:s1+s29], $0x80, s18, s29, $0xb8;
	[tilespmem:$0x1E000] =	vst v63  }
0x9f: {  	_ =	swait.ge [sflag:s0], $0x4000  }
0xa0: {  	[sflag:s0] =	ssyncset.done $0x0  }
0xa1: {  	s19 =	simm.s32 $0xC80;
	[sflag:s0] =	ssyncadd.s32 $0xFFFFC000  }
0xa2: {  	[spmem:s3] =	stream.indirect.scatter.add.f32 [tilespmem:s30], [sflag:$0x4], $0x80, s19, s29, $0xb8;
	[tilespmem:$0x1E000] =	vst v63  }
0xa3: {  	_ =	swait.ge [sflag:s31], $0x4000  }
0xa4: {  	[sflag:s31] =	ssyncset.done $0x0  }
0xa5: {  	s20 =	simm.s32 $0x580;
	[sflag:s31] =	ssyncadd.s32 $0xFFFFC000  }
0xa6: {  	[tilespmem:s30], [sflag:$0x2] =	stream.indirect.gather [hbm4b:s1+s29], $0x80, s20, s29, $0xb8;
	[tilespmem:$0x1E000] =	vst v63  }
0xa7: {  	_ =	swait.ge [sflag:s24], $0x4000  }
0xa8: {  	[sflag:s24] =	ssyncset.done $0x0  }
0xa9: {  	s18 =	simm.s32 $0xD00;
	[sflag:s24] =	ssyncadd.s32 $0xFFFFC000  }
0xaa: {  	[spmem:s3] =	stream.indirect.scatter.add.f32 [tilespmem:s23], [sflag:$0x4], $0x80, s18, s29, $0xb8;
	[tilespmem:$0x1E000] =	vst v63  }
0xab: {  	_ =	swait.ge [sflag:s31], $0x4000  }
0xac: {  	[sflag:s31] =	ssyncset.done $0x0  }
0xad: {  	s19 =	simm.s32 $0x600;
	[sflag:s31] =	ssyncadd.s32 $0xFFFFC000  }
0xae: {  	[tilespmem:s23], [sflag:$0x1] =	stream.indirect.gather [hbm4b:s1+s29], $0x80, s19, s29, $0xb8;
	[tilespmem:$0x1E000] =	vst v63  }
0xaf: {  	_ =	swait.ge [sflag:s0], $0x4000  }
0xb0: {  	[sflag:s0] =	ssyncset.done $0x0  }
0xb1: {  	s20 =	simm.s32 $0xD80;
	[sflag:s0] =	ssyncadd.s32 $0xFFFFC000  }
0xb2: {  	[spmem:s3] =	stream.indirect.scatter.add.f32 [tilespmem:s30], [sflag:$0x4], $0x80, s20, s29, $0xb8;
	[tilespmem:$0x1E000] =	vst v63  }
0xb3: {  	_ =	swait.ge [sflag:s31], $0x4000  }
0xb4: {  	[sflag:s31] =	ssyncset.done $0x0  }
0xb5: {  	s18 =	simm.s32 $0x680;
	[sflag:s31] =	ssyncadd.s32 $0xFFFFC000  }
0xb6: {  	[tilespmem:s30], [sflag:$0x2] =	stream.indirect.gather [hbm4b:s1+s29], $0x80, s18, s29, $0xb8;
	[tilespmem:$0x1E000] =	vst v63  }
0xb7: {  	_ =	swait.ge [sflag:s24], $0x4000  }
0xb8: {  	[sflag:s24] =	ssyncset.done $0x0  }
0xb9: {  	s19 =	simm.s32 $0xE00;
	[sflag:s24] =	ssyncadd.s32 $0xFFFFC000  }
0xba: {  	[spmem:s3] =	stream.indirect.scatter.add.f32 [tilespmem:s23], [sflag:$0x4], $0x80, s19, s29, $0xb8;
	[tilespmem:$0x1E000] =	vst v63  }
0xbb: {  	_ =	swait.ge [sflag:s31], $0x4000  }
0xbc: {  	[sflag:s31] =	ssyncset.done $0x0  }
0xbd: {  	s20 =	simm.s32 $0x700;
	[sflag:s31] =	ssyncadd.s32 $0xFFFFC000  }
0xbe: {  	[tilespmem:s23], [sflag:$0x1] =	stream.indirect.gather [hbm4b:s1+s29], $0x80, s20, s29, $0xb8;
	[tilespmem:$0x1E000] =	vst v63  }
0xbf: {  	_ =	swait.ge [sflag:s0], $0x4000  }
0xc0: {  	[sflag:s0] =	ssyncset.done $0x0  }
0xc1: {  	s18 =	simm.s32 $0xE80;
	[sflag:s0] =	ssyncadd.s32 $0xFFFFC000  }
0xc2: {  	[spmem:s3] =	stream.indirect.scatter.add.f32 [tilespmem:s30], [sflag:$0x4], $0x80, s18, s29, $0xb8;
	[tilespmem:$0x1E000] =	vst v63  }
0xc3: {  	_ =	swait.ge [sflag:s31], $0x4000  }
0xc4: {  	[sflag:s31] =	ssyncset.done $0x0  }
0xc5: {  	s19 =	simm.s32 $0x780;
	[sflag:s31] =	ssyncadd.s32 $0xFFFFC000  }
0xc6: {  	[tilespmem:s30], [sflag:$0x2] =	stream.indirect.gather [hbm4b:s1+s29], $0x80, s19, s29, $0xb8;
	[tilespmem:$0x1E000] =	vst v63  }
0xc7: {  	_ =	swait.ge [sflag:s24], $0x4000  }
0xc8: {  	[sflag:s24] =	ssyncset.done $0x0  }
0xc9: {  	s20 =	simm.s32 $0xF00;
	[sflag:s24] =	ssyncadd.s32 $0xFFFFC000  }
0xca: {  	[spmem:s3] =	stream.indirect.scatter.add.f32 [tilespmem:s23], [sflag:$0x4], $0x80, s20, s29, $0xb8;
	[tilespmem:$0x1E000] =	vst v63  }
0xcb: {  	_ =	swait.ge [sflag:s31], $0x4000  }
0xcc: {  	[sflag:s31] =	ssyncset.done $0x0  }
0xcd: {  	[sflag:s31] =	ssyncadd.s32 $0xFFFFC000  }
0xce: {  	_ =	swait.ge [sflag:s25], $0x800  }
0xcf: {  	[sflag:s25] =	ssyncset.done $0x0  }
0xd0: {  	[sflag:s25] =	ssyncadd.s32 $0xFFFFF800  }
0xd1: {  	_ =	swait.ge [sflag:s25], $0x800  }
0xd2: {  	[sflag:s25] =	ssyncset.done $0x0  }
0xd3: {  	[sflag:s25] =	ssyncadd.s32 $0xFFFFF800  }
0xd4: {  	[tilespmem:s23], [sflag:$0x1] =	stream.indirect.gather [hbm4b:s1+s29], $0x80, s28, s29, $0xb8;
	[tilespmem:$0x1E000] =	vst v63  }
0xd5: {  	_ =	swait.ge [sflag:s0], $0x4000  }
0xd6: {  	[sflag:s0] =	ssyncset.done $0x0  }
0xd7: {  	s18 =	simm.s32 $0xF80;
	[sflag:s0] =	ssyncadd.s32 $0xFFFFC000  }
0xd8: {  	[spmem:s3] =	stream.indirect.scatter.add.f32 [tilespmem:s30], [sflag:$0x4], $0x80, s18, s29, $0xb8;
	[tilespmem:$0x1E000] =	vst v63  }
0xd9: {  	_ =	swait.ge [sflag:s31], $0x4000  }
0xda: {  	[sflag:s31] =	ssyncset.done $0x0  }
0xdb: {  	s19 =	rddreg [dreg:$0xc];
	[sflag:s31] =	ssyncadd.s32 $0xFFFFC000  }
0xdc: {  	[tilespmem:s4], [sflag:$0x3] =	stream.linear.gather [hbm4b:s19+s4], $0x800, $0x38;
	[tilespmem:$0x1E000] =	vst v63  }
0xdd: {  	s20 =	rddreg [dreg:$0xd]  }
0xde: {  	[tilespmem:s5], [sflag:$0x3] =	stream.linear.gather [hbm4b:s20+s4], $0x800, $0x38;
	[tilespmem:$0x1E000] =	vst v63  }
0xdf: {  	_ = 	snop  }
0xe0: {  	[tilespmem:s30], [sflag:$0x2] =	stream.indirect.gather [hbm4b:s1+s29], $0x80, s22, s29, $0xb8;
	[tilespmem:$0x1E000] =	vst v63  }
0xe1: {  	_ =	swait.ge [sflag:s24], $0x4000  }
0xe2: {  	[sflag:s24] =	ssyncset.done $0x0  }
0xe3: {  	[sflag:s24] =	ssyncadd.s32 $0xFFFFC000  }
0xe4: {  	[spmem:s3] =	stream.indirect.scatter.add.f32 [tilespmem:s23], [sflag:$0x4], $0x80, s7, s29, $0xb8;
	[tilespmem:$0x1E000] =	vst v63  }
0xe5: {  	_ =	swait.ge [sflag:s31], $0x4000  }
0xe6: {  	[sflag:s31] =	ssyncset.done $0x0  }
0xe7: {  	[sflag:s31] =	ssyncadd.s32 $0xFFFFC000  }
0xe8: {  	[tilespmem:s23], [sflag:$0x1] =	stream.indirect.gather [hbm4b:s1+s29], $0x80, s6, s29, $0xb8;
	[tilespmem:$0x1E000] =	vst v63  }
0xe9: {  	_ =	swait.ge [sflag:s0], $0x4000  }
0xea: {  	[sflag:s0] =	ssyncset.done $0x0  }
0xeb: {  	[sflag:s0] =	ssyncadd.s32 $0xFFFFC000  }
0xec: {  	[spmem:s3] =	stream.indirect.scatter.add.f32 [tilespmem:s30], [sflag:$0x4], $0x80, s8, s29, $0xb8;
	[tilespmem:$0x1E000] =	vst v63  }
0xed: {  	_ =	swait.ge [sflag:s31], $0x4000  }
0xee: {  	[sflag:s31] =	ssyncset.done $0x0  }
0xef: {  	[sflag:s31] =	ssyncadd.s32 $0xFFFFC000  }
0xf0: {  	[tilespmem:s30], [sflag:$0x2] =	stream.indirect.gather [hbm4b:s1+s29], $0x80, s9, s29, $0xb8;
	[tilespmem:$0x1E000] =	vst v63  }
0xf1: {  	_ =	swait.ge [sflag:s24], $0x4000  }
0xf2: {  	[sflag:s24] =	ssyncset.done $0x0  }
0xf3: {  	[sflag:s24] =	ssyncadd.s32 $0xFFFFC000  }
0xf4: {  	[spmem:s3] =	stream.indirect.scatter.add.f32 [tilespmem:s23], [sflag:$0x4], $0x80, s10, s29, $0xb8;
	[tilespmem:$0x1E000] =	vst v63  }
0xf5: {  	_ =	swait.ge [sflag:s31], $0x4000  }
0xf6: {  	[sflag:s31] =	ssyncset.done $0x0  }
0xf7: {  	[sflag:s31] =	ssyncadd.s32 $0xFFFFC000  }
0xf8: {  	[tilespmem:s23], [sflag:$0x1] =	stream.indirect.gather [hbm4b:s1+s29], $0x80, s11, s29, $0xb8;
	[tilespmem:$0x1E000] =	vst v63  }
0xf9: {  	_ =	swait.ge [sflag:s0], $0x4000  }
0xfa: {  	[sflag:s0] =	ssyncset.done $0x0  }
0xfb: {  	[sflag:s0] =	ssyncadd.s32 $0xFFFFC000  }
0xfc: {  	[spmem:s3] =	stream.indirect.scatter.add.f32 [tilespmem:s30], [sflag:$0x4], $0x80, s12, s29, $0xb8;
	[tilespmem:$0x1E000] =	vst v63  }
0xfd: {  	_ =	swait.ge [sflag:s31], $0x4000  }
0xfe: {  	[sflag:s31] =	ssyncset.done $0x0  }
0xff: {  	[sflag:s31] =	ssyncadd.s32 $0xFFFFC000  }
0x100: {  	[tilespmem:s30], [sflag:$0x2] =	stream.indirect.gather [hbm4b:s1+s29], $0x80, s13, s29, $0xb8;
	[tilespmem:$0x1E000] =	vst v63  }
0x101: {  	_ =	swait.ge [sflag:s24], $0x4000  }
0x102: {  	[sflag:s24] =	ssyncset.done $0x0  }
0x103: {  	[sflag:s24] =	ssyncadd.s32 $0xFFFFC000  }
0x104: {  	[spmem:s3] =	stream.indirect.scatter.add.f32 [tilespmem:s23], [sflag:$0x4], $0x80, s14, s29, $0xb8;
	[tilespmem:$0x1E000] =	vst v63  }
0x105: {  	_ =	swait.ge [sflag:s31], $0x4000  }
0x106: {  	[sflag:s31] =	ssyncset.done $0x0  }
0x107: {  	[sflag:s31] =	ssyncadd.s32 $0xFFFFC000  }
0x108: {  	[tilespmem:s23], [sflag:$0x1] =	stream.indirect.gather [hbm4b:s1+s29], $0x80, s15, s29, $0xb8;
	[tilespmem:$0x1E000] =	vst v63  }
0x109: {  	_ =	swait.ge [sflag:s0], $0x4000  }
0x10a: {  	[sflag:s0] =	ssyncset.done $0x0  }
0x10b: {  	[sflag:s0] =	ssyncadd.s32 $0xFFFFC000  }
0x10c: {  	[spmem:s3] =	stream.indirect.scatter.add.f32 [tilespmem:s30], [sflag:$0x4], $0x80, s16, s29, $0xb8;
	[tilespmem:$0x1E000] =	vst v63  }
0x10d: {  	_ =	swait.ge [sflag:s31], $0x4000  }
0x10e: {  	[sflag:s31] =	ssyncset.done $0x0  }
0x10f: {  	[sflag:s31] =	ssyncadd.s32 $0xFFFFC000  }
0x110: {  	[tilespmem:s30], [sflag:$0x2] =	stream.indirect.gather [hbm4b:s1+s29], $0x80, s21, s29, $0xb8;
	[tilespmem:$0x1E000] =	vst v63  }
0x111: {  	_ =	swait.ge [sflag:s24], $0x4000  }
0x112: {  	[sflag:s24] =	ssyncset.done $0x0  }
0x113: {  	[sflag:s24] =	ssyncadd.s32 $0xFFFFC000  }
0x114: {  	[spmem:s3] =	stream.indirect.scatter.add.f32 [tilespmem:s23], [sflag:$0x4], $0x80, s26, s29, $0xb8;
	[tilespmem:$0x1E000] =	vst v63  }
0x115: {  	_ =	swait.ge [sflag:s31], $0x4000  }
0x116: {  	[sflag:s31] =	ssyncset.done $0x0  }
0x117: {  	s5 =	simm.s32 $0x1400;
	[sflag:s31] =	ssyncadd.s32 $0xFFFFC000  }
0x118: {  	[tilespmem:s23], [sflag:$0x1] =	stream.indirect.gather [hbm4b:s1+s29], $0x80, s5, s29, $0xb8;
	[tilespmem:$0x1E000] =	vst v63  }
0x119: {  	_ =	swait.ge [sflag:s0], $0x4000  }
0x11a: {  	[sflag:s0] =	ssyncset.done $0x0  }
0x11b: {  	s19 =	simm.s32 $0x1B80;
	[sflag:s0] =	ssyncadd.s32 $0xFFFFC000  }
0x11c: {  	[spmem:s3] =	stream.indirect.scatter.add.f32 [tilespmem:s30], [sflag:$0x4], $0x80, s19, s29, $0xb8;
	[tilespmem:$0x1E000] =	vst v63  }
0x11d: {  	_ =	swait.ge [sflag:s31], $0x4000  }
0x11e: {  	[sflag:s31] =	ssyncset.done $0x0  }
0x11f: {  	s20 =	simm.s32 $0x1480;
	[sflag:s31] =	ssyncadd.s32 $0xFFFFC000  }
0x120: {  	[tilespmem:s30], [sflag:$0x2] =	stream.indirect.gather [hbm4b:s1+s29], $0x80, s20, s29, $0xb8;
	[tilespmem:$0x1E000] =	vst v63  }
0x121: {  	_ =	swait.ge [sflag:s24], $0x4000  }
0x122: {  	[sflag:s24] =	ssyncset.done $0x0  }
0x123: {  	s18 =	simm.s32 $0x1C00;
	[sflag:s24] =	ssyncadd.s32 $0xFFFFC000  }
0x124: {  	[spmem:s3] =	stream.indirect.scatter.add.f32 [tilespmem:s23], [sflag:$0x4], $0x80, s18, s29, $0xb8;
	[tilespmem:$0x1E000] =	vst v63  }
0x125: {  	_ =	swait.ge [sflag:s31], $0x4000  }
0x126: {  	[sflag:s31] =	ssyncset.done $0x0  }
0x127: {  	s18 =	simm.s32 $0x1500;
	[sflag:s31] =	ssyncadd.s32 $0xFFFFC000  }
0x128: {  	[tilespmem:s23], [sflag:$0x1] =	stream.indirect.gather [hbm4b:s1+s29], $0x80, s18, s29, $0xb8;
	[tilespmem:$0x1E000] =	vst v63  }
0x129: {  	_ =	swait.ge [sflag:s0], $0x4000  }
0x12a: {  	[sflag:s0] =	ssyncset.done $0x0  }
0x12b: {  	s18 =	simm.s32 $0x1C80;
	[sflag:s0] =	ssyncadd.s32 $0xFFFFC000  }
0x12c: {  	[spmem:s3] =	stream.indirect.scatter.add.f32 [tilespmem:s30], [sflag:$0x4], $0x80, s18, s29, $0xb8;
	[tilespmem:$0x1E000] =	vst v63  }
0x12d: {  	_ =	swait.ge [sflag:s31], $0x4000  }
0x12e: {  	[sflag:s31] =	ssyncset.done $0x0  }
0x12f: {  	s18 =	simm.s32 $0x1580;
	[sflag:s31] =	ssyncadd.s32 $0xFFFFC000  }
0x130: {  	[tilespmem:s30], [sflag:$0x2] =	stream.indirect.gather [hbm4b:s1+s29], $0x80, s18, s29, $0xb8;
	[tilespmem:$0x1E000] =	vst v63  }
0x131: {  	_ =	swait.ge [sflag:s24], $0x4000  }
0x132: {  	[sflag:s24] =	ssyncset.done $0x0  }
0x133: {  	s18 =	simm.s32 $0x1D00;
	[sflag:s24] =	ssyncadd.s32 $0xFFFFC000  }
0x134: {  	[spmem:s3] =	stream.indirect.scatter.add.f32 [tilespmem:s23], [sflag:$0x4], $0x80, s18, s29, $0xb8;
	[tilespmem:$0x1E000] =	vst v63  }
0x135: {  	_ =	swait.ge [sflag:s31], $0x4000  }
0x136: {  	[sflag:s31] =	ssyncset.done $0x0  }
0x137: {  	s18 =	simm.s32 $0x1600;
	[sflag:s31] =	ssyncadd.s32 $0xFFFFC000  }
0x138: {  	[tilespmem:s23], [sflag:$0x1] =	stream.indirect.gather [hbm4b:s1+s29], $0x80, s18, s29, $0xb8;
	[tilespmem:$0x1E000] =	vst v63  }
0x139: {  	_ =	swait.ge [sflag:s0], $0x4000  }
0x13a: {  	[sflag:s0] =	ssyncset.done $0x0  }
0x13b: {  	s18 =	simm.s32 $0x1D80;
	[sflag:s0] =	ssyncadd.s32 $0xFFFFC000  }
0x13c: {  	[spmem:s3] =	stream.indirect.scatter.add.f32 [tilespmem:s30], [sflag:$0x4], $0x80, s18, s29, $0xb8;
	[tilespmem:$0x1E000] =	vst v63  }
0x13d: {  	_ =	swait.ge [sflag:s31], $0x4000  }
0x13e: {  	[sflag:s31] =	ssyncset.done $0x0  }
0x13f: {  	s18 =	simm.s32 $0x1680;
	[sflag:s31] =	ssyncadd.s32 $0xFFFFC000  }
0x140: {  	[tilespmem:s30], [sflag:$0x2] =	stream.indirect.gather [hbm4b:s1+s29], $0x80, s18, s29, $0xb8;
	[tilespmem:$0x1E000] =	vst v63  }
0x141: {  	_ =	swait.ge [sflag:s24], $0x4000  }
0x142: {  	[sflag:s24] =	ssyncset.done $0x0  }
0x143: {  	s18 =	simm.s32 $0x1E00;
	[sflag:s24] =	ssyncadd.s32 $0xFFFFC000  }
0x144: {  	[spmem:s3] =	stream.indirect.scatter.add.f32 [tilespmem:s23], [sflag:$0x4], $0x80, s18, s29, $0xb8;
	[tilespmem:$0x1E000] =	vst v63  }
0x145: {  	_ =	swait.ge [sflag:s31], $0x4000  }
0x146: {  	[sflag:s31] =	ssyncset.done $0x0  }
0x147: {  	s18 =	simm.s32 $0x1700;
	[sflag:s31] =	ssyncadd.s32 $0xFFFFC000  }
0x148: {  	[tilespmem:s23], [sflag:$0x1] =	stream.indirect.gather [hbm4b:s1+s29], $0x80, s18, s29, $0xb8;
	[tilespmem:$0x1E000] =	vst v63  }
0x149: {  	_ =	swait.ge [sflag:s0], $0x4000  }
0x14a: {  	[sflag:s0] =	ssyncset.done $0x0  }
0x14b: {  	s18 =	simm.s32 $0x1E80;
	[sflag:s0] =	ssyncadd.s32 $0xFFFFC000  }
0x14c: {  	[spmem:s3] =	stream.indirect.scatter.add.f32 [tilespmem:s30], [sflag:$0x4], $0x80, s18, s29, $0xb8;
	[tilespmem:$0x1E000] =	vst v63  }
0x14d: {  	_ =	swait.ge [sflag:s31], $0x4000  }
0x14e: {  	[sflag:s31] =	ssyncset.done $0x0  }
0x14f: {  	s18 =	simm.s32 $0x1780;
	[sflag:s31] =	ssyncadd.s32 $0xFFFFC000  }
0x150: {  	[tilespmem:s30], [sflag:$0x2] =	stream.indirect.gather [hbm4b:s1+s29], $0x80, s18, s29, $0xb8;
	[tilespmem:$0x1E000] =	vst v63  }
0x151: {  	_ =	swait.ge [sflag:s24], $0x4000  }
0x152: {  	[sflag:s24] =	ssyncset.done $0x0  }
0x153: {  	s18 =	simm.s32 $0x1F00;
	[sflag:s24] =	ssyncadd.s32 $0xFFFFC000  }
0x154: {  	[spmem:s3] =	stream.indirect.scatter.add.f32 [tilespmem:s23], [sflag:$0x4], $0x80, s18, s29, $0xb8;
	[tilespmem:$0x1E000] =	vst v63  }
0x155: {  	_ =	swait.ge [sflag:s31], $0x4000  }
0x156: {  	[sflag:s31] =	ssyncset.done $0x0  }
0x157: {  	[sflag:s31] =	ssyncadd.s32 $0xFFFFC000  }
0x158: {  	_ =	swait.ge [sflag:s25], $0x800  }
0x159: {  	[sflag:s25] =	ssyncset.done $0x0  }
0x15a: {  	[sflag:s25] =	ssyncadd.s32 $0xFFFFF800  }
0x15b: {  	_ =	swait.ge [sflag:s25], $0x800  }
0x15c: {  	[sflag:s25] =	ssyncset.done $0x0  }
0x15d: {  	[sflag:s25] =	ssyncadd.s32 $0xFFFFF800  }
0x15e: {  	[tilespmem:s23], [sflag:$0x1] =	stream.indirect.gather [hbm4b:s1+s29], $0x80, s4, s29, $0xb8;
	[tilespmem:$0x1E000] =	vst v63  }
0x15f: {  	_ =	swait.ge [sflag:s0], $0x4000  }
0x160: {  	[sflag:s0] =	ssyncset.done $0x0  }
0x161: {  	s18 =	simm.s32 $0x1F80;
	[sflag:s0] =	ssyncadd.s32 $0xFFFFC000  }
0x162: {  	[spmem:s3] =	stream.indirect.scatter.add.f32 [tilespmem:s30], [sflag:$0x4], $0x80, s18, s29, $0xb8;
	[tilespmem:$0x1E000] =	vst v63  }
0x163: {  	_ =	swait.ge [sflag:s31], $0x4000  }
0x164: {  	[sflag:s31] =	ssyncset.done $0x0  }
0x165: {  	s18 =	rddreg [dreg:$0xe];
	[sflag:s31] =	ssyncadd.s32 $0xFFFFC000  }
0x166: {  	[tilespmem:s28], [sflag:$0x3] =	stream.linear.gather [hbm4b:s18+s4], $0x800, $0x38;
	[tilespmem:$0x1E000] =	vst v63  }
0x167: {  	s18 =	rddreg [dreg:$0xf]  }
0x168: {  	[tilespmem:s7], [sflag:$0x3] =	stream.linear.gather [hbm4b:s18+s4], $0x800, $0x38;
	[tilespmem:$0x1E000] =	vst v63  }
0x169: {  	_ = 	snop  }
0x16a: {  	[tilespmem:s30], [sflag:$0x2] =	stream.indirect.gather [hbm4b:s1+s29], $0x80, s29, s29, $0xb8;
	[tilespmem:$0x1E000] =	vst v63  }
0x16b: {  	_ =	swait.ge [sflag:s24], $0x4000  }
0x16c: {  	[sflag:s24] =	ssyncset.done $0x0  }
0x16d: {  	s2 =	simm.s32 $0x800;
	[sflag:s24] =	ssyncadd.s32 $0xFFFFC000  }
0x16e: {  	[spmem:s3] =	stream.indirect.scatter.add.f32 [tilespmem:s23], [sflag:$0x4], $0x80, s2, s29, $0xb8;
	[tilespmem:$0x1E000] =	vst v63  }
0x16f: {  	_ =	swait.ge [sflag:s31], $0x4000  }
0x170: {  	[sflag:s31] =	ssyncset.done $0x0  }
0x171: {  	s18 =	simm.s32 $0x100;
	[sflag:s31] =	ssyncadd.s32 $0xFFFFC000  }
0x172: {  	[tilespmem:s23], [sflag:$0x1] =	stream.indirect.gather [hbm4b:s1+s29], $0x80, s18, s29, $0xb8;
	[tilespmem:$0x1E000] =	vst v63  }
0x173: {  	_ =	swait.ge [sflag:s0], $0x4000  }
0x174: {  	[sflag:s0] =	ssyncset.done $0x0  }
0x175: {  	s18 =	simm.s32 $0x880;
	[sflag:s0] =	ssyncadd.s32 $0xFFFFC000  }
0x176: {  	[spmem:s3] =	stream.indirect.scatter.add.f32 [tilespmem:s30], [sflag:$0x4], $0x80, s18, s29, $0xb8;
	[tilespmem:$0x1E000] =	vst v63  }
0x177: {  	_ =	swait.ge [sflag:s31], $0x4000  }
0x178: {  	[sflag:s31] =	ssyncset.done $0x0  }
0x179: {  	s18 =	simm.s32 $0x180;
	[sflag:s31] =	ssyncadd.s32 $0xFFFFC000  }
0x17a: {  	[tilespmem:s30], [sflag:$0x2] =	stream.indirect.gather [hbm4b:s1+s29], $0x80, s18, s29, $0xb8;
	[tilespmem:$0x1E000] =	vst v63  }
0x17b: {  	_ =	swait.ge [sflag:s24], $0x4000  }
0x17c: {  	[sflag:s24] =	ssyncset.done $0x0  }
0x17d: {  	s18 =	simm.s32 $0x900;
	[sflag:s24] =	ssyncadd.s32 $0xFFFFC000  }
0x17e: {  	[spmem:s3] =	stream.indirect.scatter.add.f32 [tilespmem:s23], [sflag:$0x4], $0x80, s18, s29, $0xb8;
	[tilespmem:$0x1E000] =	vst v63  }
0x17f: {  	_ =	swait.ge [sflag:s31], $0x4000  }
0x180: {  	[sflag:s31] =	ssyncset.done $0x0  }
0x181: {  	s18 =	simm.s32 $0x200;
	[sflag:s31] =	ssyncadd.s32 $0xFFFFC000  }
0x182: {  	[tilespmem:s23], [sflag:$0x1] =	stream.indirect.gather [hbm4b:s1+s29], $0x80, s18, s29, $0xb8;
	[tilespmem:$0x1E000] =	vst v63  }
0x183: {  	_ =	swait.ge [sflag:s0], $0x4000  }
0x184: {  	[sflag:s0] =	ssyncset.done $0x0  }
0x185: {  	s18 =	simm.s32 $0x980;
	[sflag:s0] =	ssyncadd.s32 $0xFFFFC000  }
0x186: {  	[spmem:s3] =	stream.indirect.scatter.add.f32 [tilespmem:s30], [sflag:$0x4], $0x80, s18, s29, $0xb8;
	[tilespmem:$0x1E000] =	vst v63  }
0x187: {  	_ =	swait.ge [sflag:s31], $0x4000  }
0x188: {  	[sflag:s31] =	ssyncset.done $0x0  }
0x189: {  	s18 =	simm.s32 $0x280;
	[sflag:s31] =	ssyncadd.s32 $0xFFFFC000  }
0x18a: {  	[tilespmem:s30], [sflag:$0x2] =	stream.indirect.gather [hbm4b:s1+s29], $0x80, s18, s29, $0xb8;
	[tilespmem:$0x1E000] =	vst v63  }
0x18b: {  	_ =	swait.ge [sflag:s24], $0x4000  }
0x18c: {  	[sflag:s24] =	ssyncset.done $0x0  }
0x18d: {  	s18 =	simm.s32 $0xA00;
	[sflag:s24] =	ssyncadd.s32 $0xFFFFC000  }
0x18e: {  	[spmem:s3] =	stream.indirect.scatter.add.f32 [tilespmem:s23], [sflag:$0x4], $0x80, s18, s29, $0xb8;
	[tilespmem:$0x1E000] =	vst v63  }
0x18f: {  	_ =	swait.ge [sflag:s31], $0x4000  }
0x190: {  	[sflag:s31] =	ssyncset.done $0x0  }
0x191: {  	s18 =	simm.s32 $0x300;
	[sflag:s31] =	ssyncadd.s32 $0xFFFFC000  }
0x192: {  	[tilespmem:s23], [sflag:$0x1] =	stream.indirect.gather [hbm4b:s1+s29], $0x80, s18, s29, $0xb8;
	[tilespmem:$0x1E000] =	vst v63  }
0x193: {  	_ =	swait.ge [sflag:s0], $0x4000  }
0x194: {  	[sflag:s0] =	ssyncset.done $0x0  }
0x195: {  	s18 =	simm.s32 $0xA80;
	[sflag:s0] =	ssyncadd.s32 $0xFFFFC000  }
0x196: {  	[spmem:s3] =	stream.indirect.scatter.add.f32 [tilespmem:s30], [sflag:$0x4], $0x80, s18, s29, $0xb8;
	[tilespmem:$0x1E000] =	vst v63  }
0x197: {  	_ =	swait.ge [sflag:s31], $0x4000  }
0x198: {  	[sflag:s31] =	ssyncset.done $0x0  }
0x199: {  	s18 =	simm.s32 $0x380;
	[sflag:s31] =	ssyncadd.s32 $0xFFFFC000  }
0x19a: {  	[tilespmem:s30], [sflag:$0x2] =	stream.indirect.gather [hbm4b:s1+s29], $0x80, s18, s29, $0xb8;
	[tilespmem:$0x1E000] =	vst v63  }
0x19b: {  	_ =	swait.ge [sflag:s24], $0x4000  }
0x19c: {  	[sflag:s24] =	ssyncset.done $0x0  }
0x19d: {  	s18 =	simm.s32 $0xB00;
	[sflag:s24] =	ssyncadd.s32 $0xFFFFC000  }
0x19e: {  	[spmem:s3] =	stream.indirect.scatter.add.f32 [tilespmem:s23], [sflag:$0x4], $0x80, s18, s29, $0xb8;
	[tilespmem:$0x1E000] =	vst v63  }
0x19f: {  	_ =	swait.ge [sflag:s31], $0x4000  }
0x1a0: {  	[sflag:s31] =	ssyncset.done $0x0  }
0x1a1: {  	s18 =	simm.s32 $0x400;
	[sflag:s31] =	ssyncadd.s32 $0xFFFFC000  }
0x1a2: {  	[tilespmem:s23], [sflag:$0x1] =	stream.indirect.gather [hbm4b:s1+s29], $0x80, s18, s29, $0xb8;
	[tilespmem:$0x1E000] =	vst v63  }
0x1a3: {  	_ =	swait.ge [sflag:s0], $0x4000  }
0x1a4: {  	[sflag:s0] =	ssyncset.done $0x0  }
0x1a5: {  	s18 =	simm.s32 $0xB80;
	[sflag:s0] =	ssyncadd.s32 $0xFFFFC000  }
0x1a6: {  	[spmem:s3] =	stream.indirect.scatter.add.f32 [tilespmem:s30], [sflag:$0x4], $0x80, s18, s29, $0xb8;
	[tilespmem:$0x1E000] =	vst v63  }
0x1a7: {  	_ =	swait.ge [sflag:s31], $0x4000  }
0x1a8: {  	[sflag:s31] =	ssyncset.done $0x0  }
0x1a9: {  	s18 =	simm.s32 $0x480;
	[sflag:s31] =	ssyncadd.s32 $0xFFFFC000  }
0x1aa: {  	[tilespmem:s30], [sflag:$0x2] =	stream.indirect.gather [hbm4b:s1+s29], $0x80, s18, s29, $0xb8;
	[tilespmem:$0x1E000] =	vst v63  }
0x1ab: {  	_ =	swait.ge [sflag:s24], $0x4000  }
0x1ac: {  	[sflag:s24] =	ssyncset.done $0x0  }
0x1ad: {  	s18 =	simm.s32 $0xC00;
	[sflag:s24] =	ssyncadd.s32 $0xFFFFC000  }
0x1ae: {  	[spmem:s3] =	stream.indirect.scatter.add.f32 [tilespmem:s23], [sflag:$0x4], $0x80, s18, s29, $0xb8;
	[tilespmem:$0x1E000] =	vst v63  }
0x1af: {  	_ =	swait.ge [sflag:s31], $0x4000  }
0x1b0: {  	[sflag:s31] =	ssyncset.done $0x0  }
0x1b1: {  	s18 =	simm.s32 $0x500;
	[sflag:s31] =	ssyncadd.s32 $0xFFFFC000  }
0x1b2: {  	[tilespmem:s23], [sflag:$0x1] =	stream.indirect.gather [hbm4b:s1+s29], $0x80, s18, s29, $0xb8;
	[tilespmem:$0x1E000] =	vst v63  }
0x1b3: {  	_ =	swait.ge [sflag:s0], $0x4000  }
0x1b4: {  	[sflag:s0] =	ssyncset.done $0x0  }
0x1b5: {  	s18 =	simm.s32 $0xC80;
	[sflag:s0] =	ssyncadd.s32 $0xFFFFC000  }
0x1b6: {  	[spmem:s3] =	stream.indirect.scatter.add.f32 [tilespmem:s30], [sflag:$0x4], $0x80, s18, s29, $0xb8;
	[tilespmem:$0x1E000] =	vst v63  }
0x1b7: {  	_ =	swait.ge [sflag:s31], $0x4000  }
0x1b8: {  	[sflag:s31] =	ssyncset.done $0x0  }
0x1b9: {  	s18 =	simm.s32 $0x580;
	[sflag:s31] =	ssyncadd.s32 $0xFFFFC000  }
0x1ba: {  	[tilespmem:s30], [sflag:$0x2] =	stream.indirect.gather [hbm4b:s1+s29], $0x80, s18, s29, $0xb8;
	[tilespmem:$0x1E000] =	vst v63  }
0x1bb: {  	_ =	swait.ge [sflag:s24], $0x4000  }
0x1bc: {  	[sflag:s24] =	ssyncset.done $0x0  }
0x1bd: {  	s18 =	simm.s32 $0xD00;
	[sflag:s24] =	ssyncadd.s32 $0xFFFFC000  }
0x1be: {  	[spmem:s3] =	stream.indirect.scatter.add.f32 [tilespmem:s23], [sflag:$0x4], $0x80, s18, s29, $0xb8;
	[tilespmem:$0x1E000] =	vst v63  }
0x1bf: {  	_ =	swait.ge [sflag:s31], $0x4000  }
0x1c0: {  	[sflag:s31] =	ssyncset.done $0x0  }
0x1c1: {  	s18 =	simm.s32 $0x600;
	[sflag:s31] =	ssyncadd.s32 $0xFFFFC000  }
0x1c2: {  	[tilespmem:s23], [sflag:$0x1] =	stream.indirect.gather [hbm4b:s1+s29], $0x80, s18, s29, $0xb8;
	[tilespmem:$0x1E000] =	vst v63  }
0x1c3: {  	_ =	swait.ge [sflag:s0], $0x4000  }
0x1c4: {  	[sflag:s0] =	ssyncset.done $0x0  }
0x1c5: {  	s18 =	simm.s32 $0xD80;
	[sflag:s0] =	ssyncadd.s32 $0xFFFFC000  }
0x1c6: {  	[spmem:s3] =	stream.indirect.scatter.add.f32 [tilespmem:s30], [sflag:$0x4], $0x80, s18, s29, $0xb8;
	[tilespmem:$0x1E000] =	vst v63  }
0x1c7: {  	_ =	swait.ge [sflag:s31], $0x4000  }
0x1c8: {  	[sflag:s31] =	ssyncset.done $0x0  }
0x1c9: {  	s18 =	simm.s32 $0x680;
	[sflag:s31] =	ssyncadd.s32 $0xFFFFC000  }
0x1ca: {  	[tilespmem:s30], [sflag:$0x2] =	stream.indirect.gather [hbm4b:s1+s29], $0x80, s18, s29, $0xb8;
	[tilespmem:$0x1E000] =	vst v63  }
0x1cb: {  	_ =	swait.ge [sflag:s24], $0x4000  }
0x1cc: {  	[sflag:s24] =	ssyncset.done $0x0  }
0x1cd: {  	s18 =	simm.s32 $0xE00;
	[sflag:s24] =	ssyncadd.s32 $0xFFFFC000  }
0x1ce: {  	[spmem:s3] =	stream.indirect.scatter.add.f32 [tilespmem:s23], [sflag:$0x4], $0x80, s18, s29, $0xb8;
	[tilespmem:$0x1E000] =	vst v63  }
0x1cf: {  	_ =	swait.ge [sflag:s31], $0x4000  }
0x1d0: {  	[sflag:s31] =	ssyncset.done $0x0  }
0x1d1: {  	s18 =	simm.s32 $0x700;
	[sflag:s31] =	ssyncadd.s32 $0xFFFFC000  }
0x1d2: {  	[tilespmem:s23], [sflag:$0x1] =	stream.indirect.gather [hbm4b:s1+s29], $0x80, s18, s29, $0xb8;
	[tilespmem:$0x1E000] =	vst v63  }
0x1d3: {  	_ =	swait.ge [sflag:s0], $0x4000  }
0x1d4: {  	[sflag:s0] =	ssyncset.done $0x0  }
0x1d5: {  	s18 =	simm.s32 $0xE80;
	[sflag:s0] =	ssyncadd.s32 $0xFFFFC000  }
0x1d6: {  	[spmem:s3] =	stream.indirect.scatter.add.f32 [tilespmem:s30], [sflag:$0x4], $0x80, s18, s29, $0xb8;
	[tilespmem:$0x1E000] =	vst v63  }
0x1d7: {  	_ =	swait.ge [sflag:s31], $0x4000  }
0x1d8: {  	[sflag:s31] =	ssyncset.done $0x0  }
0x1d9: {  	s18 =	simm.s32 $0x780;
	[sflag:s31] =	ssyncadd.s32 $0xFFFFC000  }
0x1da: {  	[tilespmem:s30], [sflag:$0x2] =	stream.indirect.gather [hbm4b:s1+s29], $0x80, s18, s29, $0xb8;
	[tilespmem:$0x1E000] =	vst v63  }
0x1db: {  	_ =	swait.ge [sflag:s24], $0x4000  }
0x1dc: {  	[sflag:s24] =	ssyncset.done $0x0  }
0x1dd: {  	s18 =	simm.s32 $0xF00;
	[sflag:s24] =	ssyncadd.s32 $0xFFFFC000  }
0x1de: {  	[spmem:s3] =	stream.indirect.scatter.add.f32 [tilespmem:s23], [sflag:$0x4], $0x80, s18, s29, $0xb8;
	[tilespmem:$0x1E000] =	vst v63  }
0x1df: {  	_ =	swait.ge [sflag:s31], $0x4000  }
0x1e0: {  	[sflag:s31] =	ssyncset.done $0x0  }
0x1e1: {  	[sflag:s31] =	ssyncadd.s32 $0xFFFFC000  }
0x1e2: {  	_ =	swait.ge [sflag:s25], $0x800  }
0x1e3: {  	[sflag:s25] =	ssyncset.done $0x0  }
0x1e4: {  	[sflag:s25] =	ssyncadd.s32 $0xFFFFF800  }
0x1e5: {  	_ =	swait.ge [sflag:s25], $0x800  }
0x1e6: {  	[sflag:s25] =	ssyncset.done $0x0  }
0x1e7: {  	[sflag:s25] =	ssyncadd.s32 $0xFFFFF800  }
0x1e8: {  	[tilespmem:s23], [sflag:$0x1] =	stream.indirect.gather [hbm4b:s1+s29], $0x80, s28, s29, $0xb8;
	[tilespmem:$0x1E000] =	vst v63  }
0x1e9: {  	_ =	swait.ge [sflag:s0], $0x4000  }
0x1ea: {  	[sflag:s0] =	ssyncset.done $0x0  }
0x1eb: {  	s28 =	simm.s32 $0xF80;
	[sflag:s0] =	ssyncadd.s32 $0xFFFFC000  }
0x1ec: {  	[spmem:s3] =	stream.indirect.scatter.add.f32 [tilespmem:s30], [sflag:$0x4], $0x80, s28, s29, $0xb8;
	[tilespmem:$0x1E000] =	vst v63  }
0x1ed: {  	_ =	swait.ge [sflag:s31], $0x4000  }
0x1ee: {  	[sflag:s31] =	ssyncset.done $0x0  }
0x1ef: {  	s18 =	rddreg [dreg:$0x10];
	[sflag:s31] =	ssyncadd.s32 $0xFFFFC000  }
0x1f0: {  	[tilespmem:s4], [sflag:$0x3] =	stream.linear.gather [hbm4b:s18+s4], $0x800, $0x38;
	[tilespmem:$0x1E000] =	vst v63  }
0x1f1: {  	s18 =	rddreg [dreg:$0x11]  }
0x1f2: {  	[tilespmem:s2], [sflag:$0x3] =	stream.linear.gather [hbm4b:s18+s4], $0x800, $0x38;
	[tilespmem:$0x1E000] =	vst v63  }
0x1f3: {  	_ = 	snop  }
0x1f4: {  	[tilespmem:s30], [sflag:$0x2] =	stream.indirect.gather [hbm4b:s1+s29], $0x80, s22, s29, $0xb8;
	[tilespmem:$0x1E000] =	vst v63  }
0x1f5: {  	_ =	swait.ge [sflag:s24], $0x4000  }
0x1f6: {  	[sflag:s24] =	ssyncset.done $0x0  }
0x1f7: {  	[sflag:s24] =	ssyncadd.s32 $0xFFFFC000  }
0x1f8: {  	[spmem:s3] =	stream.indirect.scatter.add.f32 [tilespmem:s23], [sflag:$0x4], $0x80, s7, s29, $0xb8;
	[tilespmem:$0x1E000] =	vst v63  }
0x1f9: {  	_ =	swait.ge [sflag:s31], $0x4000  }
0x1fa: {  	[sflag:s31] =	ssyncset.done $0x0  }
0x1fb: {  	[sflag:s31] =	ssyncadd.s32 $0xFFFFC000  }
0x1fc: {  	[tilespmem:s23], [sflag:$0x1] =	stream.indirect.gather [hbm4b:s1+s29], $0x80, s6, s29, $0xb8;
	[tilespmem:$0x1E000] =	vst v63  }
0x1fd: {  	_ =	swait.ge [sflag:s0], $0x4000  }
0x1fe: {  	[sflag:s0] =	ssyncset.done $0x0  }
0x1ff: {  	[sflag:s0] =	ssyncadd.s32 $0xFFFFC000  }
0x200: {  	[spmem:s3] =	stream.indirect.scatter.add.f32 [tilespmem:s30], [sflag:$0x4], $0x80, s8, s29, $0xb8;
	[tilespmem:$0x1E000] =	vst v63  }
0x201: {  	_ =	swait.ge [sflag:s31], $0x4000  }
0x202: {  	[sflag:s31] =	ssyncset.done $0x0  }
0x203: {  	[sflag:s31] =	ssyncadd.s32 $0xFFFFC000  }
0x204: {  	[tilespmem:s30], [sflag:$0x2] =	stream.indirect.gather [hbm4b:s1+s29], $0x80, s9, s29, $0xb8;
	[tilespmem:$0x1E000] =	vst v63  }
0x205: {  	_ =	swait.ge [sflag:s24], $0x4000  }
0x206: {  	[sflag:s24] =	ssyncset.done $0x0  }
0x207: {  	[sflag:s24] =	ssyncadd.s32 $0xFFFFC000  }
0x208: {  	[spmem:s3] =	stream.indirect.scatter.add.f32 [tilespmem:s23], [sflag:$0x4], $0x80, s10, s29, $0xb8;
	[tilespmem:$0x1E000] =	vst v63  }
0x209: {  	_ =	swait.ge [sflag:s31], $0x4000  }
0x20a: {  	[sflag:s31] =	ssyncset.done $0x0  }
0x20b: {  	[sflag:s31] =	ssyncadd.s32 $0xFFFFC000  }
0x20c: {  	[tilespmem:s23], [sflag:$0x1] =	stream.indirect.gather [hbm4b:s1+s29], $0x80, s11, s29, $0xb8;
	[tilespmem:$0x1E000] =	vst v63  }
0x20d: {  	_ =	swait.ge [sflag:s0], $0x4000  }
0x20e: {  	[sflag:s0] =	ssyncset.done $0x0  }
0x20f: {  	[sflag:s0] =	ssyncadd.s32 $0xFFFFC000  }
0x210: {  	[spmem:s3] =	stream.indirect.scatter.add.f32 [tilespmem:s30], [sflag:$0x4], $0x80, s12, s29, $0xb8;
	[tilespmem:$0x1E000] =	vst v63  }
0x211: {  	_ =	swait.ge [sflag:s31], $0x4000  }
0x212: {  	[sflag:s31] =	ssyncset.done $0x0  }
0x213: {  	[sflag:s31] =	ssyncadd.s32 $0xFFFFC000  }
0x214: {  	[tilespmem:s30], [sflag:$0x2] =	stream.indirect.gather [hbm4b:s1+s29], $0x80, s13, s29, $0xb8;
	[tilespmem:$0x1E000] =	vst v63  }
0x215: {  	_ =	swait.ge [sflag:s24], $0x4000  }
0x216: {  	[sflag:s24] =	ssyncset.done $0x0  }
0x217: {  	[sflag:s24] =	ssyncadd.s32 $0xFFFFC000  }
0x218: {  	[spmem:s3] =	stream.indirect.scatter.add.f32 [tilespmem:s23], [sflag:$0x4], $0x80, s14, s29, $0xb8;
	[tilespmem:$0x1E000] =	vst v63  }
0x219: {  	_ =	swait.ge [sflag:s31], $0x4000  }
0x21a: {  	[sflag:s31] =	ssyncset.done $0x0  }
0x21b: {  	[sflag:s31] =	ssyncadd.s32 $0xFFFFC000  }
0x21c: {  	[tilespmem:s23], [sflag:$0x1] =	stream.indirect.gather [hbm4b:s1+s29], $0x80, s15, s29, $0xb8;
	[tilespmem:$0x1E000] =	vst v63  }
0x21d: {  	_ =	swait.ge [sflag:s0], $0x4000  }
0x21e: {  	[sflag:s0] =	ssyncset.done $0x0  }
0x21f: {  	[sflag:s0] =	ssyncadd.s32 $0xFFFFC000  }
0x220: {  	[spmem:s3] =	stream.indirect.scatter.add.f32 [tilespmem:s30], [sflag:$0x4], $0x80, s16, s29, $0xb8;
	[tilespmem:$0x1E000] =	vst v63  }
0x221: {  	_ =	swait.ge [sflag:s31], $0x4000  }
0x222: {  	[sflag:s31] =	ssyncset.done $0x0  }
0x223: {  	[sflag:s31] =	ssyncadd.s32 $0xFFFFC000  }
0x224: {  	[tilespmem:s30], [sflag:$0x2] =	stream.indirect.gather [hbm4b:s1+s29], $0x80, s21, s29, $0xb8;
	[tilespmem:$0x1E000] =	vst v63  }
0x225: {  	_ =	swait.ge [sflag:s24], $0x4000  }
0x226: {  	[sflag:s24] =	ssyncset.done $0x0  }
0x227: {  	[sflag:s24] =	ssyncadd.s32 $0xFFFFC000  }
0x228: {  	[spmem:s3] =	stream.indirect.scatter.add.f32 [tilespmem:s23], [sflag:$0x4], $0x80, s26, s29, $0xb8;
	[tilespmem:$0x1E000] =	vst v63  }
0x229: {  	_ =	swait.ge [sflag:s31], $0x4000  }
0x22a: {  	[sflag:s31] =	ssyncset.done $0x0  }
0x22b: {  	[sflag:s31] =	ssyncadd.s32 $0xFFFFC000  }
0x22c: {  	[tilespmem:s23], [sflag:$0x1] =	stream.indirect.gather [hbm4b:s1+s29], $0x80, s5, s29, $0xb8;
	[tilespmem:$0x1E000] =	vst v63  }
0x22d: {  	_ =	swait.ge [sflag:s0], $0x4000  }
0x22e: {  	[sflag:s0] =	ssyncset.done $0x0  }
0x22f: {  	[sflag:s0] =	ssyncadd.s32 $0xFFFFC000  }
0x230: {  	[spmem:s3] =	stream.indirect.scatter.add.f32 [tilespmem:s30], [sflag:$0x4], $0x80, s19, s29, $0xb8;
	[tilespmem:$0x1E000] =	vst v63  }
0x231: {  	_ =	swait.ge [sflag:s31], $0x4000  }
0x232: {  	[sflag:s31] =	ssyncset.done $0x0  }
0x233: {  	[sflag:s31] =	ssyncadd.s32 $0xFFFFC000  }
0x234: {  	[tilespmem:s30], [sflag:$0x2] =	stream.indirect.gather [hbm4b:s1+s29], $0x80, s20, s29, $0xb8;
	[tilespmem:$0x1E000] =	vst v63  }
0x235: {  	_ =	swait.ge [sflag:s24], $0x4000  }
0x236: {  	[sflag:s24] =	ssyncset.done $0x0  }
0x237: {  	s19 =	simm.s32 $0x1C00;
	[sflag:s24] =	ssyncadd.s32 $0xFFFFC000  }
0x238: {  	[spmem:s3] =	stream.indirect.scatter.add.f32 [tilespmem:s23], [sflag:$0x4], $0x80, s19, s29, $0xb8;
	[tilespmem:$0x1E000] =	vst v63  }
0x239: {  	_ =	swait.ge [sflag:s31], $0x4000  }
0x23a: {  	[sflag:s31] =	ssyncset.done $0x0  }
0x23b: {  	s20 =	simm.s32 $0x1500;
	[sflag:s31] =	ssyncadd.s32 $0xFFFFC000  }
0x23c: {  	[tilespmem:s23], [sflag:$0x1] =	stream.indirect.gather [hbm4b:s1+s29], $0x80, s20, s29, $0xb8;
	[tilespmem:$0x1E000] =	vst v63  }
0x23d: {  	_ =	swait.ge [sflag:s0], $0x4000  }
0x23e: {  	[sflag:s0] =	ssyncset.done $0x0  }
0x23f: {  	s18 =	simm.s32 $0x1C80;
	[sflag:s0] =	ssyncadd.s32 $0xFFFFC000  }
0x240: {  	[spmem:s3] =	stream.indirect.scatter.add.f32 [tilespmem:s30], [sflag:$0x4], $0x80, s18, s29, $0xb8;
	[tilespmem:$0x1E000] =	vst v63  }
0x241: {  	_ =	swait.ge [sflag:s31], $0x4000  }
0x242: {  	[sflag:s31] =	ssyncset.done $0x0  }
0x243: {  	s19 =	simm.s32 $0x1580;
	[sflag:s31] =	ssyncadd.s32 $0xFFFFC000  }
0x244: {  	[tilespmem:s30], [sflag:$0x2] =	stream.indirect.gather [hbm4b:s1+s29], $0x80, s19, s29, $0xb8;
	[tilespmem:$0x1E000] =	vst v63  }
0x245: {  	_ =	swait.ge [sflag:s24], $0x4000  }
0x246: {  	[sflag:s24] =	ssyncset.done $0x0  }
0x247: {  	s20 =	simm.s32 $0x1D00;
	[sflag:s24] =	ssyncadd.s32 $0xFFFFC000  }
0x248: {  	[spmem:s3] =	stream.indirect.scatter.add.f32 [tilespmem:s23], [sflag:$0x4], $0x80, s20, s29, $0xb8;
	[tilespmem:$0x1E000] =	vst v63  }
0x249: {  	_ =	swait.ge [sflag:s31], $0x4000  }
0x24a: {  	[sflag:s31] =	ssyncset.done $0x0  }
0x24b: {  	s18 =	simm.s32 $0x1600;
	[sflag:s31] =	ssyncadd.s32 $0xFFFFC000  }
0x24c: {  	[tilespmem:s23], [sflag:$0x1] =	stream.indirect.gather [hbm4b:s1+s29], $0x80, s18, s29, $0xb8;
	[tilespmem:$0x1E000] =	vst v63  }
0x24d: {  	_ =	swait.ge [sflag:s0], $0x4000  }
0x24e: {  	[sflag:s0] =	ssyncset.done $0x0  }
0x24f: {  	s19 =	simm.s32 $0x1D80;
	[sflag:s0] =	ssyncadd.s32 $0xFFFFC000  }
0x250: {  	[spmem:s3] =	stream.indirect.scatter.add.f32 [tilespmem:s30], [sflag:$0x4], $0x80, s19, s29, $0xb8;
	[tilespmem:$0x1E000] =	vst v63  }
0x251: {  	_ =	swait.ge [sflag:s31], $0x4000  }
0x252: {  	[sflag:s31] =	ssyncset.done $0x0  }
0x253: {  	s20 =	simm.s32 $0x1680;
	[sflag:s31] =	ssyncadd.s32 $0xFFFFC000  }
0x254: {  	[tilespmem:s30], [sflag:$0x2] =	stream.indirect.gather [hbm4b:s1+s29], $0x80, s20, s29, $0xb8;
	[tilespmem:$0x1E000] =	vst v63  }
0x255: {  	_ =	swait.ge [sflag:s24], $0x4000  }
0x256: {  	[sflag:s24] =	ssyncset.done $0x0  }
0x257: {  	s18 =	simm.s32 $0x1E00;
	[sflag:s24] =	ssyncadd.s32 $0xFFFFC000  }
0x258: {  	[spmem:s3] =	stream.indirect.scatter.add.f32 [tilespmem:s23], [sflag:$0x4], $0x80, s18, s29, $0xb8;
	[tilespmem:$0x1E000] =	vst v63  }
0x259: {  	_ =	swait.ge [sflag:s31], $0x4000  }
0x25a: {  	[sflag:s31] =	ssyncset.done $0x0  }
0x25b: {  	s19 =	simm.s32 $0x1700;
	[sflag:s31] =	ssyncadd.s32 $0xFFFFC000  }
0x25c: {  	[tilespmem:s23], [sflag:$0x1] =	stream.indirect.gather [hbm4b:s1+s29], $0x80, s19, s29, $0xb8;
	[tilespmem:$0x1E000] =	vst v63  }
0x25d: {  	_ =	swait.ge [sflag:s0], $0x4000  }
0x25e: {  	[sflag:s0] =	ssyncset.done $0x0  }
0x25f: {  	s20 =	simm.s32 $0x1E80;
	[sflag:s0] =	ssyncadd.s32 $0xFFFFC000  }
0x260: {  	[spmem:s3] =	stream.indirect.scatter.add.f32 [tilespmem:s30], [sflag:$0x4], $0x80, s20, s29, $0xb8;
	[tilespmem:$0x1E000] =	vst v63  }
0x261: {  	_ =	swait.ge [sflag:s31], $0x4000  }
0x262: {  	[sflag:s31] =	ssyncset.done $0x0  }
0x263: {  	s18 =	simm.s32 $0x1780;
	[sflag:s31] =	ssyncadd.s32 $0xFFFFC000  }
0x264: {  	[tilespmem:s30], [sflag:$0x2] =	stream.indirect.gather [hbm4b:s1+s29], $0x80, s18, s29, $0xb8;
	[tilespmem:$0x1E000] =	vst v63  }
0x265: {  	_ =	swait.ge [sflag:s24], $0x4000  }
0x266: {  	[sflag:s24] =	ssyncset.done $0x0  }
0x267: {  	s19 =	simm.s32 $0x1F00;
	[sflag:s24] =	ssyncadd.s32 $0xFFFFC000  }
0x268: {  	[spmem:s3] =	stream.indirect.scatter.add.f32 [tilespmem:s23], [sflag:$0x4], $0x80, s19, s29, $0xb8;
	[tilespmem:$0x1E000] =	vst v63  }
0x269: {  	_ =	swait.ge [sflag:s31], $0x4000  }
0x26a: {  	[sflag:s31] =	ssyncset.done $0x0  }
0x26b: {  	[sflag:s31] =	ssyncadd.s32 $0xFFFFC000  }
0x26c: {  	_ =	swait.ge [sflag:s25], $0x800  }
0x26d: {  	[sflag:s25] =	ssyncset.done $0x0  }
0x26e: {  	[sflag:s25] =	ssyncadd.s32 $0xFFFFF800  }
0x26f: {  	_ =	swait.ge [sflag:s25], $0x800  }
0x270: {  	[sflag:s25] =	ssyncset.done $0x0  }
0x271: {  	[sflag:s25] =	ssyncadd.s32 $0xFFFFF800  }
0x272: {  	[tilespmem:s23], [sflag:$0x1] =	stream.indirect.gather [hbm4b:s1+s29], $0x80, s4, s29, $0xb8;
	[tilespmem:$0x1E000] =	vst v63  }
0x273: {  	_ =	swait.ge [sflag:s0], $0x4000  }
0x274: {  	[sflag:s0] =	ssyncset.done $0x0  }
0x275: {  	s20 =	simm.s32 $0x1F80;
	[sflag:s0] =	ssyncadd.s32 $0xFFFFC000  }
0x276: {  	[spmem:s3] =	stream.indirect.scatter.add.f32 [tilespmem:s30], [sflag:$0x4], $0x80, s20, s29, $0xb8;
	[tilespmem:$0x1E000] =	vst v63  }
0x277: {  	_ =	swait.ge [sflag:s31], $0x4000  }
0x278: {  	[sflag:s31] =	ssyncset.done $0x0  }
0x279: {  	[sflag:s31] =	ssyncadd.s32 $0xFFFFC000  }
0x27a: {  	[tilespmem:s30], [sflag:$0x2] =	stream.indirect.gather [hbm4b:s1+s29], $0x80, s29, s29, $0xb8;
	[tilespmem:$0x1E000] =	vst v63  }
0x27b: {  	_ =	swait.ge [sflag:s24], $0x4000  }
0x27c: {  	[sflag:s24] =	ssyncset.done $0x0  }
0x27d: {  	s5 =	simm.s32 $0x800;
	[sflag:s24] =	ssyncadd.s32 $0xFFFFC000  }
0x27e: {  	[spmem:s3] =	stream.indirect.scatter.add.f32 [tilespmem:s23], [sflag:$0x4], $0x80, s5, s29, $0xb8;
	[tilespmem:$0x1E000] =	vst v63  }
0x27f: {  	_ =	swait.ge [sflag:s31], $0x4000  }
0x280: {  	[sflag:s31] =	ssyncset.done $0x0  }
0x281: {  	s18 =	simm.s32 $0x100;
	[sflag:s31] =	ssyncadd.s32 $0xFFFFC000  }
0x282: {  	[tilespmem:s23], [sflag:$0x1] =	stream.indirect.gather [hbm4b:s1+s29], $0x80, s18, s29, $0xb8;
	[tilespmem:$0x1E000] =	vst v63  }
0x283: {  	_ =	swait.ge [sflag:s0], $0x4000  }
0x284: {  	[sflag:s0] =	ssyncset.done $0x0  }
0x285: {  	s19 =	simm.s32 $0x880;
	[sflag:s0] =	ssyncadd.s32 $0xFFFFC000  }
0x286: {  	[spmem:s3] =	stream.indirect.scatter.add.f32 [tilespmem:s30], [sflag:$0x4], $0x80, s19, s29, $0xb8;
	[tilespmem:$0x1E000] =	vst v63  }
0x287: {  	_ =	swait.ge [sflag:s31], $0x4000  }
0x288: {  	[sflag:s31] =	ssyncset.done $0x0  }
0x289: {  	s20 =	simm.s32 $0x180;
	[sflag:s31] =	ssyncadd.s32 $0xFFFFC000  }
0x28a: {  	[tilespmem:s30], [sflag:$0x2] =	stream.indirect.gather [hbm4b:s1+s29], $0x80, s20, s29, $0xb8;
	[tilespmem:$0x1E000] =	vst v63  }
0x28b: {  	_ =	swait.ge [sflag:s24], $0x4000  }
0x28c: {  	[sflag:s24] =	ssyncset.done $0x0  }
0x28d: {  	s18 =	simm.s32 $0x900;
	[sflag:s24] =	ssyncadd.s32 $0xFFFFC000  }
0x28e: {  	[spmem:s3] =	stream.indirect.scatter.add.f32 [tilespmem:s23], [sflag:$0x4], $0x80, s18, s29, $0xb8;
	[tilespmem:$0x1E000] =	vst v63  }
0x28f: {  	_ =	swait.ge [sflag:s31], $0x4000  }
0x290: {  	[sflag:s31] =	ssyncset.done $0x0  }
0x291: {  	s19 =	simm.s32 $0x200;
	[sflag:s31] =	ssyncadd.s32 $0xFFFFC000  }
0x292: {  	[tilespmem:s23], [sflag:$0x1] =	stream.indirect.gather [hbm4b:s1+s29], $0x80, s19, s29, $0xb8;
	[tilespmem:$0x1E000] =	vst v63  }
0x293: {  	_ =	swait.ge [sflag:s0], $0x4000  }
0x294: {  	[sflag:s0] =	ssyncset.done $0x0  }
0x295: {  	s20 =	simm.s32 $0x980;
	[sflag:s0] =	ssyncadd.s32 $0xFFFFC000  }
0x296: {  	[spmem:s3] =	stream.indirect.scatter.add.f32 [tilespmem:s30], [sflag:$0x4], $0x80, s20, s29, $0xb8;
	[tilespmem:$0x1E000] =	vst v63  }
0x297: {  	_ =	swait.ge [sflag:s31], $0x4000  }
0x298: {  	[sflag:s31] =	ssyncset.done $0x0  }
0x299: {  	s18 =	simm.s32 $0x280;
	[sflag:s31] =	ssyncadd.s32 $0xFFFFC000  }
0x29a: {  	[tilespmem:s30], [sflag:$0x2] =	stream.indirect.gather [hbm4b:s1+s29], $0x80, s18, s29, $0xb8;
	[tilespmem:$0x1E000] =	vst v63  }
0x29b: {  	_ =	swait.ge [sflag:s24], $0x4000  }
0x29c: {  	[sflag:s24] =	ssyncset.done $0x0  }
0x29d: {  	s19 =	simm.s32 $0xA00;
	[sflag:s24] =	ssyncadd.s32 $0xFFFFC000  }
0x29e: {  	[spmem:s3] =	stream.indirect.scatter.add.f32 [tilespmem:s23], [sflag:$0x4], $0x80, s19, s29, $0xb8;
	[tilespmem:$0x1E000] =	vst v63  }
0x29f: {  	_ =	swait.ge [sflag:s31], $0x4000  }
0x2a0: {  	[sflag:s31] =	ssyncset.done $0x0  }
0x2a1: {  	s20 =	simm.s32 $0x300;
	[sflag:s31] =	ssyncadd.s32 $0xFFFFC000  }
0x2a2: {  	[tilespmem:s23], [sflag:$0x1] =	stream.indirect.gather [hbm4b:s1+s29], $0x80, s20, s29, $0xb8;
	[tilespmem:$0x1E000] =	vst v63  }
0x2a3: {  	_ =	swait.ge [sflag:s0], $0x4000  }
0x2a4: {  	[sflag:s0] =	ssyncset.done $0x0  }
0x2a5: {  	s18 =	simm.s32 $0xA80;
	[sflag:s0] =	ssyncadd.s32 $0xFFFFC000  }
0x2a6: {  	[spmem:s3] =	stream.indirect.scatter.add.f32 [tilespmem:s30], [sflag:$0x4], $0x80, s18, s29, $0xb8;
	[tilespmem:$0x1E000] =	vst v63  }
0x2a7: {  	_ =	swait.ge [sflag:s31], $0x4000  }
0x2a8: {  	[sflag:s31] =	ssyncset.done $0x0  }
0x2a9: {  	s19 =	simm.s32 $0x380;
	[sflag:s31] =	ssyncadd.s32 $0xFFFFC000  }
0x2aa: {  	[tilespmem:s30], [sflag:$0x2] =	stream.indirect.gather [hbm4b:s1+s29], $0x80, s19, s29, $0xb8;
	[tilespmem:$0x1E000] =	vst v63  }
0x2ab: {  	_ =	swait.ge [sflag:s24], $0x4000  }
0x2ac: {  	[sflag:s24] =	ssyncset.done $0x0  }
0x2ad: {  	s20 =	simm.s32 $0xB00;
	[sflag:s24] =	ssyncadd.s32 $0xFFFFC000  }
0x2ae: {  	[spmem:s3] =	stream.indirect.scatter.add.f32 [tilespmem:s23], [sflag:$0x4], $0x80, s20, s29, $0xb8;
	[tilespmem:$0x1E000] =	vst v63  }
0x2af: {  	_ =	swait.ge [sflag:s31], $0x4000  }
0x2b0: {  	[sflag:s31] =	ssyncset.done $0x0  }
0x2b1: {  	s18 =	simm.s32 $0x400;
	[sflag:s31] =	ssyncadd.s32 $0xFFFFC000  }
0x2b2: {  	[tilespmem:s23], [sflag:$0x1] =	stream.indirect.gather [hbm4b:s1+s29], $0x80, s18, s29, $0xb8;
	[tilespmem:$0x1E000] =	vst v63  }
0x2b3: {  	_ =	swait.ge [sflag:s0], $0x4000  }
0x2b4: {  	[sflag:s0] =	ssyncset.done $0x0  }
0x2b5: {  	s19 =	simm.s32 $0xB80;
	[sflag:s0] =	ssyncadd.s32 $0xFFFFC000  }
0x2b6: {  	[spmem:s3] =	stream.indirect.scatter.add.f32 [tilespmem:s30], [sflag:$0x4], $0x80, s19, s29, $0xb8;
	[tilespmem:$0x1E000] =	vst v63  }
0x2b7: {  	_ =	swait.ge [sflag:s31], $0x4000  }
0x2b8: {  	[sflag:s31] =	ssyncset.done $0x0  }
0x2b9: {  	s20 =	simm.s32 $0x480;
	[sflag:s31] =	ssyncadd.s32 $0xFFFFC000  }
0x2ba: {  	[tilespmem:s30], [sflag:$0x2] =	stream.indirect.gather [hbm4b:s1+s29], $0x80, s20, s29, $0xb8;
	[tilespmem:$0x1E000] =	vst v63  }
0x2bb: {  	_ =	swait.ge [sflag:s24], $0x4000  }
0x2bc: {  	[sflag:s24] =	ssyncset.done $0x0  }
0x2bd: {  	s18 =	simm.s32 $0xC00;
	[sflag:s24] =	ssyncadd.s32 $0xFFFFC000  }
0x2be: {  	[spmem:s3] =	stream.indirect.scatter.add.f32 [tilespmem:s23], [sflag:$0x4], $0x80, s18, s29, $0xb8;
	[tilespmem:$0x1E000] =	vst v63  }
0x2bf: {  	_ =	swait.ge [sflag:s31], $0x4000  }
0x2c0: {  	[sflag:s31] =	ssyncset.done $0x0  }
0x2c1: {  	s19 =	simm.s32 $0x500;
	[sflag:s31] =	ssyncadd.s32 $0xFFFFC000  }
0x2c2: {  	[tilespmem:s23], [sflag:$0x1] =	stream.indirect.gather [hbm4b:s1+s29], $0x80, s19, s29, $0xb8;
	[tilespmem:$0x1E000] =	vst v63  }
0x2c3: {  	_ =	swait.ge [sflag:s0], $0x4000  }
0x2c4: {  	[sflag:s0] =	ssyncset.done $0x0  }
0x2c5: {  	s20 =	simm.s32 $0xC80;
	[sflag:s0] =	ssyncadd.s32 $0xFFFFC000  }
0x2c6: {  	[spmem:s3] =	stream.indirect.scatter.add.f32 [tilespmem:s30], [sflag:$0x4], $0x80, s20, s29, $0xb8;
	[tilespmem:$0x1E000] =	vst v63  }
0x2c7: {  	_ =	swait.ge [sflag:s31], $0x4000  }
0x2c8: {  	[sflag:s31] =	ssyncset.done $0x0  }
0x2c9: {  	s18 =	simm.s32 $0x580;
	[sflag:s31] =	ssyncadd.s32 $0xFFFFC000  }
0x2ca: {  	[tilespmem:s30], [sflag:$0x2] =	stream.indirect.gather [hbm4b:s1+s29], $0x80, s18, s29, $0xb8;
	[tilespmem:$0x1E000] =	vst v63  }
0x2cb: {  	_ =	swait.ge [sflag:s24], $0x4000  }
0x2cc: {  	[sflag:s24] =	ssyncset.done $0x0  }
0x2cd: {  	s19 =	simm.s32 $0xD00;
	[sflag:s24] =	ssyncadd.s32 $0xFFFFC000  }
0x2ce: {  	[spmem:s3] =	stream.indirect.scatter.add.f32 [tilespmem:s23], [sflag:$0x4], $0x80, s19, s29, $0xb8;
	[tilespmem:$0x1E000] =	vst v63  }
0x2cf: {  	_ =	swait.ge [sflag:s31], $0x4000  }
0x2d0: {  	[sflag:s31] =	ssyncset.done $0x0  }
0x2d1: {  	s20 =	simm.s32 $0x600;
	[sflag:s31] =	ssyncadd.s32 $0xFFFFC000  }
0x2d2: {  	[tilespmem:s23], [sflag:$0x1] =	stream.indirect.gather [hbm4b:s1+s29], $0x80, s20, s29, $0xb8;
	[tilespmem:$0x1E000] =	vst v63  }
0x2d3: {  	_ =	swait.ge [sflag:s0], $0x4000  }
0x2d4: {  	[sflag:s0] =	ssyncset.done $0x0  }
0x2d5: {  	s18 =	simm.s32 $0xD80;
	[sflag:s0] =	ssyncadd.s32 $0xFFFFC000  }
0x2d6: {  	[spmem:s3] =	stream.indirect.scatter.add.f32 [tilespmem:s30], [sflag:$0x4], $0x80, s18, s29, $0xb8;
	[tilespmem:$0x1E000] =	vst v63  }
0x2d7: {  	_ =	swait.ge [sflag:s31], $0x4000  }
0x2d8: {  	[sflag:s31] =	ssyncset.done $0x0  }
0x2d9: {  	s19 =	simm.s32 $0x680;
	[sflag:s31] =	ssyncadd.s32 $0xFFFFC000  }
0x2da: {  	[tilespmem:s30], [sflag:$0x2] =	stream.indirect.gather [hbm4b:s1+s29], $0x80, s19, s29, $0xb8;
	[tilespmem:$0x1E000] =	vst v63  }
0x2db: {  	_ =	swait.ge [sflag:s24], $0x4000  }
0x2dc: {  	[sflag:s24] =	ssyncset.done $0x0  }
0x2dd: {  	s20 =	simm.s32 $0xE00;
	[sflag:s24] =	ssyncadd.s32 $0xFFFFC000  }
0x2de: {  	[spmem:s3] =	stream.indirect.scatter.add.f32 [tilespmem:s23], [sflag:$0x4], $0x80, s20, s29, $0xb8;
	[tilespmem:$0x1E000] =	vst v63  }
0x2df: {  	_ =	swait.ge [sflag:s31], $0x4000  }
0x2e0: {  	[sflag:s31] =	ssyncset.done $0x0  }
0x2e1: {  	s18 =	simm.s32 $0x700;
	[sflag:s31] =	ssyncadd.s32 $0xFFFFC000  }
0x2e2: {  	[tilespmem:s23], [sflag:$0x1] =	stream.indirect.gather [hbm4b:s1+s29], $0x80, s18, s29, $0xb8;
	[tilespmem:$0x1E000] =	vst v63  }
0x2e3: {  	_ =	swait.ge [sflag:s0], $0x4000  }
0x2e4: {  	[sflag:s0] =	ssyncset.done $0x0  }
0x2e5: {  	s19 =	simm.s32 $0xE80;
	[sflag:s0] =	ssyncadd.s32 $0xFFFFC000  }
0x2e6: {  	[spmem:s3] =	stream.indirect.scatter.add.f32 [tilespmem:s30], [sflag:$0x4], $0x80, s19, s29, $0xb8;
	[tilespmem:$0x1E000] =	vst v63  }
0x2e7: {  	_ =	swait.ge [sflag:s31], $0x4000  }
0x2e8: {  	[sflag:s31] =	ssyncset.done $0x0  }
0x2e9: {  	s20 =	simm.s32 $0x780;
	[sflag:s31] =	ssyncadd.s32 $0xFFFFC000  }
0x2ea: {  	[tilespmem:s30], [sflag:$0x2] =	stream.indirect.gather [hbm4b:s1+s29], $0x80, s20, s29, $0xb8;
	[tilespmem:$0x1E000] =	vst v63  }
0x2eb: {  	_ =	swait.ge [sflag:s24], $0x4000  }
0x2ec: {  	[sflag:s24] =	ssyncset.done $0x0  }
0x2ed: {  	s18 =	simm.s32 $0xF00;
	[sflag:s24] =	ssyncadd.s32 $0xFFFFC000  }
0x2ee: {  	[spmem:s3] =	stream.indirect.scatter.add.f32 [tilespmem:s23], [sflag:$0x4], $0x80, s18, s29, $0xb8;
	[tilespmem:$0x1E000] =	vst v63  }
0x2ef: {  	_ =	swait.ge [sflag:s31], $0x4000  }
0x2f0: {  	[sflag:s31] =	ssyncset.done $0x0  }
0x2f1: {  	[sflag:s31] =	ssyncadd.s32 $0xFFFFC000  }
0x2f2: {  	_ =	swait.ge [sflag:s0], $0x4000  }
0x2f3: {  	[sflag:s0] =	ssyncset.done $0x0  }
0x2f4: {  	s28 =	simm.s32 $0xF80;
	[sflag:s0] =	ssyncadd.s32 $0xFFFFC000  }
0x2f5: {  	[spmem:s3] =	stream.indirect.scatter.add.f32 [tilespmem:s30], [sflag:$0x4], $0x80, s28, s29, $0xb8;
	[tilespmem:$0x1E000] =	vst v63  }
0x2f6: {  	_ =	swait.ge [sflag:s31], $0x4000  }
0x2f7: {  	[sflag:s31] =	ssyncset.done $0x0  }
0x2f8: {  	[sflag:s31] =	ssyncadd.s32 $0xFFFFC000  }
0x2f9: {  	s19 =	stileid.u32;
	[bflag:$0x0] =	sbarrier.arrive $0xFFFF  }
0x2fa: {  	s18 =	sshll.u32 s19, $0x6;
	s20 =	rddreg [dreg:$0x14]  }
0x2fb: {  	s18 =	sor.u32 $0x1C04, s18;
	s2 =	rddreg [dreg:$0x12];
	s28 =	sshrl.u32 s20, $0x3  }
0x2fc: {  	[hbm:s2], [sflag:s18] =	dma.local [spmem:s28], $0x2800  }
0x2fd: {  	_ =	swait.ge [sflag:s31], $0x2800  }
0x2fe: {  	s17 =	sadd.s32 $0x1, s17;
	s28 =	rddreg [dreg:$0x13]  }
0x2ff: {  	p0 =	sne.s32 s17, s28  }
.Ltmp1:
0x300: {  	_ = 	snop;
	(pc) =	sbr.rel @p0 .LBB2_1-.Ltmp1, $3  }
0x301: {  	_ =	sdelay $0x1  }
0x302: {  	[sflag:s31] =	ssyncset.done $0x0  }
0x303: {  	[sflag:s31] =	ssyncadd.s32 $0xFFFFD800  }
0x304: {  	_ =	sfence.sel $0x180000  }
0x305: {  	[bflag:$0x0] =	sbarrier.arrive $0xFFFF  }
0x306: {  	_ =	strace $0x9000004A  }
0x307: {  	s0 =	stileid.u32;
	[bflag:$0x2] =	sbarrier.arrive $0xFFFF  }
0x308: {  	p0 =	sne.s32 s0, $0x0;
	s0 =	rddreg [dreg:$0x3]  }
0x309: {  	s0 =	sadd.s32 @!p0 $0x100000, s0  }
0x30a: {  	[sflag:s0] =	ssyncadd.tile.s32 @!p0 $0x1;
	_ =	shalt  }
.Lfunc_end2:
_tile_overlayer_lowered:
.L_overlay_start_2:
0x30b: {  	(tag) =	ssettag $0x2  }
0x30c: {  	s0 =	rddreg [dreg:$0x0];
	s2 =	stileid.u32  }
0x30d: {  	s1 =	rddreg [dreg:$0x1];
	p0 =	sne.s32 s2, $0x0  }
0x30e: {  	s3 =	rddreg [dreg:$0x2];
	[bflag:$0x3] =	sbarrier.arrive $0xFFFF;
	s2 =	simm.s32 @!p0 $0x1C04  }
0x30f: {  	[timem:s3], [sflag:s2] =	dma.local @!p0 [hbm:s0], s1  }
0x310: {  	s0 =	simm.s32 @!p0 $0x4  }
0x311: {  	_ =	swait.ge @!p0 [sflag:s0], s1  }
0x312: {  	s1 =	ssub.s32 @!p0 $0x0, s1;
	[sflag:s0] =	ssyncset.done @!p0 $0x0  }
0x313: {  	[sflag:s0] =	ssyncadd.s32 @!p0 s1  }
0x314: {  	[bflag:$0x3] =	sbarrier.arrive $0xFFFF  }
0x315: {  	_ =	shalt  }

</sc_bundles>
